<compile_context>
chip_gen: v7x
topology: tpu7x:2x2x1
jax: 0.10.2.dev20260603
libtpu: 0.0.44.dev20260713+nightly
codegen_flags: <defaults>
</compile_context>

<pallas_src>
import functools

import jax
import jax.numpy as jnp
from jax import lax
from jax.experimental import pallas as pl
from jax.experimental.pallas import tpu as pltpu
from jax.experimental.pallas import tpu_sc as plsc

N_NODES = 10000
D = 128
NC = 2
NS = 16
NW = NC * NS
CHUNK = 125
CPT = 80
EPT = CPT * CHUNK
N_PAD = 10240
RPT = N_PAD // NS
HA = 64
HB = CHUNK - HA

_mesh = plsc.VectorSubcoreMesh(core_axis_name="c", subcore_axis_name="s")


@functools.partial(
    pl.kernel,
    mesh=_mesh,
    out_type=jax.ShapeDtypeStruct((NC, N_PAD), jnp.float32),
    scratch_types=[
        pltpu.VMEM((CPT, CHUNK), jnp.int32),
        pltpu.VMEM((128,), jnp.float32),
        pltpu.VMEM((RPT,), jnp.float32),
        pltpu.VMEM_SHARED((N_PAD,), jnp.float32),
        pltpu.SemaphoreType.DMA,
        pltpu.SemaphoreType.DMA,
    ],
)
def _deg_call(dst_hbm, out_hbm, didx_all, ones_v, zero_v, deg_sh, ss0, ss1):
    c = lax.axis_index("c")
    s = lax.axis_index("s")
    wid = s * NC + c
    ss = (ss0, ss1)

    def _fill_zero(i, _):
        zero_v[pl.ds(i * 16, 16)] = jnp.zeros((16,), jnp.float32)
        return 0

    lax.fori_loop(0, RPT // 16, _fill_zero, 0)

    def _fill_one(i, _):
        ones_v[pl.ds(i * 16, 16)] = jnp.ones((16,), jnp.float32)
        return 0

    lax.fori_loop(0, 128 // 16, _fill_one, 0)

    pltpu.sync_copy(zero_v, deg_sh.at[pl.ds(s * RPT, RPT)])
    pltpu.sync_copy(dst_hbm.at[wid], didx_all)
    plsc.subcore_barrier()

    def _scat(j, q):
        return pltpu.make_async_copy(
            ones_v.at[pl.ds(0, CHUNK)],
            deg_sh.at[didx_all.at[j]], ss[q])

    _scat(0, 0).start(add=True)
    _scat(1, 1).start(add=True)

    def _body(i, _):
        j0 = 2 * i
        _scat(j0 - 2, 0).wait()
        _scat(j0, 0).start(add=True)
        _scat(j0 - 1, 1).wait()
        _scat(j0 + 1, 1).start(add=True)
        return 0

    lax.fori_loop(1, CPT // 2, _body, 0)
    _scat(CPT - 2, 0).wait()
    _scat(CPT - 1, 1).wait()

    plsc.subcore_barrier()
    pltpu.sync_copy(deg_sh.at[pl.ds(s * RPT, RPT)],
                    out_hbm.at[c, pl.ds(s * RPT, RPT)])


@functools.partial(
    pl.kernel,
    mesh=_mesh,
    out_type=jax.ShapeDtypeStruct((NC, N_PAD, D), jnp.float32),
    scratch_types=[
        pltpu.VMEM((CHUNK,), jnp.int32),
        pltpu.VMEM((CHUNK,), jnp.int32),
        pltpu.VMEM((CHUNK,), jnp.int32),
        pltpu.VMEM((CHUNK,), jnp.int32),
        pltpu.VMEM((CHUNK,), jnp.int32),
        pltpu.VMEM((CHUNK,), jnp.int32),
        pltpu.VMEM((128, D), jnp.float32),
        pltpu.VMEM((128, D), jnp.float32),
        pltpu.VMEM_SHARED((N_PAD, D), jnp.float32),
        pltpu.SemaphoreType.DMA,
        pltpu.SemaphoreType.DMA,
        pltpu.SemaphoreType.DMA,
        pltpu.SemaphoreType.DMA,
        pltpu.SemaphoreType.DMA,
        pltpu.SemaphoreType.DMA,
        pltpu.SemaphoreType.DMA,
        pltpu.SemaphoreType.DMA,
        pltpu.SemaphoreType.DMA,
        pltpu.SemaphoreType.DMA,
        pltpu.SemaphoreType.DMA,
    ],
)
def _agg_call(src_hbm, dst_hbm, h_hbm, out_hbm, sid0, sid1, sid2,
              did0, did1, did2, rows0, rows1, agg_sh,
              si0, si1, si2, sg0, sg1, sh0, sh1, ss0, ss1, st0, st1):
    c = lax.axis_index("c")
    s = lax.axis_index("s")
    wid = s * NC + c
    sid = (sid0, sid1, sid2)
    did = (did0, did1, did2)
    rows = (rows0, rows1)
    si = (si0, si1, si2)
    sg = (sg0, sg1)
    sh = (sh0, sh1)
    ss = (ss0, ss1)
    st = (st0, st1)

    def _zrow(i, _):
        def _zcol(k, _):
            rows0[i, pl.ds(k * 16, 16)] = jnp.zeros((16,), jnp.float32)
            return 0
        return lax.fori_loop(0, D // 16, _zcol, 0)

    lax.fori_loop(0, 128, _zrow, 0)
    for t in range(RPT // 128):
        pltpu.sync_copy(rows0, agg_sh.at[pl.ds(s * RPT + t * 128, 128)])
    plsc.subcore_barrier()

    def _idx_start(j, r):
        pltpu.async_copy(src_hbm.at[wid, j], sid[r], si[r])
        pltpu.async_copy(dst_hbm.at[wid, j], did[r], si[r])

    def _idx_wait(j, r):
        pltpu.make_async_copy(src_hbm.at[wid, j], sid[r], si[r]).wait()
        pltpu.make_async_copy(dst_hbm.at[wid, j], did[r], si[r]).wait()

    def _gat_a(q, r):
        return pltpu.make_async_copy(
            h_hbm.at[sid[r].at[pl.ds(0, HA)]],
            rows[q].at[pl.ds(0, HA)], sg[q])

    def _gat_b(q, r):
        return pltpu.make_async_copy(
            h_hbm.at[sid[r].at[pl.ds(HA, HB)]],
            rows[q].at[pl.ds(HA, HB)], sh[q])

    def _gat_start(q, r):
        _gat_a(q, r).start()
        _gat_b(q, r).start()

    def _gat_wait(q, r):
        _gat_a(q, r).wait()
        _gat_b(q, r).wait()

    def _scat_a(q, r):
        return pltpu.make_async_copy(
            rows[q].at[pl.ds(0, HA)],
            agg_sh.at[did[r].at[pl.ds(0, HA)]], ss[q])

    def _scat_b(q, r):
        return pltpu.make_async_copy(
            rows[q].at[pl.ds(HA, HB)],
            agg_sh.at[did[r].at[pl.ds(HA, HB)]], st[q])

    def _step(j, q, r, first=False):
        _gat_wait(q, r)
        _scat_a(q, r).start(add=True)
        _scat_b(q, r).start(add=True)
        if not first:
            _scat_a(1 - q, (r + 2) % 3).wait()
            _scat_b(1 - q, (r + 2) % 3).wait()
        pl.when(j + 2 < CPT)(lambda: _idx_start(j + 2, (r + 2) % 3))

        def _fire_gather():
            _idx_wait(j + 1, (r + 1) % 3)
            _gat_start(1 - q, (r + 1) % 3)

        pl.when(j + 1 < CPT)(_fire_gather)

    _idx_start(0, 0)
    _idx_start(1, 1)
    _idx_wait(0, 0)
    _gat_start(0, 0)

    _step(0, 0, 0, first=True)
    _step(1, 1, 1)

    def _body(i, _):
        for k in range(6):
            _step(6 * i + 2 + k, k % 2, (2 + k) % 3)
        return 0

    lax.fori_loop(0, (CPT - 2) // 6, _body, 0)
    _scat_a((CPT - 1) % 2, (CPT - 1) % 3).wait()
    _scat_b((CPT - 1) % 2, (CPT - 1) % 3).wait()

    plsc.subcore_barrier()
    pltpu.sync_copy(agg_sh.at[pl.ds(s * RPT, RPT)],
                    out_hbm.at[c, pl.ds(s * RPT, RPT)])


_BLK = 1000


def _norm_h_body(deg_ref, feat_ref, w2_ref, bias_ref, h_ref, norm_ref, fb_ref):
    d = (deg_ref[0] + deg_ref[1])[:, None]
    nrm = jnp.where(d == 0.0, 1.0, lax.rsqrt(jnp.maximum(d, 1.0)))
    norm_ref[...] = nrm
    feat = feat_ref[...]
    h_ref[...] = feat * nrm
    fb_ref[...] = (
        jnp.dot(feat, w2_ref[...], preferred_element_type=jnp.float32)
        + bias_ref[...]
    )


def _norm_h_call(deg_parts, feat, w2, bias2):
    blk = 1280
    grid = (N_PAD // blk,)
    return pl.pallas_call(
        _norm_h_body,
        grid=grid,
        in_specs=[
            pl.BlockSpec((NC, blk), lambda i: (0, i)),
            pl.BlockSpec((blk, D), lambda i: (i, 0)),
            pl.BlockSpec((D, D), lambda i: (0, 0)),
            pl.BlockSpec((1, D), lambda i: (0, 0)),
        ],
        out_specs=[
            pl.BlockSpec((blk, D), lambda i: (i, 0)),
            pl.BlockSpec((blk, 1), lambda i: (i, 0)),
            pl.BlockSpec((blk, D), lambda i: (i, 0)),
        ],
        out_shape=[
            jax.ShapeDtypeStruct((N_NODES, D), jnp.float32),
            jax.ShapeDtypeStruct((N_NODES, 1), jnp.float32),
            jax.ShapeDtypeStruct((N_NODES, D), jnp.float32),
        ],
    )(deg_parts, feat, w2, bias2)


def _final_body(agg_ref, fb_ref, norm_ref, w1_ref, out_ref):
    agg = agg_ref[0] + agg_ref[1]
    rst = agg * norm_ref[...]
    out_ref[...] = (
        jnp.dot(rst, w1_ref[...], preferred_element_type=jnp.float32)
        + fb_ref[...]
    )


def _final_call(agg_parts, fb, norm, w1):
    grid = (N_NODES // _BLK,)
    return pl.pallas_call(
        _final_body,
        grid=grid,
        in_specs=[
            pl.BlockSpec((NC, _BLK, D), lambda i: (0, i, 0)),
            pl.BlockSpec((_BLK, D), lambda i: (i, 0)),
            pl.BlockSpec((_BLK, 1), lambda i: (i, 0)),
            pl.BlockSpec((D, D), lambda i: (0, 0)),
        ],
        out_specs=pl.BlockSpec((_BLK, D), lambda i: (i, 0)),
        out_shape=jax.ShapeDtypeStruct((N_NODES, D), jnp.float32),
    )(agg_parts, fb, norm, w1)


def kernel(feat, edge_index, weight, bias):
    src3 = edge_index[0].reshape(NW, CPT, CHUNK)
    dst3 = edge_index[1].reshape(NW, CPT, CHUNK)
    deg_parts = _deg_call(dst3)
    h, norm, fb = _norm_h_call(deg_parts, feat, weight[D:], bias.reshape(1, D))
    agg_parts = _agg_call(src3, dst3, h)
    return _final_call(agg_parts, fb, norm, weight[:D])

# --- scband reference (transcript-rebuilt; emitter-appended) ---
"""Pipeline reference for scband-graph-conv-2353642078695 (READ-ONLY COPY).

The authoritative reference and input builder live on the scoring server;
editing this copy changes nothing except your own understanding.
"""

import jax, jax.numpy as jnp
import numpy as np

N = 10000
E = 320000
D = 128

def setup_inputs(seed: int = 0) -> dict:
    key = jax.random.key(seed)
    k1, k2, k3 = jax.random.split(key, 3)
    feat = jax.random.normal(k1, (N, D), dtype=jnp.float32)
    edge_index = jax.random.randint(k2, (2, E), 0, N, dtype=jnp.int32)
    # xavier_uniform for weight [2*D, D] (jump=True doubles in_feats)
    fan_in, fan_out = 2 * D, D
    limit = float(np.sqrt(6.0 / (fan_in + fan_out)))
    weight = jax.random.uniform(k3, (2 * D, D), minval=-limit, maxval=limit, dtype=jnp.float32)
    bias = jnp.zeros((D,), dtype=jnp.float32)
    return {"feat": feat, "edge_index": edge_index, "weight": weight, "bias": bias}

def reference(feat, edge_index, weight, bias):
    n = feat.shape[0]
    src = edge_index[0]
    dst = edge_index[1]
    # in-degrees: number of incoming edges per node (messages flow src -> dst)
    deg = jnp.zeros((n,), dtype=jnp.float32).at[dst].add(1.0)
    norm = jnp.where(deg == 0, 1.0, jnp.power(jnp.maximum(deg, 1.0), -0.5))
    _feat = feat  # jump connection keeps un-normalized input
    h = feat * norm[:, None]
    # update_all(copy_src, sum): gather from src, scatter-add into dst
    agg = jax.ops.segment_sum(h[src], dst, num_segments=n)
    rst = agg * norm[:, None]
    rst = jnp.concatenate([rst, _feat], axis=-1)
    rst = jnp.matmul(rst, weight) + bias
    return rst

if __name__ == "__main__":
    import jax
    _d = setup_inputs()
    print(jax.jit(kernel)(*tuple(_d.values())))

</pallas_src>

<mosaic_0001>
#map = affine_map<(d0, d1) -> (0, 0, 0)>
#map1 = affine_map<(d0, d1) -> (0, 0)>
module attributes {stable_mosaic.version = 14 : i64} {
  func.func @_deg_call(%arg0: i32, %arg1: i32, %arg2: memref<32x80x125xi32, #tpu.memory_space<hbm>>, %arg3: memref<2x10240xf32, #tpu.memory_space<hbm>>, %arg4: memref<80x125xi32, #tpu.memory_space<vmem>>, %arg5: memref<128xf32, #tpu.memory_space<vmem>>, %arg6: memref<640xf32, #tpu.memory_space<vmem>>, %arg7: memref<10240xf32, #tpu.memory_space<vmem_shared>>, %arg8: memref<!tpu.dma_semaphore, #tpu.memory_space<semaphore_mem>>, %arg9: memref<!tpu.dma_semaphore, #tpu.memory_space<semaphore_mem>>) attributes {dimension_semantics = [#tpu.dimension_semantics<core_parallel>, #tpu.dimension_semantics<subcore_parallel>], iteration_bounds = array<i64: 2, 16>, scalar_prefetch = 0 : i64, scratch_operands = 6 : i64, tpu.core_type = #tpu.core_type<sc_vector_subcore>, window_params = [{transform_indices = #map}, {transform_indices = #map1}]} {
    %mul3A = arith.constant 2 : i32
    %mul3A_0 = arith.muli %arg1, %mul3A : i32
    %add3A = arith.addi %mul3A_0, %arg0 : i32
    %scan3A = arith.constant 0 : i32
    %scan3A_1 = arith.constant 0 : i32
    %scan3A_2 = arith.constant 40 : i32
    %scan3A_3 = arith.addi %scan3A_1, %scan3A_2 : i32
    %scan3A_4 = arith.constant 1 : i32
    %scan3A_5 = scf.for %scan3A_58 = %scan3A_1 to %scan3A_3 step %scan3A_4 iter_args(%scan3A_59 = %scan3A) -> (i32)  : i32 {
      %broadcast_in_dim3A = arith.constant 0.000000e+00 : f32
      %broadcast_in_dim3A_60 = vector.broadcast %broadcast_in_dim3A : f32 to vector<16xf32>
      %mul3A_61 = arith.constant 16 : i32
      %mul3A_62 = arith.muli %scan3A_58, %mul3A_61 : i32
      %swap3A = arith.index_cast %mul3A_62 : i32 to index
      %swap3A_63 = tpu.vector_load %arg6[%swap3A] {strides = array<i32>} : memref<640xf32, #tpu.memory_space<vmem>>, vector<16xf32>,
      %swap3A_64 = vector.shape_cast %swap3A_63 : vector<16xf32> to vector<16xf32>
      %swap3A_65 = vector.shape_cast %broadcast_in_dim3A_60 : vector<16xf32> to vector<16xf32>
      tpu.vector_store %arg6[%swap3A], %swap3A_65 {strides = array<i32>} : memref<640xf32, #tpu.memory_space<vmem>>, vector<16xf32>,
      %scan3A_66 = arith.constant 0 : i32
      scf.yield %scan3A_66 : i32
    }
    %scan3A_6 = arith.constant 40 : i32
    %scan3A_7 = arith.constant 0 : i32
    %scan3A_8 = arith.constant 0 : i32
    %scan3A_9 = arith.constant 8 : i32
    %scan3A_10 = arith.addi %scan3A_8, %scan3A_9 : i32
    %scan3A_11 = arith.constant 1 : i32
    %scan3A_12 = scf.for %scan3A_58 = %scan3A_8 to %scan3A_10 step %scan3A_11 iter_args(%scan3A_59 = %scan3A_7) -> (i32)  : i32 {
      %broadcast_in_dim3A = arith.constant 1.000000e+00 : f32
      %broadcast_in_dim3A_60 = vector.broadcast %broadcast_in_dim3A : f32 to vector<16xf32>
      %mul3A_61 = arith.constant 16 : i32
      %mul3A_62 = arith.muli %scan3A_58, %mul3A_61 : i32
      %swap3A = arith.index_cast %mul3A_62 : i32 to index
      %swap3A_63 = tpu.vector_load %arg5[%swap3A] {strides = array<i32>} : memref<128xf32, #tpu.memory_space<vmem>>, vector<16xf32>,
      %swap3A_64 = vector.shape_cast %swap3A_63 : vector<16xf32> to vector<16xf32>
      %swap3A_65 = vector.shape_cast %broadcast_in_dim3A_60 : vector<16xf32> to vector<16xf32>
      tpu.vector_store %arg5[%swap3A], %swap3A_65 {strides = array<i32>} : memref<128xf32, #tpu.memory_space<vmem>>, vector<16xf32>,
      %scan3A_66 = arith.constant 0 : i32
      scf.yield %scan3A_66 : i32
    }
    %scan3A_13 = arith.constant 8 : i32
    %mul3A_14 = arith.constant 640 : i32
    %mul3A_15 = arith.muli %arg1, %mul3A_14 : i32
    "tpu.region"() ({
      %run_scoped3A = tpu.sem_alloc : memref<!tpu.dma_semaphore, #tpu.memory_space<semaphore_mem>>
      %dma_start3A_58 = tpu.memref_slice %arg7[%mul3A_15] : memref<10240xf32, #tpu.memory_space<vmem_shared>> -> memref<640xf32, #tpu.memory_space<vmem_shared>>
      %dma_start3A_59 = tpu.memref_slice %arg7[%mul3A_15] : memref<10240xf32, #tpu.memory_space<vmem_shared>> -> memref<640xf32, #tpu.memory_space<vmem_shared>>
      tpu.enqueue_dma source(%arg6 : memref<640xf32, #tpu.memory_space<vmem>>) target(%dma_start3A_59 : memref<640xf32, #tpu.memory_space<vmem_shared>>) target_semaphore(%run_scoped3A : memref<!tpu.dma_semaphore, #tpu.memory_space<semaphore_mem>>)
      %dma_wait3A_60 = tpu.memref_slice %arg7[%mul3A_15] : memref<10240xf32, #tpu.memory_space<vmem_shared>> -> memref<640xf32, #tpu.memory_space<vmem_shared>>
      %dma_wait3A_61 = tpu.memref_slice %arg7[%mul3A_15] : memref<10240xf32, #tpu.memory_space<vmem_shared>> -> memref<640xf32, #tpu.memory_space<vmem_shared>>
      tpu.wait_dma2 semaphore(%run_scoped3A : memref<!tpu.dma_semaphore, #tpu.memory_space<semaphore_mem>>) src(%arg6 : memref<640xf32, #tpu.memory_space<vmem>>) dst(%dma_wait3A_61 : memref<640xf32, #tpu.memory_space<vmem_shared>>)
      tpu.yield
    }) : () -> ()
    "tpu.region"() ({
      %run_scoped3A = tpu.sem_alloc : memref<!tpu.dma_semaphore, #tpu.memory_space<semaphore_mem>>
      %dma_start3A_58 = arith.constant 0 : i32
      %dma_start3A_59 = arith.constant 0 : i32
      %dma_start3A_60 = tpu.memref_slice %arg2[%add3A, %dma_start3A_58, %dma_start3A_59] : memref<32x80x125xi32, #tpu.memory_space<hbm>> -> memref<1x80x125xi32, #tpu.memory_space<hbm>>
      %dma_start3A_61 = tpu.memref_squeeze %dma_start3A_60 : memref<1x80x125xi32, #tpu.memory_space<hbm>> -> memref<80x125xi32, #tpu.memory_space<hbm>>
      %dma_start3A_62 = arith.constant 0 : i32
      %dma_start3A_63 = arith.constant 0 : i32
      %dma_start3A_64 = tpu.memref_slice %arg2[%add3A, %dma_start3A_62, %dma_start3A_63] : memref<32x80x125xi32, #tpu.memory_space<hbm>> -> memref<1x80x125xi32, #tpu.memory_space<hbm>>
      %dma_start3A_65 = tpu.memref_squeeze %dma_start3A_64 : memref<1x80x125xi32, #tpu.memory_space<hbm>> -> memref<80x125xi32, #tpu.memory_space<hbm>>
      tpu.enqueue_dma source(%dma_start3A_65 : memref<80x125xi32, #tpu.memory_space<hbm>>) target(%arg4 : memref<80x125xi32, #tpu.memory_space<vmem>>) target_semaphore(%run_scoped3A : memref<!tpu.dma_semaphore, #tpu.memory_space<semaphore_mem>>)
      %dma_wait3A_66 = arith.constant 0 : i32
      %dma_wait3A_67 = arith.constant 0 : i32
      %dma_wait3A_68 = tpu.memref_slice %arg2[%add3A, %dma_wait3A_66, %dma_wait3A_67] : memref<32x80x125xi32, #tpu.memory_space<hbm>> -> memref<1x80x125xi32, #tpu.memory_space<hbm>>
      %dma_wait3A_69 = tpu.memref_squeeze %dma_wait3A_68 : memref<1x80x125xi32, #tpu.memory_space<hbm>> -> memref<80x125xi32, #tpu.memory_space<hbm>>
      %dma_wait3A_70 = arith.constant 0 : i32
      %dma_wait3A_71 = arith.constant 0 : i32
      %dma_wait3A_72 = tpu.memref_slice %arg2[%add3A, %dma_wait3A_70, %dma_wait3A_71] : memref<32x80x125xi32, #tpu.memory_space<hbm>> -> memref<1x80x125xi32, #tpu.memory_space<hbm>>
      %dma_wait3A_73 = tpu.memref_squeeze %dma_wait3A_72 : memref<1x80x125xi32, #tpu.memory_space<hbm>> -> memref<80x125xi32, #tpu.memory_space<hbm>>
      tpu.wait_dma2 semaphore(%run_scoped3A : memref<!tpu.dma_semaphore, #tpu.memory_space<semaphore_mem>>) src(%dma_wait3A_73 : memref<80x125xi32, #tpu.memory_space<hbm>>) dst(%arg4 : memref<80x125xi32, #tpu.memory_space<vmem>>)
      tpu.yield
    }) : () -> ()
    %barrier3A = arith.constant 0 : index
    tpu.barrier barrier_id(%barrier3A)
    %dma_start3A = arith.constant 0 : i32
    %dma_start3A_16 = arith.constant 0 : i32
    %dma_start3A_17 = tpu.memref_slice %arg5[%dma_start3A_16] : memref<128xf32, #tpu.memory_space<vmem>> -> memref<125xf32, #tpu.memory_space<vmem>>
    %dma_start3A_18 = arith.constant 0 : i32
    %dma_start3A_19 = tpu.memref_slice %arg4[%dma_start3A, %dma_start3A_18] : memref<80x125xi32, #tpu.memory_space<vmem>> -> memref<1x125xi32, #tpu.memory_space<vmem>>
    %dma_start3A_20 = tpu.memref_squeeze %dma_start3A_19 : memref<1x125xi32, #tpu.memory_space<vmem>> -> memref<125xi32, #tpu.memory_space<vmem>>
    %dma_start3A_21 = arith.constant 0 : i32
    %dma_start3A_22 = tpu.memref_slice %arg7[%dma_start3A_21] : memref<10240xf32, #tpu.memory_space<vmem_shared>> -> memref<10240xf32, #tpu.memory_space<vmem_shared>>
    tpu.enqueue_indirect_dma source(%dma_start3A_17 : memref<125xf32, #tpu.memory_space<vmem>>) target(%dma_start3A_22 : memref<10240xf32, #tpu.memory_space<vmem_shared>>) offsets(%dma_start3A_20 : memref<125xi32, #tpu.memory_space<vmem>>) semaphore(%arg8 : memref<!tpu.dma_semaphore, #tpu.memory_space<semaphore_mem>>) {add = true}
    %dma_start3A_23 = arith.constant 1 : i32
    %dma_start3A_24 = arith.constant 0 : i32
    %dma_start3A_25 = tpu.memref_slice %arg5[%dma_start3A_24] : memref<128xf32, #tpu.memory_space<vmem>> -> memref<125xf32, #tpu.memory_space<vmem>>
    %dma_start3A_26 = arith.constant 0 : i32
    %dma_start3A_27 = tpu.memref_slice %arg4[%dma_start3A_23, %dma_start3A_26] : memref<80x125xi32, #tpu.memory_space<vmem>> -> memref<1x125xi32, #tpu.memory_space<vmem>>
    %dma_start3A_28 = tpu.memref_squeeze %dma_start3A_27 : memref<1x125xi32, #tpu.memory_space<vmem>> -> memref<125xi32, #tpu.memory_space<vmem>>
    %dma_start3A_29 = arith.constant 0 : i32
    %dma_start3A_30 = tpu.memref_slice %arg7[%dma_start3A_29] : memref<10240xf32, #tpu.memory_space<vmem_shared>> -> memref<10240xf32, #tpu.memory_space<vmem_shared>>
    tpu.enqueue_indirect_dma source(%dma_start3A_25 : memref<125xf32, #tpu.memory_space<vmem>>) target(%dma_start3A_30 : memref<10240xf32, #tpu.memory_space<vmem_shared>>) offsets(%dma_start3A_28 : memref<125xi32, #tpu.memory_space<vmem>>) semaphore(%arg9 : memref<!tpu.dma_semaphore, #tpu.memory_space<semaphore_mem>>) {add = true}
    %scan3A_31 = arith.constant 0 : i32
    %scan3A_32 = arith.constant 1 : i32
    %scan3A_33 = arith.constant 39 : i32
    %scan3A_34 = arith.addi %scan3A_32, %scan3A_33 : i32
    %scan3A_35 = arith.constant 1 : i32
    %scan3A_36 = scf.for %scan3A_58 = %scan3A_32 to %scan3A_34 step %scan3A_35 iter_args(%scan3A_59 = %scan3A_31) -> (i32)  : i32 {
      %mul3A_60 = arith.constant 2 : i32
      %mul3A_61 = arith.muli %mul3A_60, %scan3A_58 : i32
      %sub3A = arith.constant 2 : i32
      %sub3A_62 = arith.subi %mul3A_61, %sub3A : i32
      %dma_wait3A_63 = arith.constant 0 : i32
      %dma_wait3A_64 = tpu.memref_slice %arg5[%dma_wait3A_63] : memref<128xf32, #tpu.memory_space<vmem>> -> memref<125xf32, #tpu.memory_space<vmem>>
      %dma_wait3A_65 = arith.constant 0 : i32
      %dma_wait3A_66 = tpu.memref_slice %arg4[%sub3A_62, %dma_wait3A_65] : memref<80x125xi32, #tpu.memory_space<vmem>> -> memref<1x125xi32, #tpu.memory_space<vmem>>
      %dma_wait3A_67 = tpu.memref_squeeze %dma_wait3A_66 : memref<1x125xi32, #tpu.memory_space<vmem>> -> memref<125xi32, #tpu.memory_space<vmem>>
      %dma_wait3A_68 = arith.constant 0 : i32
      %dma_wait3A_69 = tpu.memref_slice %arg7[%dma_wait3A_68] : memref<10240xf32, #tpu.memory_space<vmem_shared>> -> memref<10240xf32, #tpu.memory_space<vmem_shared>>
      tpu.wait_indirect_dma semaphore(%arg8 : memref<!tpu.dma_semaphore, #tpu.memory_space<semaphore_mem>>) src(%dma_wait3A_64 : memref<125xf32, #tpu.memory_space<vmem>>) dst(%dma_wait3A_69 : memref<10240xf32, #tpu.memory_space<vmem_shared>>)
      %dma_start3A_70 = arith.constant 0 : i32
      %dma_start3A_71 = tpu.memref_slice %arg5[%dma_start3A_70] : memref<128xf32, #tpu.memory_space<vmem>> -> memref<125xf32, #tpu.memory_space<vmem>>
      %dma_start3A_72 = arith.constant 0 : i32
      %dma_start3A_73 = tpu.memref_slice %arg4[%mul3A_61, %dma_start3A_72] : memref<80x125xi32, #tpu.memory_space<vmem>> -> memref<1x125xi32, #tpu.memory_space<vmem>>
      %dma_start3A_74 = tpu.memref_squeeze %dma_start3A_73 : memref<1x125xi32, #tpu.memory_space<vmem>> -> memref<125xi32, #tpu.memory_space<vmem>>
      %dma_start3A_75 = arith.constant 0 : i32
      %dma_start3A_76 = tpu.memref_slice %arg7[%dma_start3A_75] : memref<10240xf32, #tpu.memory_space<vmem_shared>> -> memref<10240xf32, #tpu.memory_space<vmem_shared>>
      tpu.enqueue_indirect_dma source(%dma_start3A_71 : memref<125xf32, #tpu.memory_space<vmem>>) target(%dma_start3A_76 : memref<10240xf32, #tpu.memory_space<vmem_shared>>) offsets(%dma_start3A_74 : memref<125xi32, #tpu.memory_space<vmem>>) semaphore(%arg8 : memref<!tpu.dma_semaphore, #tpu.memory_space<semaphore_mem>>) {add = true}
      %sub3A_77 = arith.constant 1 : i32
      %sub3A_78 = arith.subi %mul3A_61, %sub3A_77 : i32
      %dma_wait3A_79 = arith.constant 0 : i32
      %dma_wait3A_80 = tpu.memref_slice %arg5[%dma_wait3A_79] : memref<128xf32, #tpu.memory_space<vmem>> -> memref<125xf32, #tpu.memory_space<vmem>>
      %dma_wait3A_81 = arith.constant 0 : i32
      %dma_wait3A_82 = tpu.memref_slice %arg4[%sub3A_78, %dma_wait3A_81] : memref<80x125xi32, #tpu.memory_space<vmem>> -> memref<1x125xi32, #tpu.memory_space<vmem>>
      %dma_wait3A_83 = tpu.memref_squeeze %dma_wait3A_82 : memref<1x125xi32, #tpu.memory_space<vmem>> -> memref<125xi32, #tpu.memory_space<vmem>>
      %dma_wait3A_84 = arith.constant 0 : i32
      %dma_wait3A_85 = tpu.memref_slice %arg7[%dma_wait3A_84] : memref<10240xf32, #tpu.memory_space<vmem_shared>> -> memref<10240xf32, #tpu.memory_space<vmem_shared>>
      tpu.wait_indirect_dma semaphore(%arg9 : memref<!tpu.dma_semaphore, #tpu.memory_space<semaphore_mem>>) src(%dma_wait3A_80 : memref<125xf32, #tpu.memory_space<vmem>>) dst(%dma_wait3A_85 : memref<10240xf32, #tpu.memory_space<vmem_shared>>)
      %add3A_86 = arith.constant 1 : i32
      %add3A_87 = arith.addi %mul3A_61, %add3A_86 : i32
      %dma_start3A_88 = arith.constant 0 : i32
      %dma_start3A_89 = tpu.memref_slice %arg5[%dma_start3A_88] : memref<128xf32, #tpu.memory_space<vmem>> -> memref<125xf32, #tpu.memory_space<vmem>>
      %dma_start3A_90 = arith.constant 0 : i32
      %dma_start3A_91 = tpu.memref_slice %arg4[%add3A_87, %dma_start3A_90] : memref<80x125xi32, #tpu.memory_space<vmem>> -> memref<1x125xi32, #tpu.memory_space<vmem>>
      %dma_start3A_92 = tpu.memref_squeeze %dma_start3A_91 : memref<1x125xi32, #tpu.memory_space<vmem>> -> memref<125xi32, #tpu.memory_space<vmem>>
      %dma_start3A_93 = arith.constant 0 : i32
      %dma_start3A_94 = tpu.memref_slice %arg7[%dma_start3A_93] : memref<10240xf32, #tpu.memory_space<vmem_shared>> -> memref<10240xf32, #tpu.memory_space<vmem_shared>>
      tpu.enqueue_indirect_dma source(%dma_start3A_89 : memref<125xf32, #tpu.memory_space<vmem>>) target(%dma_start3A_94 : memref<10240xf32, #tpu.memory_space<vmem_shared>>) offsets(%dma_start3A_92 : memref<125xi32, #tpu.memory_space<vmem>>) semaphore(%arg9 : memref<!tpu.dma_semaphore, #tpu.memory_space<semaphore_mem>>) {add = true}
      %scan3A_95 = arith.constant 0 : i32
      scf.yield %scan3A_95 : i32
    }
    %scan3A_37 = arith.constant 39 : i32
    %dma_wait3A = arith.constant 78 : i32
    %dma_wait3A_38 = arith.constant 0 : i32
    %dma_wait3A_39 = tpu.memref_slice %arg5[%dma_wait3A_38] : memref<128xf32, #tpu.memory_space<vmem>> -> memref<125xf32, #tpu.memory_space<vmem>>
    %dma_wait3A_40 = arith.constant 0 : i32
    %dma_wait3A_41 = tpu.memref_slice %arg4[%dma_wait3A, %dma_wait3A_40] : memref<80x125xi32, #tpu.memory_space<vmem>> -> memref<1x125xi32, #tpu.memory_space<vmem>>
    %dma_wait3A_42 = tpu.memref_squeeze %dma_wait3A_41 : memref<1x125xi32, #tpu.memory_space<vmem>> -> memref<125xi32, #tpu.memory_space<vmem>>
    %dma_wait3A_43 = arith.constant 0 : i32
    %dma_wait3A_44 = tpu.memref_slice %arg7[%dma_wait3A_43] : memref<10240xf32, #tpu.memory_space<vmem_shared>> -> memref<10240xf32, #tpu.memory_space<vmem_shared>>
    tpu.wait_indirect_dma semaphore(%arg8 : memref<!tpu.dma_semaphore, #tpu.memory_space<semaphore_mem>>) src(%dma_wait3A_39 : memref<125xf32, #tpu.memory_space<vmem>>) dst(%dma_wait3A_44 : memref<10240xf32, #tpu.memory_space<vmem_shared>>)
    %dma_wait3A_45 = arith.constant 79 : i32
    %dma_wait3A_46 = arith.constant 0 : i32
    %dma_wait3A_47 = tpu.memref_slice %arg5[%dma_wait3A_46] : memref<128xf32, #tpu.memory_space<vmem>> -> memref<125xf32, #tpu.memory_space<vmem>>
    %dma_wait3A_48 = arith.constant 0 : i32
    %dma_wait3A_49 = tpu.memref_slice %arg4[%dma_wait3A_45, %dma_wait3A_48] : memref<80x125xi32, #tpu.memory_space<vmem>> -> memref<1x125xi32, #tpu.memory_space<vmem>>
    %dma_wait3A_50 = tpu.memref_squeeze %dma_wait3A_49 : memref<1x125xi32, #tpu.memory_space<vmem>> -> memref<125xi32, #tpu.memory_space<vmem>>
    %dma_wait3A_51 = arith.constant 0 : i32
    %dma_wait3A_52 = tpu.memref_slice %arg7[%dma_wait3A_51] : memref<10240xf32, #tpu.memory_space<vmem_shared>> -> memref<10240xf32, #tpu.memory_space<vmem_shared>>
    tpu.wait_indirect_dma semaphore(%arg9 : memref<!tpu.dma_semaphore, #tpu.memory_space<semaphore_mem>>) src(%dma_wait3A_47 : memref<125xf32, #tpu.memory_space<vmem>>) dst(%dma_wait3A_52 : memref<10240xf32, #tpu.memory_space<vmem_shared>>)
    %barrier3A_53 = arith.constant 0 : index
    tpu.barrier barrier_id(%barrier3A_53)
    %mul3A_54 = arith.constant 640 : i32
    %mul3A_55 = arith.muli %arg1, %mul3A_54 : i32
    %mul3A_56 = arith.constant 640 : i32
    %mul3A_57 = arith.muli %arg1, %mul3A_56 : i32
    "tpu.region"() ({
      %run_scoped3A = tpu.sem_alloc : memref<!tpu.dma_semaphore, #tpu.memory_space<semaphore_mem>>
      %dma_start3A_58 = tpu.memref_slice %arg3[%arg0, %mul3A_57] : memref<2x10240xf32, #tpu.memory_space<hbm>> -> memref<1x640xf32, #tpu.memory_space<hbm>>
      %dma_start3A_59 = tpu.memref_squeeze %dma_start3A_58 : memref<1x640xf32, #tpu.memory_space<hbm>> -> memref<640xf32, #tpu.memory_space<hbm>>
      %dma_start3A_60 = tpu.memref_slice %arg7[%mul3A_55] : memref<10240xf32, #tpu.memory_space<vmem_shared>> -> memref<640xf32, #tpu.memory_space<vmem_shared>>
      tpu.enqueue_dma source(%dma_start3A_60 : memref<640xf32, #tpu.memory_space<vmem_shared>>) target(%dma_start3A_59 : memref<640xf32, #tpu.memory_space<hbm>>) target_semaphore(%run_scoped3A : memref<!tpu.dma_semaphore, #tpu.memory_space<semaphore_mem>>)
      %dma_wait3A_61 = tpu.memref_slice %arg3[%arg0, %mul3A_57] : memref<2x10240xf32, #tpu.memory_space<hbm>> -> memref<1x640xf32, #tpu.memory_space<hbm>>
      %dma_wait3A_62 = tpu.memref_squeeze %dma_wait3A_61 : memref<1x640xf32, #tpu.memory_space<hbm>> -> memref<640xf32, #tpu.memory_space<hbm>>
      %dma_wait3A_63 = tpu.memref_slice %arg7[%mul3A_55] : memref<10240xf32, #tpu.memory_space<vmem_shared>> -> memref<640xf32, #tpu.memory_space<vmem_shared>>
      tpu.wait_dma2 semaphore(%run_scoped3A : memref<!tpu.dma_semaphore, #tpu.memory_space<semaphore_mem>>) src(%dma_wait3A_63 : memref<640xf32, #tpu.memory_space<vmem_shared>>) dst(%dma_wait3A_62 : memref<640xf32, #tpu.memory_space<hbm>>)
      tpu.yield
    }) : () -> ()
    return
  }
}

#map = affine_map<(d0, d1) -> (0, 0, 0)>
#map1 = affine_map<(d0, d1) -> (0, 0)>
module attributes {stable_mosaic.version = 14 : i64} {
  func.func @_agg_call(%arg0: i32, %arg1: i32, %arg2: memref<32x80x125xi32, #tpu.memory_space<hbm>>, %arg3: memref<32x80x125xi32, #tpu.memory_space<hbm>>, %arg4: memref<10000x128xf32, #tpu.memory_space<hbm>>, %arg5: memref<2x10240x128xf32, #tpu.memory_space<hbm>>, %arg6: memref<125xi32, #tpu.memory_space<vmem>>, %arg7: memref<125xi32, #tpu.memory_space<vmem>>, %arg8: memref<125xi32, #tpu.memory_space<vmem>>, %arg9: memref<125xi32, #tpu.memory_space<vmem>>, %arg10: memref<125xi32, #tpu.memory_space<vmem>>, %arg11: memref<125xi32, #tpu.memory_space<vmem>>, %arg12: memref<128x128xf32, #tpu.memory_space<vmem>>, %arg13: memref<128x128xf32, #tpu.memory_space<vmem>>, %arg14: memref<10240x128xf32, #tpu.memory_space<vmem_shared>>, %arg15: memref<!tpu.dma_semaphore, #tpu.memory_space<semaphore_mem>>, %arg16: memref<!tpu.dma_semaphore, #tpu.memory_space<semaphore_mem>>, %arg17: memref<!tpu.dma_semaphore, #tpu.memory_space<semaphore_mem>>, %arg18: memref<!tpu.dma_semaphore, #tpu.memory_space<semaphore_mem>>, %arg19: memref<!tpu.dma_semaphore, #tpu.memory_space<semaphore_mem>>, %arg20: memref<!tpu.dma_semaphore, #tpu.memory_space<semaphore_mem>>, %arg21: memref<!tpu.dma_semaphore, #tpu.memory_space<semaphore_mem>>, %arg22: memref<!tpu.dma_semaphore, #tpu.memory_space<semaphore_mem>>, %arg23: memref<!tpu.dma_semaphore, #tpu.memory_space<semaphore_mem>>, %arg24: memref<!tpu.dma_semaphore, #tpu.memory_space<semaphore_mem>>, %arg25: memref<!tpu.dma_semaphore, #tpu.memory_space<semaphore_mem>>) attributes {dimension_semantics = [#tpu.dimension_semantics<core_parallel>, #tpu.dimension_semantics<subcore_parallel>], iteration_bounds = array<i64: 2, 16>, scalar_prefetch = 0 : i64, scratch_operands = 20 : i64, tpu.core_type = #tpu.core_type<sc_vector_subcore>, window_params = [{transform_indices = #map}, {transform_indices = #map}, {transform_indices = #map1}, {transform_indices = #map}]} {
    %mul3A = arith.constant 2 : i32
    %mul3A_0 = arith.muli %arg1, %mul3A : i32
    %add3A = arith.addi %mul3A_0, %arg0 : i32
    %scan3A = arith.constant 0 : i32
    %scan3A_1 = arith.constant 0 : i32
    %scan3A_2 = arith.constant 128 : i32
    %scan3A_3 = arith.addi %scan3A_1, %scan3A_2 : i32
    %scan3A_4 = arith.constant 1 : i32
    %scan3A_5 = scf.for %scan3A_279 = %scan3A_1 to %scan3A_3 step %scan3A_4 iter_args(%scan3A_280 = %scan3A) -> (i32)  : i32 {
      %scan3A_281 = arith.constant 0 : i32
      %scan3A_282 = arith.constant 0 : i32
      %scan3A_283 = arith.constant 8 : i32
      %scan3A_284 = arith.addi %scan3A_282, %scan3A_283 : i32
      %scan3A_285 = arith.constant 1 : i32
      %scan3A_286 = scf.for %scan3A_288 = %scan3A_282 to %scan3A_284 step %scan3A_285 iter_args(%scan3A_289 = %scan3A_281) -> (i32)  : i32 {
        %broadcast_in_dim3A = arith.constant 0.000000e+00 : f32
        %broadcast_in_dim3A_290 = vector.broadcast %broadcast_in_dim3A : f32 to vector<16xf32>
        %mul3A_291 = arith.constant 16 : i32
        %mul3A_292 = arith.muli %scan3A_288, %mul3A_291 : i32
        %swap3A = arith.index_cast %scan3A_279 : i32 to index
        %swap3A_293 = arith.index_cast %mul3A_292 : i32 to index
        %swap3A_294 = tpu.vector_load %arg12[%swap3A, %swap3A_293] {strides = array<i32>} : memref<128x128xf32, #tpu.memory_space<vmem>>, vector<1x16xf32>,
        %swap3A_295 = vector.shape_cast %swap3A_294 : vector<1x16xf32> to vector<16xf32>
        %swap3A_296 = vector.shape_cast %broadcast_in_dim3A_290 : vector<16xf32> to vector<1x16xf32>
        tpu.vector_store %arg12[%swap3A, %swap3A_293], %swap3A_296 {strides = array<i32>} : memref<128x128xf32, #tpu.memory_space<vmem>>, vector<1x16xf32>,
        %scan3A_297 = arith.constant 0 : i32
        scf.yield %scan3A_297 : i32
      }
      %scan3A_287 = arith.constant 8 : i32
      scf.yield %scan3A_286 : i32
    }
    %scan3A_6 = arith.constant 128 : i32
    %mul3A_7 = arith.constant 640 : i32
    %mul3A_8 = arith.muli %arg1, %mul3A_7 : i32
    %add3A_9 = arith.constant 0 : i32
    %add3A_10 = arith.addi %mul3A_8, %add3A_9 : i32
    "tpu.region"() ({
      %run_scoped3A = tpu.sem_alloc : memref<!tpu.dma_semaphore, #tpu.memory_space<semaphore_mem>>
      %dma_start3A_279 = arith.constant 0 : i32
      %dma_start3A_280 = tpu.memref_slice %arg14[%add3A_10, %dma_start3A_279] : memref<10240x128xf32, #tpu.memory_space<vmem_shared>> -> memref<128x128xf32, #tpu.memory_space<vmem_shared>>
      %dma_start3A_281 = arith.constant 0 : i32
      %dma_start3A_282 = tpu.memref_slice %arg14[%add3A_10, %dma_start3A_281] : memref<10240x128xf32, #tpu.memory_space<vmem_shared>> -> memref<128x128xf32, #tpu.memory_space<vmem_shared>>
      tpu.enqueue_dma source(%arg12 : memref<128x128xf32, #tpu.memory_space<vmem>>) target(%dma_start3A_282 : memref<128x128xf32, #tpu.memory_space<vmem_shared>>) target_semaphore(%run_scoped3A : memref<!tpu.dma_semaphore, #tpu.memory_space<semaphore_mem>>)
      %dma_wait3A_283 = arith.constant 0 : i32
      %dma_wait3A_284 = tpu.memref_slice %arg14[%add3A_10, %dma_wait3A_283] : memref<10240x128xf32, #tpu.memory_space<vmem_shared>> -> memref<128x128xf32, #tpu.memory_space<vmem_shared>>
      %dma_wait3A_285 = arith.constant 0 : i32
      %dma_wait3A_286 = tpu.memref_slice %arg14[%add3A_10, %dma_wait3A_285] : memref<10240x128xf32, #tpu.memory_space<vmem_shared>> -> memref<128x128xf32, #tpu.memory_space<vmem_shared>>
      tpu.wait_dma2 semaphore(%run_scoped3A : memref<!tpu.dma_semaphore, #tpu.memory_space<semaphore_mem>>) src(%arg12 : memref<128x128xf32, #tpu.memory_space<vmem>>) dst(%dma_wait3A_286 : memref<128x128xf32, #tpu.memory_space<vmem_shared>>)
      tpu.yield
    }) : () -> ()
    %mul3A_11 = arith.constant 640 : i32
    %mul3A_12 = arith.muli %arg1, %mul3A_11 : i32
    %add3A_13 = arith.constant 128 : i32
    %add3A_14 = arith.addi %mul3A_12, %add3A_13 : i32
    "tpu.region"() ({
      %run_scoped3A = tpu.sem_alloc : memref<!tpu.dma_semaphore, #tpu.memory_space<semaphore_mem>>
      %dma_start3A_279 = arith.constant 0 : i32
      %dma_start3A_280 = tpu.memref_slice %arg14[%add3A_14, %dma_start3A_279] : memref<10240x128xf32, #tpu.memory_space<vmem_shared>> -> memref<128x128xf32, #tpu.memory_space<vmem_shared>>
      %dma_start3A_281 = arith.constant 0 : i32
      %dma_start3A_282 = tpu.memref_slice %arg14[%add3A_14, %dma_start3A_281] : memref<10240x128xf32, #tpu.memory_space<vmem_shared>> -> memref<128x128xf32, #tpu.memory_space<vmem_shared>>
      tpu.enqueue_dma source(%arg12 : memref<128x128xf32, #tpu.memory_space<vmem>>) target(%dma_start3A_282 : memref<128x128xf32, #tpu.memory_space<vmem_shared>>) target_semaphore(%run_scoped3A : memref<!tpu.dma_semaphore, #tpu.memory_space<semaphore_mem>>)
      %dma_wait3A_283 = arith.constant 0 : i32
      %dma_wait3A_284 = tpu.memref_slice %arg14[%add3A_14, %dma_wait3A_283] : memref<10240x128xf32, #tpu.memory_space<vmem_shared>> -> memref<128x128xf32, #tpu.memory_space<vmem_shared>>
      %dma_wait3A_285 = arith.constant 0 : i32
      %dma_wait3A_286 = tpu.memref_slice %arg14[%add3A_14, %dma_wait3A_285] : memref<10240x128xf32, #tpu.memory_space<vmem_shared>> -> memref<128x128xf32, #tpu.memory_space<vmem_shared>>
      tpu.wait_dma2 semaphore(%run_scoped3A : memref<!tpu.dma_semaphore, #tpu.memory_space<semaphore_mem>>) src(%arg12 : memref<128x128xf32, #tpu.memory_space<vmem>>) dst(%dma_wait3A_286 : memref<128x128xf32, #tpu.memory_space<vmem_shared>>)
      tpu.yield
    }) : () -> ()
    %mul3A_15 = arith.constant 640 : i32
    %mul3A_16 = arith.muli %arg1, %mul3A_15 : i32
    %add3A_17 = arith.constant 256 : i32
    %add3A_18 = arith.addi %mul3A_16, %add3A_17 : i32
    "tpu.region"() ({
      %run_scoped3A = tpu.sem_alloc : memref<!tpu.dma_semaphore, #tpu.memory_space<semaphore_mem>>
      %dma_start3A_279 = arith.constant 0 : i32
      %dma_start3A_280 = tpu.memref_slice %arg14[%add3A_18, %dma_start3A_279] : memref<10240x128xf32, #tpu.memory_space<vmem_shared>> -> memref<128x128xf32, #tpu.memory_space<vmem_shared>>
      %dma_start3A_281 = arith.constant 0 : i32
      %dma_start3A_282 = tpu.memref_slice %arg14[%add3A_18, %dma_start3A_281] : memref<10240x128xf32, #tpu.memory_space<vmem_shared>> -> memref<128x128xf32, #tpu.memory_space<vmem_shared>>
      tpu.enqueue_dma source(%arg12 : memref<128x128xf32, #tpu.memory_space<vmem>>) target(%dma_start3A_282 : memref<128x128xf32, #tpu.memory_space<vmem_shared>>) target_semaphore(%run_scoped3A : memref<!tpu.dma_semaphore, #tpu.memory_space<semaphore_mem>>)
      %dma_wait3A_283 = arith.constant 0 : i32
      %dma_wait3A_284 = tpu.memref_slice %arg14[%add3A_18, %dma_wait3A_283] : memref<10240x128xf32, #tpu.memory_space<vmem_shared>> -> memref<128x128xf32, #tpu.memory_space<vmem_shared>>
      %dma_wait3A_285 = arith.constant 0 : i32
      %dma_wait3A_286 = tpu.memref_slice %arg14[%add3A_18, %dma_wait3A_285] : memref<10240x128xf32, #tpu.memory_space<vmem_shared>> -> memref<128x128xf32, #tpu.memory_space<vmem_shared>>
      tpu.wait_dma2 semaphore(%run_scoped3A : memref<!tpu.dma_semaphore, #tpu.memory_space<semaphore_mem>>) src(%arg12 : memref<128x128xf32, #tpu.memory_space<vmem>>) dst(%dma_wait3A_286 : memref<128x128xf32, #tpu.memory_space<vmem_shared>>)
      tpu.yield
    }) : () -> ()
    %mul3A_19 = arith.constant 640 : i32
    %mul3A_20 = arith.muli %arg1, %mul3A_19 : i32
    %add3A_21 = arith.constant 384 : i32
    %add3A_22 = arith.addi %mul3A_20, %add3A_21 : i32
    "tpu.region"() ({
      %run_scoped3A = tpu.sem_alloc : memref<!tpu.dma_semaphore, #tpu.memory_space<semaphore_mem>>
      %dma_start3A_279 = arith.constant 0 : i32
      %dma_start3A_280 = tpu.memref_slice %arg14[%add3A_22, %dma_start3A_279] : memref<10240x128xf32, #tpu.memory_space<vmem_shared>> -> memref<128x128xf32, #tpu.memory_space<vmem_shared>>
      %dma_start3A_281 = arith.constant 0 : i32
      %dma_start3A_282 = tpu.memref_slice %arg14[%add3A_22, %dma_start3A_281] : memref<10240x128xf32, #tpu.memory_space<vmem_shared>> -> memref<128x128xf32, #tpu.memory_space<vmem_shared>>
      tpu.enqueue_dma source(%arg12 : memref<128x128xf32, #tpu.memory_space<vmem>>) target(%dma_start3A_282 : memref<128x128xf32, #tpu.memory_space<vmem_shared>>) target_semaphore(%run_scoped3A : memref<!tpu.dma_semaphore, #tpu.memory_space<semaphore_mem>>)
      %dma_wait3A_283 = arith.constant 0 : i32
      %dma_wait3A_284 = tpu.memref_slice %arg14[%add3A_22, %dma_wait3A_283] : memref<10240x128xf32, #tpu.memory_space<vmem_shared>> -> memref<128x128xf32, #tpu.memory_space<vmem_shared>>
      %dma_wait3A_285 = arith.constant 0 : i32
      %dma_wait3A_286 = tpu.memref_slice %arg14[%add3A_22, %dma_wait3A_285] : memref<10240x128xf32, #tpu.memory_space<vmem_shared>> -> memref<128x128xf32, #tpu.memory_space<vmem_shared>>
      tpu.wait_dma2 semaphore(%run_scoped3A : memref<!tpu.dma_semaphore, #tpu.memory_space<semaphore_mem>>) src(%arg12 : memref<128x128xf32, #tpu.memory_space<vmem>>) dst(%dma_wait3A_286 : memref<128x128xf32, #tpu.memory_space<vmem_shared>>)
      tpu.yield
    }) : () -> ()
    %mul3A_23 = arith.constant 640 : i32
    %mul3A_24 = arith.muli %arg1, %mul3A_23 : i32
    %add3A_25 = arith.constant 512 : i32
    %add3A_26 = arith.addi %mul3A_24, %add3A_25 : i32
    "tpu.region"() ({
      %run_scoped3A = tpu.sem_alloc : memref<!tpu.dma_semaphore, #tpu.memory_space<semaphore_mem>>
      %dma_start3A_279 = arith.constant 0 : i32
      %dma_start3A_280 = tpu.memref_slice %arg14[%add3A_26, %dma_start3A_279] : memref<10240x128xf32, #tpu.memory_space<vmem_shared>> -> memref<128x128xf32, #tpu.memory_space<vmem_shared>>
      %dma_start3A_281 = arith.constant 0 : i32
      %dma_start3A_282 = tpu.memref_slice %arg14[%add3A_26, %dma_start3A_281] : memref<10240x128xf32, #tpu.memory_space<vmem_shared>> -> memref<128x128xf32, #tpu.memory_space<vmem_shared>>
      tpu.enqueue_dma source(%arg12 : memref<128x128xf32, #tpu.memory_space<vmem>>) target(%dma_start3A_282 : memref<128x128xf32, #tpu.memory_space<vmem_shared>>) target_semaphore(%run_scoped3A : memref<!tpu.dma_semaphore, #tpu.memory_space<semaphore_mem>>)
      %dma_wait3A_283 = arith.constant 0 : i32
      %dma_wait3A_284 = tpu.memref_slice %arg14[%add3A_26, %dma_wait3A_283] : memref<10240x128xf32, #tpu.memory_space<vmem_shared>> -> memref<128x128xf32, #tpu.memory_space<vmem_shared>>
      %dma_wait3A_285 = arith.constant 0 : i32
      %dma_wait3A_286 = tpu.memref_slice %arg14[%add3A_26, %dma_wait3A_285] : memref<10240x128xf32, #tpu.memory_space<vmem_shared>> -> memref<128x128xf32, #tpu.memory_space<vmem_shared>>
      tpu.wait_dma2 semaphore(%run_scoped3A : memref<!tpu.dma_semaphore, #tpu.memory_space<semaphore_mem>>) src(%arg12 : memref<128x128xf32, #tpu.memory_space<vmem>>) dst(%dma_wait3A_286 : memref<128x128xf32, #tpu.memory_space<vmem_shared>>)
      tpu.yield
    }) : () -> ()
    %barrier3A = arith.constant 0 : index
    tpu.barrier barrier_id(%barrier3A)
    %dma_start3A = arith.constant 0 : i32
    %dma_start3A_27 = arith.constant 0 : i32
    %dma_start3A_28 = tpu.memref_slice %arg2[%add3A, %dma_start3A, %dma_start3A_27] : memref<32x80x125xi32, #tpu.memory_space<hbm>> -> memref<1x1x125xi32, #tpu.memory_space<hbm>>
    %dma_start3A_29 = tpu.memref_squeeze %dma_start3A_28 : memref<1x1x125xi32, #tpu.memory_space<hbm>> -> memref<125xi32, #tpu.memory_space<hbm>>
    %dma_start3A_30 = arith.constant 0 : i32
    %dma_start3A_31 = tpu.memref_slice %arg2[%add3A, %dma_start3A, %dma_start3A_30] : memref<32x80x125xi32, #tpu.memory_space<hbm>> -> memref<1x1x125xi32, #tpu.memory_space<hbm>>
    %dma_start3A_32 = tpu.memref_squeeze %dma_start3A_31 : memref<1x1x125xi32, #tpu.memory_space<hbm>> -> memref<125xi32, #tpu.memory_space<hbm>>
    tpu.enqueue_dma source(%dma_start3A_32 : memref<125xi32, #tpu.memory_space<hbm>>) target(%arg6 : memref<125xi32, #tpu.memory_space<vmem>>) target_semaphore(%arg15 : memref<!tpu.dma_semaphore, #tpu.memory_space<semaphore_mem>>)
    %dma_start3A_33 = arith.constant 0 : i32
    %dma_start3A_34 = arith.constant 0 : i32
    %dma_start3A_35 = tpu.memref_slice %arg3[%add3A, %dma_start3A_33, %dma_start3A_34] : memref<32x80x125xi32, #tpu.memory_space<hbm>> -> memref<1x1x125xi32, #tpu.memory_space<hbm>>
    %dma_start3A_36 = tpu.memref_squeeze %dma_start3A_35 : memref<1x1x125xi32, #tpu.memory_space<hbm>> -> memref<125xi32, #tpu.memory_space<hbm>>
    %dma_start3A_37 = arith.constant 0 : i32
    %dma_start3A_38 = tpu.memref_slice %arg3[%add3A, %dma_start3A_33, %dma_start3A_37] : memref<32x80x125xi32, #tpu.memory_space<hbm>> -> memref<1x1x125xi32, #tpu.memory_space<hbm>>
    %dma_start3A_39 = tpu.memref_squeeze %dma_start3A_38 : memref<1x1x125xi32, #tpu.memory_space<hbm>> -> memref<125xi32, #tpu.memory_space<hbm>>
    tpu.enqueue_dma source(%dma_start3A_39 : memref<125xi32, #tpu.memory_space<hbm>>) target(%arg9 : memref<125xi32, #tpu.memory_space<vmem>>) target_semaphore(%arg15 : memref<!tpu.dma_semaphore, #tpu.memory_space<semaphore_mem>>)
    %dma_start3A_40 = arith.constant 1 : i32
    %dma_start3A_41 = arith.constant 0 : i32
    %dma_start3A_42 = tpu.memref_slice %arg2[%add3A, %dma_start3A_40, %dma_start3A_41] : memref<32x80x125xi32, #tpu.memory_space<hbm>> -> memref<1x1x125xi32, #tpu.memory_space<hbm>>
    %dma_start3A_43 = tpu.memref_squeeze %dma_start3A_42 : memref<1x1x125xi32, #tpu.memory_space<hbm>> -> memref<125xi32, #tpu.memory_space<hbm>>
    %dma_start3A_44 = arith.constant 0 : i32
    %dma_start3A_45 = tpu.memref_slice %arg2[%add3A, %dma_start3A_40, %dma_start3A_44] : memref<32x80x125xi32, #tpu.memory_space<hbm>> -> memref<1x1x125xi32, #tpu.memory_space<hbm>>
    %dma_start3A_46 = tpu.memref_squeeze %dma_start3A_45 : memref<1x1x125xi32, #tpu.memory_space<hbm>> -> memref<125xi32, #tpu.memory_space<hbm>>
    tpu.enqueue_dma source(%dma_start3A_46 : memref<125xi32, #tpu.memory_space<hbm>>) target(%arg7 : memref<125xi32, #tpu.memory_space<vmem>>) target_semaphore(%arg16 : memref<!tpu.dma_semaphore, #tpu.memory_space<semaphore_mem>>)
    %dma_start3A_47 = arith.constant 1 : i32
    %dma_start3A_48 = arith.constant 0 : i32
    %dma_start3A_49 = tpu.memref_slice %arg3[%add3A, %dma_start3A_47, %dma_start3A_48] : memref<32x80x125xi32, #tpu.memory_space<hbm>> -> memref<1x1x125xi32, #tpu.memory_space<hbm>>
    %dma_start3A_50 = tpu.memref_squeeze %dma_start3A_49 : memref<1x1x125xi32, #tpu.memory_space<hbm>> -> memref<125xi32, #tpu.memory_space<hbm>>
    %dma_start3A_51 = arith.constant 0 : i32
    %dma_start3A_52 = tpu.memref_slice %arg3[%add3A, %dma_start3A_47, %dma_start3A_51] : memref<32x80x125xi32, #tpu.memory_space<hbm>> -> memref<1x1x125xi32, #tpu.memory_space<hbm>>
    %dma_start3A_53 = tpu.memref_squeeze %dma_start3A_52 : memref<1x1x125xi32, #tpu.memory_space<hbm>> -> memref<125xi32, #tpu.memory_space<hbm>>
    tpu.enqueue_dma source(%dma_start3A_53 : memref<125xi32, #tpu.memory_space<hbm>>) target(%arg10 : memref<125xi32, #tpu.memory_space<vmem>>) target_semaphore(%arg16 : memref<!tpu.dma_semaphore, #tpu.memory_space<semaphore_mem>>)
    %dma_wait3A = arith.constant 0 : i32
    %dma_wait3A_54 = arith.constant 0 : i32
    %dma_wait3A_55 = tpu.memref_slice %arg2[%add3A, %dma_wait3A, %dma_wait3A_54] : memref<32x80x125xi32, #tpu.memory_space<hbm>> -> memref<1x1x125xi32, #tpu.memory_space<hbm>>
    %dma_wait3A_56 = tpu.memref_squeeze %dma_wait3A_55 : memref<1x1x125xi32, #tpu.memory_space<hbm>> -> memref<125xi32, #tpu.memory_space<hbm>>
    %dma_wait3A_57 = arith.constant 0 : i32
    %dma_wait3A_58 = tpu.memref_slice %arg2[%add3A, %dma_wait3A, %dma_wait3A_57] : memref<32x80x125xi32, #tpu.memory_space<hbm>> -> memref<1x1x125xi32, #tpu.memory_space<hbm>>
    %dma_wait3A_59 = tpu.memref_squeeze %dma_wait3A_58 : memref<1x1x125xi32, #tpu.memory_space<hbm>> -> memref<125xi32, #tpu.memory_space<hbm>>
    tpu.wait_dma2 semaphore(%arg15 : memref<!tpu.dma_semaphore, #tpu.memory_space<semaphore_mem>>) src(%dma_wait3A_59 : memref<125xi32, #tpu.memory_space<hbm>>) dst(%arg6 : memref<125xi32, #tpu.memory_space<vmem>>)
    %dma_wait3A_60 = arith.constant 0 : i32
    %dma_wait3A_61 = arith.constant 0 : i32
    %dma_wait3A_62 = tpu.memref_slice %arg3[%add3A, %dma_wait3A_60, %dma_wait3A_61] : memref<32x80x125xi32, #tpu.memory_space<hbm>> -> memref<1x1x125xi32, #tpu.memory_space<hbm>>
    %dma_wait3A_63 = tpu.memref_squeeze %dma_wait3A_62 : memref<1x1x125xi32, #tpu.memory_space<hbm>> -> memref<125xi32, #tpu.memory_space<hbm>>
    %dma_wait3A_64 = arith.constant 0 : i32
    %dma_wait3A_65 = tpu.memref_slice %arg3[%add3A, %dma_wait3A_60, %dma_wait3A_64] : memref<32x80x125xi32, #tpu.memory_space<hbm>> -> memref<1x1x125xi32, #tpu.memory_space<hbm>>
    %dma_wait3A_66 = tpu.memref_squeeze %dma_wait3A_65 : memref<1x1x125xi32, #tpu.memory_space<hbm>> -> memref<125xi32, #tpu.memory_space<hbm>>
    tpu.wait_dma2 semaphore(%arg15 : memref<!tpu.dma_semaphore, #tpu.memory_space<semaphore_mem>>) src(%dma_wait3A_66 : memref<125xi32, #tpu.memory_space<hbm>>) dst(%arg9 : memref<125xi32, #tpu.memory_space<vmem>>)
    %dma_start3A_67 = arith.constant 0 : i32
    %dma_start3A_68 = arith.constant 0 : i32
    %dma_start3A_69 = tpu.memref_slice %arg12[%dma_start3A_67, %dma_start3A_68] : memref<128x128xf32, #tpu.memory_space<vmem>> -> memref<64x128xf32, #tpu.memory_space<vmem>>
    %dma_start3A_70 = arith.constant 0 : i32
    %dma_start3A_71 = tpu.memref_slice %arg6[%dma_start3A_70] : memref<125xi32, #tpu.memory_space<vmem>> -> memref<64xi32, #tpu.memory_space<vmem>>
    %dma_start3A_72 = arith.constant 0 : i32
    %dma_start3A_73 = arith.constant 0 : i32
    %dma_start3A_74 = tpu.memref_slice %arg4[%dma_start3A_72, %dma_start3A_73] : memref<10000x128xf32, #tpu.memory_space<hbm>> -> memref<10000x128xf32, #tpu.memory_space<hbm>>
    tpu.enqueue_indirect_dma source(%dma_start3A_74 : memref<10000x128xf32, #tpu.memory_space<hbm>>) target(%dma_start3A_69 : memref<64x128xf32, #tpu.memory_space<vmem>>) offsets(%dma_start3A_71 : memref<64xi32, #tpu.memory_space<vmem>>) semaphore(%arg18 : memref<!tpu.dma_semaphore, #tpu.memory_space<semaphore_mem>>)
    %dma_start3A_75 = arith.constant 64 : i32
    %dma_start3A_76 = arith.constant 0 : i32
    %dma_start3A_77 = tpu.memref_slice %arg12[%dma_start3A_75, %dma_start3A_76] : memref<128x128xf32, #tpu.memory_space<vmem>> -> memref<61x128xf32, #tpu.memory_space<vmem>>
    %dma_start3A_78 = arith.constant 64 : i32
    %dma_start3A_79 = tpu.memref_slice %arg6[%dma_start3A_78] : memref<125xi32, #tpu.memory_space<vmem>> -> memref<61xi32, #tpu.memory_space<vmem>>
    %dma_start3A_80 = arith.constant 0 : i32
    %dma_start3A_81 = arith.constant 0 : i32
    %dma_start3A_82 = tpu.memref_slice %arg4[%dma_start3A_80, %dma_start3A_81] : memref<10000x128xf32, #tpu.memory_space<hbm>> -> memref<10000x128xf32, #tpu.memory_space<hbm>>
    tpu.enqueue_indirect_dma source(%dma_start3A_82 : memref<10000x128xf32, #tpu.memory_space<hbm>>) target(%dma_start3A_77 : memref<61x128xf32, #tpu.memory_space<vmem>>) offsets(%dma_start3A_79 : memref<61xi32, #tpu.memory_space<vmem>>) semaphore(%arg20 : memref<!tpu.dma_semaphore, #tpu.memory_space<semaphore_mem>>)
    %dma_wait3A_83 = arith.constant 0 : i32
    %dma_wait3A_84 = arith.constant 0 : i32
    %dma_wait3A_85 = tpu.memref_slice %arg12[%dma_wait3A_83, %dma_wait3A_84] : memref<128x128xf32, #tpu.memory_space<vmem>> -> memref<64x128xf32, #tpu.memory_space<vmem>>
    %dma_wait3A_86 = arith.constant 0 : i32
    %dma_wait3A_87 = tpu.memref_slice %arg6[%dma_wait3A_86] : memref<125xi32, #tpu.memory_space<vmem>> -> memref<64xi32, #tpu.memory_space<vmem>>
    %dma_wait3A_88 = arith.constant 0 : i32
    %dma_wait3A_89 = arith.constant 0 : i32
    %dma_wait3A_90 = tpu.memref_slice %arg4[%dma_wait3A_88, %dma_wait3A_89] : memref<10000x128xf32, #tpu.memory_space<hbm>> -> memref<10000x128xf32, #tpu.memory_space<hbm>>
    tpu.wait_indirect_dma semaphore(%arg18 : memref<!tpu.dma_semaphore, #tpu.memory_space<semaphore_mem>>) src(%dma_wait3A_90 : memref<10000x128xf32, #tpu.memory_space<hbm>>) dst(%dma_wait3A_85 : memref<64x128xf32, #tpu.memory_space<vmem>>)
    %dma_wait3A_91 = arith.constant 64 : i32
    %dma_wait3A_92 = arith.constant 0 : i32
    %dma_wait3A_93 = tpu.memref_slice %arg12[%dma_wait3A_91, %dma_wait3A_92] : memref<128x128xf32, #tpu.memory_space<vmem>> -> memref<61x128xf32, #tpu.memory_space<vmem>>
    %dma_wait3A_94 = arith.constant 64 : i32
    %dma_wait3A_95 = tpu.memref_slice %arg6[%dma_wait3A_94] : memref<125xi32, #tpu.memory_space<vmem>> -> memref<61xi32, #tpu.memory_space<vmem>>
    %dma_wait3A_96 = arith.constant 0 : i32
    %dma_wait3A_97 = arith.constant 0 : i32
    %dma_wait3A_98 = tpu.memref_slice %arg4[%dma_wait3A_96, %dma_wait3A_97] : memref<10000x128xf32, #tpu.memory_space<hbm>> -> memref<10000x128xf32, #tpu.memory_space<hbm>>
    tpu.wait_indirect_dma semaphore(%arg20 : memref<!tpu.dma_semaphore, #tpu.memory_space<semaphore_mem>>) src(%dma_wait3A_98 : memref<10000x128xf32, #tpu.memory_space<hbm>>) dst(%dma_wait3A_93 : memref<61x128xf32, #tpu.memory_space<vmem>>)
    %dma_start3A_99 = arith.constant 0 : i32
    %dma_start3A_100 = arith.constant 0 : i32
    %dma_start3A_101 = tpu.memref_slice %arg12[%dma_start3A_99, %dma_start3A_100] : memref<128x128xf32, #tpu.memory_space<vmem>> -> memref<64x128xf32, #tpu.memory_space<vmem>>
    %dma_start3A_102 = arith.constant 0 : i32
    %dma_start3A_103 = tpu.memref_slice %arg9[%dma_start3A_102] : memref<125xi32, #tpu.memory_space<vmem>> -> memref<64xi32, #tpu.memory_space<vmem>>
    %dma_start3A_104 = arith.constant 0 : i32
    %dma_start3A_105 = arith.constant 0 : i32
    %dma_start3A_106 = tpu.memref_slice %arg14[%dma_start3A_104, %dma_start3A_105] : memref<10240x128xf32, #tpu.memory_space<vmem_shared>> -> memref<10240x128xf32, #tpu.memory_space<vmem_shared>>
    tpu.enqueue_indirect_dma source(%dma_start3A_101 : memref<64x128xf32, #tpu.memory_space<vmem>>) target(%dma_start3A_106 : memref<10240x128xf32, #tpu.memory_space<vmem_shared>>) offsets(%dma_start3A_103 : memref<64xi32, #tpu.memory_space<vmem>>) semaphore(%arg22 : memref<!tpu.dma_semaphore, #tpu.memory_space<semaphore_mem>>) {add = true}
    %dma_start3A_107 = arith.constant 64 : i32
    %dma_start3A_108 = arith.constant 0 : i32
    %dma_start3A_109 = tpu.memref_slice %arg12[%dma_start3A_107, %dma_start3A_108] : memref<128x128xf32, #tpu.memory_space<vmem>> -> memref<61x128xf32, #tpu.memory_space<vmem>>
    %dma_start3A_110 = arith.constant 64 : i32
    %dma_start3A_111 = tpu.memref_slice %arg9[%dma_start3A_110] : memref<125xi32, #tpu.memory_space<vmem>> -> memref<61xi32, #tpu.memory_space<vmem>>
    %dma_start3A_112 = arith.constant 0 : i32
    %dma_start3A_113 = arith.constant 0 : i32
    %dma_start3A_114 = tpu.memref_slice %arg14[%dma_start3A_112, %dma_start3A_113] : memref<10240x128xf32, #tpu.memory_space<vmem_shared>> -> memref<10240x128xf32, #tpu.memory_space<vmem_shared>>
    tpu.enqueue_indirect_dma source(%dma_start3A_109 : memref<61x128xf32, #tpu.memory_space<vmem>>) target(%dma_start3A_114 : memref<10240x128xf32, #tpu.memory_space<vmem_shared>>) offsets(%dma_start3A_111 : memref<61xi32, #tpu.memory_space<vmem>>) semaphore(%arg24 : memref<!tpu.dma_semaphore, #tpu.memory_space<semaphore_mem>>) {add = true}
    %dma_start3A_115 = arith.constant 2 : i32
    %dma_start3A_116 = arith.constant 0 : i32
    %dma_start3A_117 = tpu.memref_slice %arg2[%add3A, %dma_start3A_115, %dma_start3A_116] : memref<32x80x125xi32, #tpu.memory_space<hbm>> -> memref<1x1x125xi32, #tpu.memory_space<hbm>>
    %dma_start3A_118 = tpu.memref_squeeze %dma_start3A_117 : memref<1x1x125xi32, #tpu.memory_space<hbm>> -> memref<125xi32, #tpu.memory_space<hbm>>
    %dma_start3A_119 = arith.constant 0 : i32
    %dma_start3A_120 = tpu.memref_slice %arg2[%add3A, %dma_start3A_115, %dma_start3A_119] : memref<32x80x125xi32, #tpu.memory_space<hbm>> -> memref<1x1x125xi32, #tpu.memory_space<hbm>>
    %dma_start3A_121 = tpu.memref_squeeze %dma_start3A_120 : memref<1x1x125xi32, #tpu.memory_space<hbm>> -> memref<125xi32, #tpu.memory_space<hbm>>
    tpu.enqueue_dma source(%dma_start3A_121 : memref<125xi32, #tpu.memory_space<hbm>>) target(%arg8 : memref<125xi32, #tpu.memory_space<vmem>>) target_semaphore(%arg17 : memref<!tpu.dma_semaphore, #tpu.memory_space<semaphore_mem>>)
    %dma_start3A_122 = arith.constant 2 : i32
    %dma_start3A_123 = arith.constant 0 : i32
    %dma_start3A_124 = tpu.memref_slice %arg3[%add3A, %dma_start3A_122, %dma_start3A_123] : memref<32x80x125xi32, #tpu.memory_space<hbm>> -> memref<1x1x125xi32, #tpu.memory_space<hbm>>
    %dma_start3A_125 = tpu.memref_squeeze %dma_start3A_124 : memref<1x1x125xi32, #tpu.memory_space<hbm>> -> memref<125xi32, #tpu.memory_space<hbm>>
    %dma_start3A_126 = arith.constant 0 : i32
    %dma_start3A_127 = tpu.memref_slice %arg3[%add3A, %dma_start3A_122, %dma_start3A_126] : memref<32x80x125xi32, #tpu.memory_space<hbm>> -> memref<1x1x125xi32, #tpu.memory_space<hbm>>
    %dma_start3A_128 = tpu.memref_squeeze %dma_start3A_127 : memref<1x1x125xi32, #tpu.memory_space<hbm>> -> memref<125xi32, #tpu.memory_space<hbm>>
    tpu.enqueue_dma source(%dma_start3A_128 : memref<125xi32, #tpu.memory_space<hbm>>) target(%arg11 : memref<125xi32, #tpu.memory_space<vmem>>) target_semaphore(%arg17 : memref<!tpu.dma_semaphore, #tpu.memory_space<semaphore_mem>>)
    %dma_wait3A_129 = arith.constant 1 : i32
    %dma_wait3A_130 = arith.constant 0 : i32
    %dma_wait3A_131 = tpu.memref_slice %arg2[%add3A, %dma_wait3A_129, %dma_wait3A_130] : memref<32x80x125xi32, #tpu.memory_space<hbm>> -> memref<1x1x125xi32, #tpu.memory_space<hbm>>
    %dma_wait3A_132 = tpu.memref_squeeze %dma_wait3A_131 : memref<1x1x125xi32, #tpu.memory_space<hbm>> -> memref<125xi32, #tpu.memory_space<hbm>>
    %dma_wait3A_133 = arith.constant 0 : i32
    %dma_wait3A_134 = tpu.memref_slice %arg2[%add3A, %dma_wait3A_129, %dma_wait3A_133] : memref<32x80x125xi32, #tpu.memory_space<hbm>> -> memref<1x1x125xi32, #tpu.memory_space<hbm>>
    %dma_wait3A_135 = tpu.memref_squeeze %dma_wait3A_134 : memref<1x1x125xi32, #tpu.memory_space<hbm>> -> memref<125xi32, #tpu.memory_space<hbm>>
    tpu.wait_dma2 semaphore(%arg16 : memref<!tpu.dma_semaphore, #tpu.memory_space<semaphore_mem>>) src(%dma_wait3A_135 : memref<125xi32, #tpu.memory_space<hbm>>) dst(%arg7 : memref<125xi32, #tpu.memory_space<vmem>>)
    %dma_wait3A_136 = arith.constant 1 : i32
    %dma_wait3A_137 = arith.constant 0 : i32
    %dma_wait3A_138 = tpu.memref_slice %arg3[%add3A, %dma_wait3A_136, %dma_wait3A_137] : memref<32x80x125xi32, #tpu.memory_space<hbm>> -> memref<1x1x125xi32, #tpu.memory_space<hbm>>
    %dma_wait3A_139 = tpu.memref_squeeze %dma_wait3A_138 : memref<1x1x125xi32, #tpu.memory_space<hbm>> -> memref<125xi32, #tpu.memory_space<hbm>>
    %dma_wait3A_140 = arith.constant 0 : i32
    %dma_wait3A_141 = tpu.memref_slice %arg3[%add3A, %dma_wait3A_136, %dma_wait3A_140] : memref<32x80x125xi32, #tpu.memory_space<hbm>> -> memref<1x1x125xi32, #tpu.memory_space<hbm>>
    %dma_wait3A_142 = tpu.memref_squeeze %dma_wait3A_141 : memref<1x1x125xi32, #tpu.memory_space<hbm>> -> memref<125xi32, #tpu.memory_space<hbm>>
    tpu.wait_dma2 semaphore(%arg16 : memref<!tpu.dma_semaphore, #tpu.memory_space<semaphore_mem>>) src(%dma_wait3A_142 : memref<125xi32, #tpu.memory_space<hbm>>) dst(%arg10 : memref<125xi32, #tpu.memory_space<vmem>>)
    %dma_start3A_143 = arith.constant 0 : i32
    %dma_start3A_144 = arith.constant 0 : i32
    %dma_start3A_145 = tpu.memref_slice %arg13[%dma_start3A_143, %dma_start3A_144] : memref<128x128xf32, #tpu.memory_space<vmem>> -> memref<64x128xf32, #tpu.memory_space<vmem>>
    %dma_start3A_146 = arith.constant 0 : i32
    %dma_start3A_147 = tpu.memref_slice %arg7[%dma_start3A_146] : memref<125xi32, #tpu.memory_space<vmem>> -> memref<64xi32, #tpu.memory_space<vmem>>
    %dma_start3A_148 = arith.constant 0 : i32
    %dma_start3A_149 = arith.constant 0 : i32
    %dma_start3A_150 = tpu.memref_slice %arg4[%dma_start3A_148, %dma_start3A_149] : memref<10000x128xf32, #tpu.memory_space<hbm>> -> memref<10000x128xf32, #tpu.memory_space<hbm>>
    tpu.enqueue_indirect_dma source(%dma_start3A_150 : memref<10000x128xf32, #tpu.memory_space<hbm>>) target(%dma_start3A_145 : memref<64x128xf32, #tpu.memory_space<vmem>>) offsets(%dma_start3A_147 : memref<64xi32, #tpu.memory_space<vmem>>) semaphore(%arg19 : memref<!tpu.dma_semaphore, #tpu.memory_space<semaphore_mem>>)
    %dma_start3A_151 = arith.constant 64 : i32
    %dma_start3A_152 = arith.constant 0 : i32
    %dma_start3A_153 = tpu.memref_slice %arg13[%dma_start3A_151, %dma_start3A_152] : memref<128x128xf32, #tpu.memory_space<vmem>> -> memref<61x128xf32, #tpu.memory_space<vmem>>
    %dma_start3A_154 = arith.constant 64 : i32
    %dma_start3A_155 = tpu.memref_slice %arg7[%dma_start3A_154] : memref<125xi32, #tpu.memory_space<vmem>> -> memref<61xi32, #tpu.memory_space<vmem>>
    %dma_start3A_156 = arith.constant 0 : i32
    %dma_start3A_157 = arith.constant 0 : i32
    %dma_start3A_158 = tpu.memref_slice %arg4[%dma_start3A_156, %dma_start3A_157] : memref<10000x128xf32, #tpu.memory_space<hbm>> -> memref<10000x128xf32, #tpu.memory_space<hbm>>
    tpu.enqueue_indirect_dma source(%dma_start3A_158 : memref<10000x128xf32, #tpu.memory_space<hbm>>) target(%dma_start3A_153 : memref<61x128xf32, #tpu.memory_space<vmem>>) offsets(%dma_start3A_155 : memref<61xi32, #tpu.memory_space<vmem>>) semaphore(%arg21 : memref<!tpu.dma_semaphore, #tpu.memory_space<semaphore_mem>>)
    %dma_wait3A_159 = arith.constant 0 : i32
    %dma_wait3A_160 = arith.constant 0 : i32
    %dma_wait3A_161 = tpu.memref_slice %arg13[%dma_wait3A_159, %dma_wait3A_160] : memref<128x128xf32, #tpu.memory_space<vmem>> -> memref<64x128xf32, #tpu.memory_space<vmem>>
    %dma_wait3A_162 = arith.constant 0 : i32
    %dma_wait3A_163 = tpu.memref_slice %arg7[%dma_wait3A_162] : memref<125xi32, #tpu.memory_space<vmem>> -> memref<64xi32, #tpu.memory_space<vmem>>
    %dma_wait3A_164 = arith.constant 0 : i32
    %dma_wait3A_165 = arith.constant 0 : i32
    %dma_wait3A_166 = tpu.memref_slice %arg4[%dma_wait3A_164, %dma_wait3A_165] : memref<10000x128xf32, #tpu.memory_space<hbm>> -> memref<10000x128xf32, #tpu.memory_space<hbm>>
    tpu.wait_indirect_dma semaphore(%arg19 : memref<!tpu.dma_semaphore, #tpu.memory_space<semaphore_mem>>) src(%dma_wait3A_166 : memref<10000x128xf32, #tpu.memory_space<hbm>>) dst(%dma_wait3A_161 : memref<64x128xf32, #tpu.memory_space<vmem>>)
    %dma_wait3A_167 = arith.constant 64 : i32
    %dma_wait3A_168 = arith.constant 0 : i32
    %dma_wait3A_169 = tpu.memref_slice %arg13[%dma_wait3A_167, %dma_wait3A_168] : memref<128x128xf32, #tpu.memory_space<vmem>> -> memref<61x128xf32, #tpu.memory_space<vmem>>
    %dma_wait3A_170 = arith.constant 64 : i32
    %dma_wait3A_171 = tpu.memref_slice %arg7[%dma_wait3A_170] : memref<125xi32, #tpu.memory_space<vmem>> -> memref<61xi32, #tpu.memory_space<vmem>>
    %dma_wait3A_172 = arith.constant 0 : i32
    %dma_wait3A_173 = arith.constant 0 : i32
    %dma_wait3A_174 = tpu.memref_slice %arg4[%dma_wait3A_172, %dma_wait3A_173] : memref<10000x128xf32, #tpu.memory_space<hbm>> -> memref<10000x128xf32, #tpu.memory_space<hbm>>
    tpu.wait_indirect_dma semaphore(%arg21 : memref<!tpu.dma_semaphore, #tpu.memory_space<semaphore_mem>>) src(%dma_wait3A_174 : memref<10000x128xf32, #tpu.memory_space<hbm>>) dst(%dma_wait3A_169 : memref<61x128xf32, #tpu.memory_space<vmem>>)
    %dma_start3A_175 = arith.constant 0 : i32
    %dma_start3A_176 = arith.constant 0 : i32
    %dma_start3A_177 = tpu.memref_slice %arg13[%dma_start3A_175, %dma_start3A_176] : memref<128x128xf32, #tpu.memory_space<vmem>> -> memref<64x128xf32, #tpu.memory_space<vmem>>
    %dma_start3A_178 = arith.constant 0 : i32
    %dma_start3A_179 = tpu.memref_slice %arg10[%dma_start3A_178] : memref<125xi32, #tpu.memory_space<vmem>> -> memref<64xi32, #tpu.memory_space<vmem>>
    %dma_start3A_180 = arith.constant 0 : i32
    %dma_start3A_181 = arith.constant 0 : i32
    %dma_start3A_182 = tpu.memref_slice %arg14[%dma_start3A_180, %dma_start3A_181] : memref<10240x128xf32, #tpu.memory_space<vmem_shared>> -> memref<10240x128xf32, #tpu.memory_space<vmem_shared>>
    tpu.enqueue_indirect_dma source(%dma_start3A_177 : memref<64x128xf32, #tpu.memory_space<vmem>>) target(%dma_start3A_182 : memref<10240x128xf32, #tpu.memory_space<vmem_shared>>) offsets(%dma_start3A_179 : memref<64xi32, #tpu.memory_space<vmem>>) semaphore(%arg23 : memref<!tpu.dma_semaphore, #tpu.memory_space<semaphore_mem>>) {add = true}
    %dma_start3A_183 = arith.constant 64 : i32
    %dma_start3A_184 = arith.constant 0 : i32
    %dma_start3A_185 = tpu.memref_slice %arg13[%dma_start3A_183, %dma_start3A_184] : memref<128x128xf32, #tpu.memory_space<vmem>> -> memref<61x128xf32, #tpu.memory_space<vmem>>
    %dma_start3A_186 = arith.constant 64 : i32
    %dma_start3A_187 = tpu.memref_slice %arg10[%dma_start3A_186] : memref<125xi32, #tpu.memory_space<vmem>> -> memref<61xi32, #tpu.memory_space<vmem>>
    %dma_start3A_188 = arith.constant 0 : i32
    %dma_start3A_189 = arith.constant 0 : i32
    %dma_start3A_190 = tpu.memref_slice %arg14[%dma_start3A_188, %dma_start3A_189] : memref<10240x128xf32, #tpu.memory_space<vmem_shared>> -> memref<10240x128xf32, #tpu.memory_space<vmem_shared>>
    tpu.enqueue_indirect_dma source(%dma_start3A_185 : memref<61x128xf32, #tpu.memory_space<vmem>>) target(%dma_start3A_190 : memref<10240x128xf32, #tpu.memory_space<vmem_shared>>) offsets(%dma_start3A_187 : memref<61xi32, #tpu.memory_space<vmem>>) semaphore(%arg25 : memref<!tpu.dma_semaphore, #tpu.memory_space<semaphore_mem>>) {add = true}
    %dma_wait3A_191 = arith.constant 0 : i32
    %dma_wait3A_192 = arith.constant 0 : i32
    %dma_wait3A_193 = tpu.memref_slice %arg12[%dma_wait3A_191, %dma_wait3A_192] : memref<128x128xf32, #tpu.memory_space<vmem>> -> memref<64x128xf32, #tpu.memory_space<vmem>>
    %dma_wait3A_194 = arith.constant 0 : i32
    %dma_wait3A_195 = tpu.memref_slice %arg9[%dma_wait3A_194] : memref<125xi32, #tpu.memory_space<vmem>> -> memref<64xi32, #tpu.memory_space<vmem>>
    %dma_wait3A_196 = arith.constant 0 : i32
    %dma_wait3A_197 = arith.constant 0 : i32
    %dma_wait3A_198 = tpu.memref_slice %arg14[%dma_wait3A_196, %dma_wait3A_197] : memref<10240x128xf32, #tpu.memory_space<vmem_shared>> -> memref<10240x128xf32, #tpu.memory_space<vmem_shared>>
    tpu.wait_indirect_dma semaphore(%arg22 : memref<!tpu.dma_semaphore, #tpu.memory_space<semaphore_mem>>) src(%dma_wait3A_193 : memref<64x128xf32, #tpu.memory_space<vmem>>) dst(%dma_wait3A_198 : memref<10240x128xf32, #tpu.memory_space<vmem_shared>>)
    %dma_wait3A_199 = arith.constant 64 : i32
    %dma_wait3A_200 = arith.constant 0 : i32
    %dma_wait3A_201 = tpu.memref_slice %arg12[%dma_wait3A_199, %dma_wait3A_200] : memref<128x128xf32, #tpu.memory_space<vmem>> -> memref<61x128xf32, #tpu.memory_space<vmem>>
    %dma_wait3A_202 = arith.constant 64 : i32
    %dma_wait3A_203 = tpu.memref_slice %arg9[%dma_wait3A_202] : memref<125xi32, #tpu.memory_space<vmem>> -> memref<61xi32, #tpu.memory_space<vmem>>
    %dma_wait3A_204 = arith.constant 0 : i32
    %dma_wait3A_205 = arith.constant 0 : i32
    %dma_wait3A_206 = tpu.memref_slice %arg14[%dma_wait3A_204, %dma_wait3A_205] : memref<10240x128xf32, #tpu.memory_space<vmem_shared>> -> memref<10240x128xf32, #tpu.memory_space<vmem_shared>>
    tpu.wait_indirect_dma semaphore(%arg24 : memref<!tpu.dma_semaphore, #tpu.memory_space<semaphore_mem>>) src(%dma_wait3A_201 : memref<61x128xf32, #tpu.memory_space<vmem>>) dst(%dma_wait3A_206 : memref<10240x128xf32, #tpu.memory_space<vmem_shared>>)
    %dma_start3A_207 = arith.constant 3 : i32
    %dma_start3A_208 = arith.constant 0 : i32
    %dma_start3A_209 = tpu.memref_slice %arg2[%add3A, %dma_start3A_207, %dma_start3A_208] : memref<32x80x125xi32, #tpu.memory_space<hbm>> -> memref<1x1x125xi32, #tpu.memory_space<hbm>>
    %dma_start3A_210 = tpu.memref_squeeze %dma_start3A_209 : memref<1x1x125xi32, #tpu.memory_space<hbm>> -> memref<125xi32, #tpu.memory_space<hbm>>
    %dma_start3A_211 = arith.constant 0 : i32
    %dma_start3A_212 = tpu.memref_slice %arg2[%add3A, %dma_start3A_207, %dma_start3A_211] : memref<32x80x125xi32, #tpu.memory_space<hbm>> -> memref<1x1x125xi32, #tpu.memory_space<hbm>>
    %dma_start3A_213 = tpu.memref_squeeze %dma_start3A_212 : memref<1x1x125xi32, #tpu.memory_space<hbm>> -> memref<125xi32, #tpu.memory_space<hbm>>
    tpu.enqueue_dma source(%dma_start3A_213 : memref<125xi32, #tpu.memory_space<hbm>>) target(%arg6 : memref<125xi32, #tpu.memory_space<vmem>>) target_semaphore(%arg15 : memref<!tpu.dma_semaphore, #tpu.memory_space<semaphore_mem>>)
    %dma_start3A_214 = arith.constant 3 : i32
    %dma_start3A_215 = arith.constant 0 : i32
    %dma_start3A_216 = tpu.memref_slice %arg3[%add3A, %dma_start3A_214, %dma_start3A_215] : memref<32x80x125xi32, #tpu.memory_space<hbm>> -> memref<1x1x125xi32, #tpu.memory_space<hbm>>
    %dma_start3A_217 = tpu.memref_squeeze %dma_start3A_216 : memref<1x1x125xi32, #tpu.memory_space<hbm>> -> memref<125xi32, #tpu.memory_space<hbm>>
    %dma_start3A_218 = arith.constant 0 : i32
    %dma_start3A_219 = tpu.memref_slice %arg3[%add3A, %dma_start3A_214, %dma_start3A_218] : memref<32x80x125xi32, #tpu.memory_space<hbm>> -> memref<1x1x125xi32, #tpu.memory_space<hbm>>
    %dma_start3A_220 = tpu.memref_squeeze %dma_start3A_219 : memref<1x1x125xi32, #tpu.memory_space<hbm>> -> memref<125xi32, #tpu.memory_space<hbm>>
    tpu.enqueue_dma source(%dma_start3A_220 : memref<125xi32, #tpu.memory_space<hbm>>) target(%arg9 : memref<125xi32, #tpu.memory_space<vmem>>) target_semaphore(%arg15 : memref<!tpu.dma_semaphore, #tpu.memory_space<semaphore_mem>>)
    %dma_wait3A_221 = arith.constant 2 : i32
    %dma_wait3A_222 = arith.constant 0 : i32
    %dma_wait3A_223 = tpu.memref_slice %arg2[%add3A, %dma_wait3A_221, %dma_wait3A_222] : memref<32x80x125xi32, #tpu.memory_space<hbm>> -> memref<1x1x125xi32, #tpu.memory_space<hbm>>
    %dma_wait3A_224 = tpu.memref_squeeze %dma_wait3A_223 : memref<1x1x125xi32, #tpu.memory_space<hbm>> -> memref<125xi32, #tpu.memory_space<hbm>>
    %dma_wait3A_225 = arith.constant 0 : i32
    %dma_wait3A_226 = tpu.memref_slice %arg2[%add3A, %dma_wait3A_221, %dma_wait3A_225] : memref<32x80x125xi32, #tpu.memory_space<hbm>> -> memref<1x1x125xi32, #tpu.memory_space<hbm>>
    %dma_wait3A_227 = tpu.memref_squeeze %dma_wait3A_226 : memref<1x1x125xi32, #tpu.memory_space<hbm>> -> memref<125xi32, #tpu.memory_space<hbm>>
    tpu.wait_dma2 semaphore(%arg17 : memref<!tpu.dma_semaphore, #tpu.memory_space<semaphore_mem>>) src(%dma_wait3A_227 : memref<125xi32, #tpu.memory_space<hbm>>) dst(%arg8 : memref<125xi32, #tpu.memory_space<vmem>>)
    %dma_wait3A_228 = arith.constant 2 : i32
    %dma_wait3A_229 = arith.constant 0 : i32
    %dma_wait3A_230 = tpu.memref_slice %arg3[%add3A, %dma_wait3A_228, %dma_wait3A_229] : memref<32x80x125xi32, #tpu.memory_space<hbm>> -> memref<1x1x125xi32, #tpu.memory_space<hbm>>
    %dma_wait3A_231 = tpu.memref_squeeze %dma_wait3A_230 : memref<1x1x125xi32, #tpu.memory_space<hbm>> -> memref<125xi32, #tpu.memory_space<hbm>>
    %dma_wait3A_232 = arith.constant 0 : i32
    %dma_wait3A_233 = tpu.memref_slice %arg3[%add3A, %dma_wait3A_228, %dma_wait3A_232] : memref<32x80x125xi32, #tpu.memory_space<hbm>> -> memref<1x1x125xi32, #tpu.memory_space<hbm>>
    %dma_wait3A_234 = tpu.memref_squeeze %dma_wait3A_233 : memref<1x1x125xi32, #tpu.memory_space<hbm>> -> memref<125xi32, #tpu.memory_space<hbm>>
    tpu.wait_dma2 semaphore(%arg17 : memref<!tpu.dma_semaphore, #tpu.memory_space<semaphore_mem>>) src(%dma_wait3A_234 : memref<125xi32, #tpu.memory_space<hbm>>) dst(%arg11 : memref<125xi32, #tpu.memory_space<vmem>>)
    %dma_start3A_235 = arith.constant 0 : i32
    %dma_start3A_236 = arith.constant 0 : i32
    %dma_start3A_237 = tpu.memref_slice %arg12[%dma_start3A_235, %dma_start3A_236] : memref<128x128xf32, #tpu.memory_space<vmem>> -> memref<64x128xf32, #tpu.memory_space<vmem>>
    %dma_start3A_238 = arith.constant 0 : i32
    %dma_start3A_239 = tpu.memref_slice %arg8[%dma_start3A_238] : memref<125xi32, #tpu.memory_space<vmem>> -> memref<64xi32, #tpu.memory_space<vmem>>
    %dma_start3A_240 = arith.constant 0 : i32
    %dma_start3A_241 = arith.constant 0 : i32
    %dma_start3A_242 = tpu.memref_slice %arg4[%dma_start3A_240, %dma_start3A_241] : memref<10000x128xf32, #tpu.memory_space<hbm>> -> memref<10000x128xf32, #tpu.memory_space<hbm>>
    tpu.enqueue_indirect_dma source(%dma_start3A_242 : memref<10000x128xf32, #tpu.memory_space<hbm>>) target(%dma_start3A_237 : memref<64x128xf32, #tpu.memory_space<vmem>>) offsets(%dma_start3A_239 : memref<64xi32, #tpu.memory_space<vmem>>) semaphore(%arg18 : memref<!tpu.dma_semaphore, #tpu.memory_space<semaphore_mem>>)
    %dma_start3A_243 = arith.constant 64 : i32
    %dma_start3A_244 = arith.constant 0 : i32
    %dma_start3A_245 = tpu.memref_slice %arg12[%dma_start3A_243, %dma_start3A_244] : memref<128x128xf32, #tpu.memory_space<vmem>> -> memref<61x128xf32, #tpu.memory_space<vmem>>
    %dma_start3A_246 = arith.constant 64 : i32
    %dma_start3A_247 = tpu.memref_slice %arg8[%dma_start3A_246] : memref<125xi32, #tpu.memory_space<vmem>> -> memref<61xi32, #tpu.memory_space<vmem>>
    %dma_start3A_248 = arith.constant 0 : i32
    %dma_start3A_249 = arith.constant 0 : i32
    %dma_start3A_250 = tpu.memref_slice %arg4[%dma_start3A_248, %dma_start3A_249] : memref<10000x128xf32, #tpu.memory_space<hbm>> -> memref<10000x128xf32, #tpu.memory_space<hbm>>
    tpu.enqueue_indirect_dma source(%dma_start3A_250 : memref<10000x128xf32, #tpu.memory_space<hbm>>) target(%dma_start3A_245 : memref<61x128xf32, #tpu.memory_space<vmem>>) offsets(%dma_start3A_247 : memref<61xi32, #tpu.memory_space<vmem>>) semaphore(%arg20 : memref<!tpu.dma_semaphore, #tpu.memory_space<semaphore_mem>>)
    %scan3A_251 = arith.constant 0 : i32
    %scan3A_252 = arith.constant 0 : i32
    %scan3A_253 = arith.constant 13 : i32
    %scan3A_254 = arith.addi %scan3A_252, %scan3A_253 : i32
    %scan3A_255 = arith.constant 1 : i32
    %scan3A_256 = scf.for %scan3A_279 = %scan3A_252 to %scan3A_254 step %scan3A_255 iter_args(%scan3A_280 = %scan3A_251) -> (i32)  : i32 {
      %mul3A_281 = arith.constant 6 : i32
      %mul3A_282 = arith.muli %mul3A_281, %scan3A_279 : i32
      %add3A_283 = arith.constant 2 : i32
      %add3A_284 = arith.addi %mul3A_282, %add3A_283 : i32
      %add3A_285 = arith.constant 0 : i32
      %add3A_286 = arith.addi %add3A_284, %add3A_285 : i32
      %dma_wait3A_287 = arith.constant 0 : i32
      %dma_wait3A_288 = arith.constant 0 : i32
      %dma_wait3A_289 = tpu.memref_slice %arg12[%dma_wait3A_287, %dma_wait3A_288] : memref<128x128xf32, #tpu.memory_space<vmem>> -> memref<64x128xf32, #tpu.memory_space<vmem>>
      %dma_wait3A_290 = arith.constant 0 : i32
      %dma_wait3A_291 = tpu.memref_slice %arg8[%dma_wait3A_290] : memref<125xi32, #tpu.memory_space<vmem>> -> memref<64xi32, #tpu.memory_space<vmem>>
      %dma_wait3A_292 = arith.constant 0 : i32
      %dma_wait3A_293 = arith.constant 0 : i32
      %dma_wait3A_294 = tpu.memref_slice %arg4[%dma_wait3A_292, %dma_wait3A_293] : memref<10000x128xf32, #tpu.memory_space<hbm>> -> memref<10000x128xf32, #tpu.memory_space<hbm>>
      tpu.wait_indirect_dma semaphore(%arg18 : memref<!tpu.dma_semaphore, #tpu.memory_space<semaphore_mem>>) src(%dma_wait3A_294 : memref<10000x128xf32, #tpu.memory_space<hbm>>) dst(%dma_wait3A_289 : memref<64x128xf32, #tpu.memory_space<vmem>>)
      %dma_wait3A_295 = arith.constant 64 : i32
      %dma_wait3A_296 = arith.constant 0 : i32
      %dma_wait3A_297 = tpu.memref_slice %arg12[%dma_wait3A_295, %dma_wait3A_296] : memref<128x128xf32, #tpu.memory_space<vmem>> -> memref<61x128xf32, #tpu.memory_space<vmem>>
      %dma_wait3A_298 = arith.constant 64 : i32
      %dma_wait3A_299 = tpu.memref_slice %arg8[%dma_wait3A_298] : memref<125xi32, #tpu.memory_space<vmem>> -> memref<61xi32, #tpu.memory_space<vmem>>
      %dma_wait3A_300 = arith.constant 0 : i32
      %dma_wait3A_301 = arith.constant 0 : i32
      %dma_wait3A_302 = tpu.memref_slice %arg4[%dma_wait3A_300, %dma_wait3A_301] : memref<10000x128xf32, #tpu.memory_space<hbm>> -> memref<10000x128xf32, #tpu.memory_space<hbm>>
      tpu.wait_indirect_dma semaphore(%arg20 : memref<!tpu.dma_semaphore, #tpu.memory_space<semaphore_mem>>) src(%dma_wait3A_302 : memref<10000x128xf32, #tpu.memory_space<hbm>>) dst(%dma_wait3A_297 : memref<61x128xf32, #tpu.memory_space<vmem>>)
      %dma_start3A_303 = arith.constant 0 : i32
      %dma_start3A_304 = arith.constant 0 : i32
      %dma_start3A_305 = tpu.memref_slice %arg12[%dma_start3A_303, %dma_start3A_304] : memref<128x128xf32, #tpu.memory_space<vmem>> -> memref<64x128xf32, #tpu.memory_space<vmem>>
      %dma_start3A_306 = arith.constant 0 : i32
      %dma_start3A_307 = tpu.memref_slice %arg11[%dma_start3A_306] : memref<125xi32, #tpu.memory_space<vmem>> -> memref<64xi32, #tpu.memory_space<vmem>>
      %dma_start3A_308 = arith.constant 0 : i32
      %dma_start3A_309 = arith.constant 0 : i32
      %dma_start3A_310 = tpu.memref_slice %arg14[%dma_start3A_308, %dma_start3A_309] : memref<10240x128xf32, #tpu.memory_space<vmem_shared>> -> memref<10240x128xf32, #tpu.memory_space<vmem_shared>>
      tpu.enqueue_indirect_dma source(%dma_start3A_305 : memref<64x128xf32, #tpu.memory_space<vmem>>) target(%dma_start3A_310 : memref<10240x128xf32, #tpu.memory_space<vmem_shared>>) offsets(%dma_start3A_307 : memref<64xi32, #tpu.memory_space<vmem>>) semaphore(%arg22 : memref<!tpu.dma_semaphore, #tpu.memory_space<semaphore_mem>>) {add = true}
      %dma_start3A_311 = arith.constant 64 : i32
      %dma_start3A_312 = arith.constant 0 : i32
      %dma_start3A_313 = tpu.memref_slice %arg12[%dma_start3A_311, %dma_start3A_312] : memref<128x128xf32, #tpu.memory_space<vmem>> -> memref<61x128xf32, #tpu.memory_space<vmem>>
      %dma_start3A_314 = arith.constant 64 : i32
      %dma_start3A_315 = tpu.memref_slice %arg11[%dma_start3A_314] : memref<125xi32, #tpu.memory_space<vmem>> -> memref<61xi32, #tpu.memory_space<vmem>>
      %dma_start3A_316 = arith.constant 0 : i32
      %dma_start3A_317 = arith.constant 0 : i32
      %dma_start3A_318 = tpu.memref_slice %arg14[%dma_start3A_316, %dma_start3A_317] : memref<10240x128xf32, #tpu.memory_space<vmem_shared>> -> memref<10240x128xf32, #tpu.memory_space<vmem_shared>>
      tpu.enqueue_indirect_dma source(%dma_start3A_313 : memref<61x128xf32, #tpu.memory_space<vmem>>) target(%dma_start3A_318 : memref<10240x128xf32, #tpu.memory_space<vmem_shared>>) offsets(%dma_start3A_315 : memref<61xi32, #tpu.memory_space<vmem>>) semaphore(%arg24 : memref<!tpu.dma_semaphore, #tpu.memory_space<semaphore_mem>>) {add = true}
      %dma_wait3A_319 = arith.constant 0 : i32
      %dma_wait3A_320 = arith.constant 0 : i32
      %dma_wait3A_321 = tpu.memref_slice %arg13[%dma_wait3A_319, %dma_wait3A_320] : memref<128x128xf32, #tpu.memory_space<vmem>> -> memref<64x128xf32, #tpu.memory_space<vmem>>
      %dma_wait3A_322 = arith.constant 0 : i32
      %dma_wait3A_323 = tpu.memref_slice %arg10[%dma_wait3A_322] : memref<125xi32, #tpu.memory_space<vmem>> -> memref<64xi32, #tpu.memory_space<vmem>>
      %dma_wait3A_324 = arith.constant 0 : i32
      %dma_wait3A_325 = arith.constant 0 : i32
      %dma_wait3A_326 = tpu.memref_slice %arg14[%dma_wait3A_324, %dma_wait3A_325] : memref<10240x128xf32, #tpu.memory_space<vmem_shared>> -> memref<10240x128xf32, #tpu.memory_space<vmem_shared>>
      tpu.wait_indirect_dma semaphore(%arg23 : memref<!tpu.dma_semaphore, #tpu.memory_space<semaphore_mem>>) src(%dma_wait3A_321 : memref<64x128xf32, #tpu.memory_space<vmem>>) dst(%dma_wait3A_326 : memref<10240x128xf32, #tpu.memory_space<vmem_shared>>)
      %dma_wait3A_327 = arith.constant 64 : i32
      %dma_wait3A_328 = arith.constant 0 : i32
      %dma_wait3A_329 = tpu.memref_slice %arg13[%dma_wait3A_327, %dma_wait3A_328] : memref<128x128xf32, #tpu.memory_space<vmem>> -> memref<61x128xf32, #tpu.memory_space<vmem>>
      %dma_wait3A_330 = arith.constant 64 : i32
      %dma_wait3A_331 = tpu.memref_slice %arg10[%dma_wait3A_330] : memref<125xi32, #tpu.memory_space<vmem>> -> memref<61xi32, #tpu.memory_space<vmem>>
      %dma_wait3A_332 = arith.constant 0 : i32
      %dma_wait3A_333 = arith.constant 0 : i32
      %dma_wait3A_334 = tpu.memref_slice %arg14[%dma_wait3A_332, %dma_wait3A_333] : memref<10240x128xf32, #tpu.memory_space<vmem_shared>> -> memref<10240x128xf32, #tpu.memory_space<vmem_shared>>
      tpu.wait_indirect_dma semaphore(%arg25 : memref<!tpu.dma_semaphore, #tpu.memory_space<semaphore_mem>>) src(%dma_wait3A_329 : memref<61x128xf32, #tpu.memory_space<vmem>>) dst(%dma_wait3A_334 : memref<10240x128xf32, #tpu.memory_space<vmem_shared>>)
      %add3A_335 = arith.constant 2 : i32
      %add3A_336 = arith.addi %add3A_286, %add3A_335 : i32
      %lt3A = arith.constant 80 : i32
      %lt3A_337 = arith.cmpi slt, %add3A_336, %lt3A : i32
      %convert_element_type3A = arith.extui %lt3A_337 : i1 to i32
      %cond3A = arith.constant 0 : i32
      %cond3A_338 = arith.cmpi ne, %convert_element_type3A, %cond3A : i32
      scf.if %cond3A_338 {
        %add3A_687 = arith.constant 2 : i32
        %add3A_688 = arith.addi %add3A_286, %add3A_687 : i32
        %dma_start3A_689 = arith.constant 0 : i32
        %dma_start3A_690 = tpu.memref_slice %arg2[%add3A, %add3A_688, %dma_start3A_689] : memref<32x80x125xi32, #tpu.memory_space<hbm>> -> memref<1x1x125xi32, #tpu.memory_space<hbm>>
        %dma_start3A_691 = tpu.memref_squeeze %dma_start3A_690 : memref<1x1x125xi32, #tpu.memory_space<hbm>> -> memref<125xi32, #tpu.memory_space<hbm>>
        %dma_start3A_692 = arith.constant 0 : i32
        %dma_start3A_693 = tpu.memref_slice %arg2[%add3A, %add3A_688, %dma_start3A_692] : memref<32x80x125xi32, #tpu.memory_space<hbm>> -> memref<1x1x125xi32, #tpu.memory_space<hbm>>
        %dma_start3A_694 = tpu.memref_squeeze %dma_start3A_693 : memref<1x1x125xi32, #tpu.memory_space<hbm>> -> memref<125xi32, #tpu.memory_space<hbm>>
        tpu.enqueue_dma source(%dma_start3A_694 : memref<125xi32, #tpu.memory_space<hbm>>) target(%arg7 : memref<125xi32, #tpu.memory_space<vmem>>) target_semaphore(%arg16 : memref<!tpu.dma_semaphore, #tpu.memory_space<semaphore_mem>>)
        %dma_start3A_695 = arith.constant 0 : i32
        %dma_start3A_696 = tpu.memref_slice %arg3[%add3A, %add3A_688, %dma_start3A_695] : memref<32x80x125xi32, #tpu.memory_space<hbm>> -> memref<1x1x125xi32, #tpu.memory_space<hbm>>
        %dma_start3A_697 = tpu.memref_squeeze %dma_start3A_696 : memref<1x1x125xi32, #tpu.memory_space<hbm>> -> memref<125xi32, #tpu.memory_space<hbm>>
        %dma_start3A_698 = arith.constant 0 : i32
        %dma_start3A_699 = tpu.memref_slice %arg3[%add3A, %add3A_688, %dma_start3A_698] : memref<32x80x125xi32, #tpu.memory_space<hbm>> -> memref<1x1x125xi32, #tpu.memory_space<hbm>>
        %dma_start3A_700 = tpu.memref_squeeze %dma_start3A_699 : memref<1x1x125xi32, #tpu.memory_space<hbm>> -> memref<125xi32, #tpu.memory_space<hbm>>
        tpu.enqueue_dma source(%dma_start3A_700 : memref<125xi32, #tpu.memory_space<hbm>>) target(%arg10 : memref<125xi32, #tpu.memory_space<vmem>>) target_semaphore(%arg16 : memref<!tpu.dma_semaphore, #tpu.memory_space<semaphore_mem>>)
      } else {
      }
      %add3A_339 = arith.constant 1 : i32
      %add3A_340 = arith.addi %add3A_286, %add3A_339 : i32
      %lt3A_341 = arith.constant 80 : i32
      %lt3A_342 = arith.cmpi slt, %add3A_340, %lt3A_341 : i32
      %convert_element_type3A_343 = arith.extui %lt3A_342 : i1 to i32
      %cond3A_344 = arith.constant 0 : i32
      %cond3A_345 = arith.cmpi ne, %convert_element_type3A_343, %cond3A_344 : i32
      scf.if %cond3A_345 {
        %add3A_687 = arith.constant 1 : i32
        %add3A_688 = arith.addi %add3A_286, %add3A_687 : i32
        %dma_wait3A_689 = arith.constant 0 : i32
        %dma_wait3A_690 = tpu.memref_slice %arg2[%add3A, %add3A_688, %dma_wait3A_689] : memref<32x80x125xi32, #tpu.memory_space<hbm>> -> memref<1x1x125xi32, #tpu.memory_space<hbm>>
        %dma_wait3A_691 = tpu.memref_squeeze %dma_wait3A_690 : memref<1x1x125xi32, #tpu.memory_space<hbm>> -> memref<125xi32, #tpu.memory_space<hbm>>
        %dma_wait3A_692 = arith.constant 0 : i32
        %dma_wait3A_693 = tpu.memref_slice %arg2[%add3A, %add3A_688, %dma_wait3A_692] : memref<32x80x125xi32, #tpu.memory_space<hbm>> -> memref<1x1x125xi32, #tpu.memory_space<hbm>>
        %dma_wait3A_694 = tpu.memref_squeeze %dma_wait3A_693 : memref<1x1x125xi32, #tpu.memory_space<hbm>> -> memref<125xi32, #tpu.memory_space<hbm>>
        tpu.wait_dma2 semaphore(%arg15 : memref<!tpu.dma_semaphore, #tpu.memory_space<semaphore_mem>>) src(%dma_wait3A_694 : memref<125xi32, #tpu.memory_space<hbm>>) dst(%arg6 : memref<125xi32, #tpu.memory_space<vmem>>)
        %dma_wait3A_695 = arith.constant 0 : i32
        %dma_wait3A_696 = tpu.memref_slice %arg3[%add3A, %add3A_688, %dma_wait3A_695] : memref<32x80x125xi32, #tpu.memory_space<hbm>> -> memref<1x1x125xi32, #tpu.memory_space<hbm>>
        %dma_wait3A_697 = tpu.memref_squeeze %dma_wait3A_696 : memref<1x1x125xi32, #tpu.memory_space<hbm>> -> memref<125xi32, #tpu.memory_space<hbm>>
        %dma_wait3A_698 = arith.constant 0 : i32
        %dma_wait3A_699 = tpu.memref_slice %arg3[%add3A, %add3A_688, %dma_wait3A_698] : memref<32x80x125xi32, #tpu.memory_space<hbm>> -> memref<1x1x125xi32, #tpu.memory_space<hbm>>
        %dma_wait3A_700 = tpu.memref_squeeze %dma_wait3A_699 : memref<1x1x125xi32, #tpu.memory_space<hbm>> -> memref<125xi32, #tpu.memory_space<hbm>>
        tpu.wait_dma2 semaphore(%arg15 : memref<!tpu.dma_semaphore, #tpu.memory_space<semaphore_mem>>) src(%dma_wait3A_700 : memref<125xi32, #tpu.memory_space<hbm>>) dst(%arg9 : memref<125xi32, #tpu.memory_space<vmem>>)
        %dma_start3A_701 = arith.constant 0 : i32
        %dma_start3A_702 = arith.constant 0 : i32
        %dma_start3A_703 = tpu.memref_slice %arg13[%dma_start3A_701, %dma_start3A_702] : memref<128x128xf32, #tpu.memory_space<vmem>> -> memref<64x128xf32, #tpu.memory_space<vmem>>
        %dma_start3A_704 = arith.constant 0 : i32
        %dma_start3A_705 = tpu.memref_slice %arg6[%dma_start3A_704] : memref<125xi32, #tpu.memory_space<vmem>> -> memref<64xi32, #tpu.memory_space<vmem>>
        %dma_start3A_706 = arith.constant 0 : i32
        %dma_start3A_707 = arith.constant 0 : i32
        %dma_start3A_708 = tpu.memref_slice %arg4[%dma_start3A_706, %dma_start3A_707] : memref<10000x128xf32, #tpu.memory_space<hbm>> -> memref<10000x128xf32, #tpu.memory_space<hbm>>
        tpu.enqueue_indirect_dma source(%dma_start3A_708 : memref<10000x128xf32, #tpu.memory_space<hbm>>) target(%dma_start3A_703 : memref<64x128xf32, #tpu.memory_space<vmem>>) offsets(%dma_start3A_705 : memref<64xi32, #tpu.memory_space<vmem>>) semaphore(%arg19 : memref<!tpu.dma_semaphore, #tpu.memory_space<semaphore_mem>>)
        %dma_start3A_709 = arith.constant 64 : i32
        %dma_start3A_710 = arith.constant 0 : i32
        %dma_start3A_711 = tpu.memref_slice %arg13[%dma_start3A_709, %dma_start3A_710] : memref<128x128xf32, #tpu.memory_space<vmem>> -> memref<61x128xf32, #tpu.memory_space<vmem>>
        %dma_start3A_712 = arith.constant 64 : i32
        %dma_start3A_713 = tpu.memref_slice %arg6[%dma_start3A_712] : memref<125xi32, #tpu.memory_space<vmem>> -> memref<61xi32, #tpu.memory_space<vmem>>
        %dma_start3A_714 = arith.constant 0 : i32
        %dma_start3A_715 = arith.constant 0 : i32
        %dma_start3A_716 = tpu.memref_slice %arg4[%dma_start3A_714, %dma_start3A_715] : memref<10000x128xf32, #tpu.memory_space<hbm>> -> memref<10000x128xf32, #tpu.memory_space<hbm>>
        tpu.enqueue_indirect_dma source(%dma_start3A_716 : memref<10000x128xf32, #tpu.memory_space<hbm>>) target(%dma_start3A_711 : memref<61x128xf32, #tpu.memory_space<vmem>>) offsets(%dma_start3A_713 : memref<61xi32, #tpu.memory_space<vmem>>) semaphore(%arg21 : memref<!tpu.dma_semaphore, #tpu.memory_space<semaphore_mem>>)
      } else {
      }
      %mul3A_346 = arith.constant 6 : i32
      %mul3A_347 = arith.muli %mul3A_346, %scan3A_279 : i32
      %add3A_348 = arith.constant 2 : i32
      %add3A_349 = arith.addi %mul3A_347, %add3A_348 : i32
      %add3A_350 = arith.constant 1 : i32
      %add3A_351 = arith.addi %add3A_349, %add3A_350 : i32
      %dma_wait3A_352 = arith.constant 0 : i32
      %dma_wait3A_353 = arith.constant 0 : i32
      %dma_wait3A_354 = tpu.memref_slice %arg13[%dma_wait3A_352, %dma_wait3A_353] : memref<128x128xf32, #tpu.memory_space<vmem>> -> memref<64x128xf32, #tpu.memory_space<vmem>>
      %dma_wait3A_355 = arith.constant 0 : i32
      %dma_wait3A_356 = tpu.memref_slice %arg6[%dma_wait3A_355] : memref<125xi32, #tpu.memory_space<vmem>> -> memref<64xi32, #tpu.memory_space<vmem>>
      %dma_wait3A_357 = arith.constant 0 : i32
      %dma_wait3A_358 = arith.constant 0 : i32
      %dma_wait3A_359 = tpu.memref_slice %arg4[%dma_wait3A_357, %dma_wait3A_358] : memref<10000x128xf32, #tpu.memory_space<hbm>> -> memref<10000x128xf32, #tpu.memory_space<hbm>>
      tpu.wait_indirect_dma semaphore(%arg19 : memref<!tpu.dma_semaphore, #tpu.memory_space<semaphore_mem>>) src(%dma_wait3A_359 : memref<10000x128xf32, #tpu.memory_space<hbm>>) dst(%dma_wait3A_354 : memref<64x128xf32, #tpu.memory_space<vmem>>)
      %dma_wait3A_360 = arith.constant 64 : i32
      %dma_wait3A_361 = arith.constant 0 : i32
      %dma_wait3A_362 = tpu.memref_slice %arg13[%dma_wait3A_360, %dma_wait3A_361] : memref<128x128xf32, #tpu.memory_space<vmem>> -> memref<61x128xf32, #tpu.memory_space<vmem>>
      %dma_wait3A_363 = arith.constant 64 : i32
      %dma_wait3A_364 = tpu.memref_slice %arg6[%dma_wait3A_363] : memref<125xi32, #tpu.memory_space<vmem>> -> memref<61xi32, #tpu.memory_space<vmem>>
      %dma_wait3A_365 = arith.constant 0 : i32
      %dma_wait3A_366 = arith.constant 0 : i32
      %dma_wait3A_367 = tpu.memref_slice %arg4[%dma_wait3A_365, %dma_wait3A_366] : memref<10000x128xf32, #tpu.memory_space<hbm>> -> memref<10000x128xf32, #tpu.memory_space<hbm>>
      tpu.wait_indirect_dma semaphore(%arg21 : memref<!tpu.dma_semaphore, #tpu.memory_space<semaphore_mem>>) src(%dma_wait3A_367 : memref<10000x128xf32, #tpu.memory_space<hbm>>) dst(%dma_wait3A_362 : memref<61x128xf32, #tpu.memory_space<vmem>>)
      %dma_start3A_368 = arith.constant 0 : i32
      %dma_start3A_369 = arith.constant 0 : i32
      %dma_start3A_370 = tpu.memref_slice %arg13[%dma_start3A_368, %dma_start3A_369] : memref<128x128xf32, #tpu.memory_space<vmem>> -> memref<64x128xf32, #tpu.memory_space<vmem>>
      %dma_start3A_371 = arith.constant 0 : i32
      %dma_start3A_372 = tpu.memref_slice %arg9[%dma_start3A_371] : memref<125xi32, #tpu.memory_space<vmem>> -> memref<64xi32, #tpu.memory_space<vmem>>
      %dma_start3A_373 = arith.constant 0 : i32
      %dma_start3A_374 = arith.constant 0 : i32
      %dma_start3A_375 = tpu.memref_slice %arg14[%dma_start3A_373, %dma_start3A_374] : memref<10240x128xf32, #tpu.memory_space<vmem_shared>> -> memref<10240x128xf32, #tpu.memory_space<vmem_shared>>
      tpu.enqueue_indirect_dma source(%dma_start3A_370 : memref<64x128xf32, #tpu.memory_space<vmem>>) target(%dma_start3A_375 : memref<10240x128xf32, #tpu.memory_space<vmem_shared>>) offsets(%dma_start3A_372 : memref<64xi32, #tpu.memory_space<vmem>>) semaphore(%arg23 : memref<!tpu.dma_semaphore, #tpu.memory_space<semaphore_mem>>) {add = true}
      %dma_start3A_376 = arith.constant 64 : i32
      %dma_start3A_377 = arith.constant 0 : i32
      %dma_start3A_378 = tpu.memref_slice %arg13[%dma_start3A_376, %dma_start3A_377] : memref<128x128xf32, #tpu.memory_space<vmem>> -> memref<61x128xf32, #tpu.memory_space<vmem>>
      %dma_start3A_379 = arith.constant 64 : i32
      %dma_start3A_380 = tpu.memref_slice %arg9[%dma_start3A_379] : memref<125xi32, #tpu.memory_space<vmem>> -> memref<61xi32, #tpu.memory_space<vmem>>
      %dma_start3A_381 = arith.constant 0 : i32
      %dma_start3A_382 = arith.constant 0 : i32
      %dma_start3A_383 = tpu.memref_slice %arg14[%dma_start3A_381, %dma_start3A_382] : memref<10240x128xf32, #tpu.memory_space<vmem_shared>> -> memref<10240x128xf32, #tpu.memory_space<vmem_shared>>
      tpu.enqueue_indirect_dma source(%dma_start3A_378 : memref<61x128xf32, #tpu.memory_space<vmem>>) target(%dma_start3A_383 : memref<10240x128xf32, #tpu.memory_space<vmem_shared>>) offsets(%dma_start3A_380 : memref<61xi32, #tpu.memory_space<vmem>>) semaphore(%arg25 : memref<!tpu.dma_semaphore, #tpu.memory_space<semaphore_mem>>) {add = true}
      %dma_wait3A_384 = arith.constant 0 : i32
      %dma_wait3A_385 = arith.constant 0 : i32
      %dma_wait3A_386 = tpu.memref_slice %arg12[%dma_wait3A_384, %dma_wait3A_385] : memref<128x128xf32, #tpu.memory_space<vmem>> -> memref<64x128xf32, #tpu.memory_space<vmem>>
      %dma_wait3A_387 = arith.constant 0 : i32
      %dma_wait3A_388 = tpu.memref_slice %arg11[%dma_wait3A_387] : memref<125xi32, #tpu.memory_space<vmem>> -> memref<64xi32, #tpu.memory_space<vmem>>
      %dma_wait3A_389 = arith.constant 0 : i32
      %dma_wait3A_390 = arith.constant 0 : i32
      %dma_wait3A_391 = tpu.memref_slice %arg14[%dma_wait3A_389, %dma_wait3A_390] : memref<10240x128xf32, #tpu.memory_space<vmem_shared>> -> memref<10240x128xf32, #tpu.memory_space<vmem_shared>>
      tpu.wait_indirect_dma semaphore(%arg22 : memref<!tpu.dma_semaphore, #tpu.memory_space<semaphore_mem>>) src(%dma_wait3A_386 : memref<64x128xf32, #tpu.memory_space<vmem>>) dst(%dma_wait3A_391 : memref<10240x128xf32, #tpu.memory_space<vmem_shared>>)
      %dma_wait3A_392 = arith.constant 64 : i32
      %dma_wait3A_393 = arith.constant 0 : i32
      %dma_wait3A_394 = tpu.memref_slice %arg12[%dma_wait3A_392, %dma_wait3A_393] : memref<128x128xf32, #tpu.memory_space<vmem>> -> memref<61x128xf32, #tpu.memory_space<vmem>>
      %dma_wait3A_395 = arith.constant 64 : i32
      %dma_wait3A_396 = tpu.memref_slice %arg11[%dma_wait3A_395] : memref<125xi32, #tpu.memory_space<vmem>> -> memref<61xi32, #tpu.memory_space<vmem>>
      %dma_wait3A_397 = arith.constant 0 : i32
      %dma_wait3A_398 = arith.constant 0 : i32
      %dma_wait3A_399 = tpu.memref_slice %arg14[%dma_wait3A_397, %dma_wait3A_398] : memref<10240x128xf32, #tpu.memory_space<vmem_shared>> -> memref<10240x128xf32, #tpu.memory_space<vmem_shared>>
      tpu.wait_indirect_dma semaphore(%arg24 : memref<!tpu.dma_semaphore, #tpu.memory_space<semaphore_mem>>) src(%dma_wait3A_394 : memref<61x128xf32, #tpu.memory_space<vmem>>) dst(%dma_wait3A_399 : memref<10240x128xf32, #tpu.memory_space<vmem_shared>>)
      %add3A_400 = arith.constant 2 : i32
      %add3A_401 = arith.addi %add3A_351, %add3A_400 : i32
      %lt3A_402 = arith.constant 80 : i32
      %lt3A_403 = arith.cmpi slt, %add3A_401, %lt3A_402 : i32
      %convert_element_type3A_404 = arith.extui %lt3A_403 : i1 to i32
      %cond3A_405 = arith.constant 0 : i32
      %cond3A_406 = arith.cmpi ne, %convert_element_type3A_404, %cond3A_405 : i32
      scf.if %cond3A_406 {
        %add3A_687 = arith.constant 2 : i32
        %add3A_688 = arith.addi %add3A_351, %add3A_687 : i32
        %dma_start3A_689 = arith.constant 0 : i32
        %dma_start3A_690 = tpu.memref_slice %arg2[%add3A, %add3A_688, %dma_start3A_689] : memref<32x80x125xi32, #tpu.memory_space<hbm>> -> memref<1x1x125xi32, #tpu.memory_space<hbm>>
        %dma_start3A_691 = tpu.memref_squeeze %dma_start3A_690 : memref<1x1x125xi32, #tpu.memory_space<hbm>> -> memref<125xi32, #tpu.memory_space<hbm>>
        %dma_start3A_692 = arith.constant 0 : i32
        %dma_start3A_693 = tpu.memref_slice %arg2[%add3A, %add3A_688, %dma_start3A_692] : memref<32x80x125xi32, #tpu.memory_space<hbm>> -> memref<1x1x125xi32, #tpu.memory_space<hbm>>
        %dma_start3A_694 = tpu.memref_squeeze %dma_start3A_693 : memref<1x1x125xi32, #tpu.memory_space<hbm>> -> memref<125xi32, #tpu.memory_space<hbm>>
        tpu.enqueue_dma source(%dma_start3A_694 : memref<125xi32, #tpu.memory_space<hbm>>) target(%arg8 : memref<125xi32, #tpu.memory_space<vmem>>) target_semaphore(%arg17 : memref<!tpu.dma_semaphore, #tpu.memory_space<semaphore_mem>>)
        %dma_start3A_695 = arith.constant 0 : i32
        %dma_start3A_696 = tpu.memref_slice %arg3[%add3A, %add3A_688, %dma_start3A_695] : memref<32x80x125xi32, #tpu.memory_space<hbm>> -> memref<1x1x125xi32, #tpu.memory_space<hbm>>
        %dma_start3A_697 = tpu.memref_squeeze %dma_start3A_696 : memref<1x1x125xi32, #tpu.memory_space<hbm>> -> memref<125xi32, #tpu.memory_space<hbm>>
        %dma_start3A_698 = arith.constant 0 : i32
        %dma_start3A_699 = tpu.memref_slice %arg3[%add3A, %add3A_688, %dma_start3A_698] : memref<32x80x125xi32, #tpu.memory_space<hbm>> -> memref<1x1x125xi32, #tpu.memory_space<hbm>>
        %dma_start3A_700 = tpu.memref_squeeze %dma_start3A_699 : memref<1x1x125xi32, #tpu.memory_space<hbm>> -> memref<125xi32, #tpu.memory_space<hbm>>
        tpu.enqueue_dma source(%dma_start3A_700 : memref<125xi32, #tpu.memory_space<hbm>>) target(%arg11 : memref<125xi32, #tpu.memory_space<vmem>>) target_semaphore(%arg17 : memref<!tpu.dma_semaphore, #tpu.memory_space<semaphore_mem>>)
      } else {
      }
      %add3A_407 = arith.constant 1 : i32
      %add3A_408 = arith.addi %add3A_351, %add3A_407 : i32
      %lt3A_409 = arith.constant 80 : i32
      %lt3A_410 = arith.cmpi slt, %add3A_408, %lt3A_409 : i32
      %convert_element_type3A_411 = arith.extui %lt3A_410 : i1 to i32
      %cond3A_412 = arith.constant 0 : i32
      %cond3A_413 = arith.cmpi ne, %convert_element_type3A_411, %cond3A_412 : i32
      scf.if %cond3A_413 {
        %add3A_687 = arith.constant 1 : i32
        %add3A_688 = arith.addi %add3A_351, %add3A_687 : i32
        %dma_wait3A_689 = arith.constant 0 : i32
        %dma_wait3A_690 = tpu.memref_slice %arg2[%add3A, %add3A_688, %dma_wait3A_689] : memref<32x80x125xi32, #tpu.memory_space<hbm>> -> memref<1x1x125xi32, #tpu.memory_space<hbm>>
        %dma_wait3A_691 = tpu.memref_squeeze %dma_wait3A_690 : memref<1x1x125xi32, #tpu.memory_space<hbm>> -> memref<125xi32, #tpu.memory_space<hbm>>
        %dma_wait3A_692 = arith.constant 0 : i32
        %dma_wait3A_693 = tpu.memref_slice %arg2[%add3A, %add3A_688, %dma_wait3A_692] : memref<32x80x125xi32, #tpu.memory_space<hbm>> -> memref<1x1x125xi32, #tpu.memory_space<hbm>>
        %dma_wait3A_694 = tpu.memref_squeeze %dma_wait3A_693 : memref<1x1x125xi32, #tpu.memory_space<hbm>> -> memref<125xi32, #tpu.memory_space<hbm>>
        tpu.wait_dma2 semaphore(%arg16 : memref<!tpu.dma_semaphore, #tpu.memory_space<semaphore_mem>>) src(%dma_wait3A_694 : memref<125xi32, #tpu.memory_space<hbm>>) dst(%arg7 : memref<125xi32, #tpu.memory_space<vmem>>)
        %dma_wait3A_695 = arith.constant 0 : i32
        %dma_wait3A_696 = tpu.memref_slice %arg3[%add3A, %add3A_688, %dma_wait3A_695] : memref<32x80x125xi32, #tpu.memory_space<hbm>> -> memref<1x1x125xi32, #tpu.memory_space<hbm>>
        %dma_wait3A_697 = tpu.memref_squeeze %dma_wait3A_696 : memref<1x1x125xi32, #tpu.memory_space<hbm>> -> memref<125xi32, #tpu.memory_space<hbm>>
        %dma_wait3A_698 = arith.constant 0 : i32
        %dma_wait3A_699 = tpu.memref_slice %arg3[%add3A, %add3A_688, %dma_wait3A_698] : memref<32x80x125xi32, #tpu.memory_space<hbm>> -> memref<1x1x125xi32, #tpu.memory_space<hbm>>
        %dma_wait3A_700 = tpu.memref_squeeze %dma_wait3A_699 : memref<1x1x125xi32, #tpu.memory_space<hbm>> -> memref<125xi32, #tpu.memory_space<hbm>>
        tpu.wait_dma2 semaphore(%arg16 : memref<!tpu.dma_semaphore, #tpu.memory_space<semaphore_mem>>) src(%dma_wait3A_700 : memref<125xi32, #tpu.memory_space<hbm>>) dst(%arg10 : memref<125xi32, #tpu.memory_space<vmem>>)
        %dma_start3A_701 = arith.constant 0 : i32
        %dma_start3A_702 = arith.constant 0 : i32
        %dma_start3A_703 = tpu.memref_slice %arg12[%dma_start3A_701, %dma_start3A_702] : memref<128x128xf32, #tpu.memory_space<vmem>> -> memref<64x128xf32, #tpu.memory_space<vmem>>
        %dma_start3A_704 = arith.constant 0 : i32
        %dma_start3A_705 = tpu.memref_slice %arg7[%dma_start3A_704] : memref<125xi32, #tpu.memory_space<vmem>> -> memref<64xi32, #tpu.memory_space<vmem>>
        %dma_start3A_706 = arith.constant 0 : i32
        %dma_start3A_707 = arith.constant 0 : i32
        %dma_start3A_708 = tpu.memref_slice %arg4[%dma_start3A_706, %dma_start3A_707] : memref<10000x128xf32, #tpu.memory_space<hbm>> -> memref<10000x128xf32, #tpu.memory_space<hbm>>
        tpu.enqueue_indirect_dma source(%dma_start3A_708 : memref<10000x128xf32, #tpu.memory_space<hbm>>) target(%dma_start3A_703 : memref<64x128xf32, #tpu.memory_space<vmem>>) offsets(%dma_start3A_705 : memref<64xi32, #tpu.memory_space<vmem>>) semaphore(%arg18 : memref<!tpu.dma_semaphore, #tpu.memory_space<semaphore_mem>>)
        %dma_start3A_709 = arith.constant 64 : i32
        %dma_start3A_710 = arith.constant 0 : i32
        %dma_start3A_711 = tpu.memref_slice %arg12[%dma_start3A_709, %dma_start3A_710] : memref<128x128xf32, #tpu.memory_space<vmem>> -> memref<61x128xf32, #tpu.memory_space<vmem>>
        %dma_start3A_712 = arith.constant 64 : i32
        %dma_start3A_713 = tpu.memref_slice %arg7[%dma_start3A_712] : memref<125xi32, #tpu.memory_space<vmem>> -> memref<61xi32, #tpu.memory_space<vmem>>
        %dma_start3A_714 = arith.constant 0 : i32
        %dma_start3A_715 = arith.constant 0 : i32
        %dma_start3A_716 = tpu.memref_slice %arg4[%dma_start3A_714, %dma_start3A_715] : memref<10000x128xf32, #tpu.memory_space<hbm>> -> memref<10000x128xf32, #tpu.memory_space<hbm>>
        tpu.enqueue_indirect_dma source(%dma_start3A_716 : memref<10000x128xf32, #tpu.memory_space<hbm>>) target(%dma_start3A_711 : memref<61x128xf32, #tpu.memory_space<vmem>>) offsets(%dma_start3A_713 : memref<61xi32, #tpu.memory_space<vmem>>) semaphore(%arg20 : memref<!tpu.dma_semaphore, #tpu.memory_space<semaphore_mem>>)
      } else {
      }
      %mul3A_414 = arith.constant 6 : i32
      %mul3A_415 = arith.muli %mul3A_414, %scan3A_279 : i32
      %add3A_416 = arith.constant 2 : i32
      %add3A_417 = arith.addi %mul3A_415, %add3A_416 : i32
      %add3A_418 = arith.constant 2 : i32
      %add3A_419 = arith.addi %add3A_417, %add3A_418 : i32
      %dma_wait3A_420 = arith.constant 0 : i32
      %dma_wait3A_421 = arith.constant 0 : i32
      %dma_wait3A_422 = tpu.memref_slice %arg12[%dma_wait3A_420, %dma_wait3A_421] : memref<128x128xf32, #tpu.memory_space<vmem>> -> memref<64x128xf32, #tpu.memory_space<vmem>>
      %dma_wait3A_423 = arith.constant 0 : i32
      %dma_wait3A_424 = tpu.memref_slice %arg7[%dma_wait3A_423] : memref<125xi32, #tpu.memory_space<vmem>> -> memref<64xi32, #tpu.memory_space<vmem>>
      %dma_wait3A_425 = arith.constant 0 : i32
      %dma_wait3A_426 = arith.constant 0 : i32
      %dma_wait3A_427 = tpu.memref_slice %arg4[%dma_wait3A_425, %dma_wait3A_426] : memref<10000x128xf32, #tpu.memory_space<hbm>> -> memref<10000x128xf32, #tpu.memory_space<hbm>>
      tpu.wait_indirect_dma semaphore(%arg18 : memref<!tpu.dma_semaphore, #tpu.memory_space<semaphore_mem>>) src(%dma_wait3A_427 : memref<10000x128xf32, #tpu.memory_space<hbm>>) dst(%dma_wait3A_422 : memref<64x128xf32, #tpu.memory_space<vmem>>)
      %dma_wait3A_428 = arith.constant 64 : i32
      %dma_wait3A_429 = arith.constant 0 : i32
      %dma_wait3A_430 = tpu.memref_slice %arg12[%dma_wait3A_428, %dma_wait3A_429] : memref<128x128xf32, #tpu.memory_space<vmem>> -> memref<61x128xf32, #tpu.memory_space<vmem>>
      %dma_wait3A_431 = arith.constant 64 : i32
      %dma_wait3A_432 = tpu.memref_slice %arg7[%dma_wait3A_431] : memref<125xi32, #tpu.memory_space<vmem>> -> memref<61xi32, #tpu.memory_space<vmem>>
      %dma_wait3A_433 = arith.constant 0 : i32
      %dma_wait3A_434 = arith.constant 0 : i32
      %dma_wait3A_435 = tpu.memref_slice %arg4[%dma_wait3A_433, %dma_wait3A_434] : memref<10000x128xf32, #tpu.memory_space<hbm>> -> memref<10000x128xf32, #tpu.memory_space<hbm>>
      tpu.wait_indirect_dma semaphore(%arg20 : memref<!tpu.dma_semaphore, #tpu.memory_space<semaphore_mem>>) src(%dma_wait3A_435 : memref<10000x128xf32, #tpu.memory_space<hbm>>) dst(%dma_wait3A_430 : memref<61x128xf32, #tpu.memory_space<vmem>>)
      %dma_start3A_436 = arith.constant 0 : i32
      %dma_start3A_437 = arith.constant 0 : i32
      %dma_start3A_438 = tpu.memref_slice %arg12[%dma_start3A_436, %dma_start3A_437] : memref<128x128xf32, #tpu.memory_space<vmem>> -> memref<64x128xf32, #tpu.memory_space<vmem>>
      %dma_start3A_439 = arith.constant 0 : i32
      %dma_start3A_440 = tpu.memref_slice %arg10[%dma_start3A_439] : memref<125xi32, #tpu.memory_space<vmem>> -> memref<64xi32, #tpu.memory_space<vmem>>
      %dma_start3A_441 = arith.constant 0 : i32
      %dma_start3A_442 = arith.constant 0 : i32
      %dma_start3A_443 = tpu.memref_slice %arg14[%dma_start3A_441, %dma_start3A_442] : memref<10240x128xf32, #tpu.memory_space<vmem_shared>> -> memref<10240x128xf32, #tpu.memory_space<vmem_shared>>
      tpu.enqueue_indirect_dma source(%dma_start3A_438 : memref<64x128xf32, #tpu.memory_space<vmem>>) target(%dma_start3A_443 : memref<10240x128xf32, #tpu.memory_space<vmem_shared>>) offsets(%dma_start3A_440 : memref<64xi32, #tpu.memory_space<vmem>>) semaphore(%arg22 : memref<!tpu.dma_semaphore, #tpu.memory_space<semaphore_mem>>) {add = true}
      %dma_start3A_444 = arith.constant 64 : i32
      %dma_start3A_445 = arith.constant 0 : i32
      %dma_start3A_446 = tpu.memref_slice %arg12[%dma_start3A_444, %dma_start3A_445] : memref<128x128xf32, #tpu.memory_space<vmem>> -> memref<61x128xf32, #tpu.memory_space<vmem>>
      %dma_start3A_447 = arith.constant 64 : i32
      %dma_start3A_448 = tpu.memref_slice %arg10[%dma_start3A_447] : memref<125xi32, #tpu.memory_space<vmem>> -> memref<61xi32, #tpu.memory_space<vmem>>
      %dma_start3A_449 = arith.constant 0 : i32
      %dma_start3A_450 = arith.constant 0 : i32
      %dma_start3A_451 = tpu.memref_slice %arg14[%dma_start3A_449, %dma_start3A_450] : memref<10240x128xf32, #tpu.memory_space<vmem_shared>> -> memref<10240x128xf32, #tpu.memory_space<vmem_shared>>
      tpu.enqueue_indirect_dma source(%dma_start3A_446 : memref<61x128xf32, #tpu.memory_space<vmem>>) target(%dma_start3A_451 : memref<10240x128xf32, #tpu.memory_space<vmem_shared>>) offsets(%dma_start3A_448 : memref<61xi32, #tpu.memory_space<vmem>>) semaphore(%arg24 : memref<!tpu.dma_semaphore, #tpu.memory_space<semaphore_mem>>) {add = true}
      %dma_wait3A_452 = arith.constant 0 : i32
      %dma_wait3A_453 = arith.constant 0 : i32
      %dma_wait3A_454 = tpu.memref_slice %arg13[%dma_wait3A_452, %dma_wait3A_453] : memref<128x128xf32, #tpu.memory_space<vmem>> -> memref<64x128xf32, #tpu.memory_space<vmem>>
      %dma_wait3A_455 = arith.constant 0 : i32
      %dma_wait3A_456 = tpu.memref_slice %arg9[%dma_wait3A_455] : memref<125xi32, #tpu.memory_space<vmem>> -> memref<64xi32, #tpu.memory_space<vmem>>
      %dma_wait3A_457 = arith.constant 0 : i32
      %dma_wait3A_458 = arith.constant 0 : i32
      %dma_wait3A_459 = tpu.memref_slice %arg14[%dma_wait3A_457, %dma_wait3A_458] : memref<10240x128xf32, #tpu.memory_space<vmem_shared>> -> memref<10240x128xf32, #tpu.memory_space<vmem_shared>>
      tpu.wait_indirect_dma semaphore(%arg23 : memref<!tpu.dma_semaphore, #tpu.memory_space<semaphore_mem>>) src(%dma_wait3A_454 : memref<64x128xf32, #tpu.memory_space<vmem>>) dst(%dma_wait3A_459 : memref<10240x128xf32, #tpu.memory_space<vmem_shared>>)
      %dma_wait3A_460 = arith.constant 64 : i32
      %dma_wait3A_461 = arith.constant 0 : i32
      %dma_wait3A_462 = tpu.memref_slice %arg13[%dma_wait3A_460, %dma_wait3A_461] : memref<128x128xf32, #tpu.memory_space<vmem>> -> memref<61x128xf32, #tpu.memory_space<vmem>>
      %dma_wait3A_463 = arith.constant 64 : i32
      %dma_wait3A_464 = tpu.memref_slice %arg9[%dma_wait3A_463] : memref<125xi32, #tpu.memory_space<vmem>> -> memref<61xi32, #tpu.memory_space<vmem>>
      %dma_wait3A_465 = arith.constant 0 : i32
      %dma_wait3A_466 = arith.constant 0 : i32
      %dma_wait3A_467 = tpu.memref_slice %arg14[%dma_wait3A_465, %dma_wait3A_466] : memref<10240x128xf32, #tpu.memory_space<vmem_shared>> -> memref<10240x128xf32, #tpu.memory_space<vmem_shared>>
      tpu.wait_indirect_dma semaphore(%arg25 : memref<!tpu.dma_semaphore, #tpu.memory_space<semaphore_mem>>) src(%dma_wait3A_462 : memref<61x128xf32, #tpu.memory_space<vmem>>) dst(%dma_wait3A_467 : memref<10240x128xf32, #tpu.memory_space<vmem_shared>>)
      %add3A_468 = arith.constant 2 : i32
      %add3A_469 = arith.addi %add3A_419, %add3A_468 : i32
      %lt3A_470 = arith.constant 80 : i32
      %lt3A_471 = arith.cmpi slt, %add3A_469, %lt3A_470 : i32
      %convert_element_type3A_472 = arith.extui %lt3A_471 : i1 to i32
      %cond3A_473 = arith.constant 0 : i32
      %cond3A_474 = arith.cmpi ne, %convert_element_type3A_472, %cond3A_473 : i32
      scf.if %cond3A_474 {
        %add3A_687 = arith.constant 2 : i32
        %add3A_688 = arith.addi %add3A_419, %add3A_687 : i32
        %dma_start3A_689 = arith.constant 0 : i32
        %dma_start3A_690 = tpu.memref_slice %arg2[%add3A, %add3A_688, %dma_start3A_689] : memref<32x80x125xi32, #tpu.memory_space<hbm>> -> memref<1x1x125xi32, #tpu.memory_space<hbm>>
        %dma_start3A_691 = tpu.memref_squeeze %dma_start3A_690 : memref<1x1x125xi32, #tpu.memory_space<hbm>> -> memref<125xi32, #tpu.memory_space<hbm>>
        %dma_start3A_692 = arith.constant 0 : i32
        %dma_start3A_693 = tpu.memref_slice %arg2[%add3A, %add3A_688, %dma_start3A_692] : memref<32x80x125xi32, #tpu.memory_space<hbm>> -> memref<1x1x125xi32, #tpu.memory_space<hbm>>
        %dma_start3A_694 = tpu.memref_squeeze %dma_start3A_693 : memref<1x1x125xi32, #tpu.memory_space<hbm>> -> memref<125xi32, #tpu.memory_space<hbm>>
        tpu.enqueue_dma source(%dma_start3A_694 : memref<125xi32, #tpu.memory_space<hbm>>) target(%arg6 : memref<125xi32, #tpu.memory_space<vmem>>) target_semaphore(%arg15 : memref<!tpu.dma_semaphore, #tpu.memory_space<semaphore_mem>>)
        %dma_start3A_695 = arith.constant 0 : i32
        %dma_start3A_696 = tpu.memref_slice %arg3[%add3A, %add3A_688, %dma_start3A_695] : memref<32x80x125xi32, #tpu.memory_space<hbm>> -> memref<1x1x125xi32, #tpu.memory_space<hbm>>
        %dma_start3A_697 = tpu.memref_squeeze %dma_start3A_696 : memref<1x1x125xi32, #tpu.memory_space<hbm>> -> memref<125xi32, #tpu.memory_space<hbm>>
        %dma_start3A_698 = arith.constant 0 : i32
        %dma_start3A_699 = tpu.memref_slice %arg3[%add3A, %add3A_688, %dma_start3A_698] : memref<32x80x125xi32, #tpu.memory_space<hbm>> -> memref<1x1x125xi32, #tpu.memory_space<hbm>>
        %dma_start3A_700 = tpu.memref_squeeze %dma_start3A_699 : memref<1x1x125xi32, #tpu.memory_space<hbm>> -> memref<125xi32, #tpu.memory_space<hbm>>
        tpu.enqueue_dma source(%dma_start3A_700 : memref<125xi32, #tpu.memory_space<hbm>>) target(%arg9 : memref<125xi32, #tpu.memory_space<vmem>>) target_semaphore(%arg15 : memref<!tpu.dma_semaphore, #tpu.memory_space<semaphore_mem>>)
      } else {
      }
      %add3A_475 = arith.constant 1 : i32
      %add3A_476 = arith.addi %add3A_419, %add3A_475 : i32
      %lt3A_477 = arith.constant 80 : i32
      %lt3A_478 = arith.cmpi slt, %add3A_476, %lt3A_477 : i32
      %convert_element_type3A_479 = arith.extui %lt3A_478 : i1 to i32
      %cond3A_480 = arith.constant 0 : i32
      %cond3A_481 = arith.cmpi ne, %convert_element_type3A_479, %cond3A_480 : i32
      scf.if %cond3A_481 {
        %add3A_687 = arith.constant 1 : i32
        %add3A_688 = arith.addi %add3A_419, %add3A_687 : i32
        %dma_wait3A_689 = arith.constant 0 : i32
        %dma_wait3A_690 = tpu.memref_slice %arg2[%add3A, %add3A_688, %dma_wait3A_689] : memref<32x80x125xi32, #tpu.memory_space<hbm>> -> memref<1x1x125xi32, #tpu.memory_space<hbm>>
        %dma_wait3A_691 = tpu.memref_squeeze %dma_wait3A_690 : memref<1x1x125xi32, #tpu.memory_space<hbm>> -> memref<125xi32, #tpu.memory_space<hbm>>
        %dma_wait3A_692 = arith.constant 0 : i32
        %dma_wait3A_693 = tpu.memref_slice %arg2[%add3A, %add3A_688, %dma_wait3A_692] : memref<32x80x125xi32, #tpu.memory_space<hbm>> -> memref<1x1x125xi32, #tpu.memory_space<hbm>>
        %dma_wait3A_694 = tpu.memref_squeeze %dma_wait3A_693 : memref<1x1x125xi32, #tpu.memory_space<hbm>> -> memref<125xi32, #tpu.memory_space<hbm>>
        tpu.wait_dma2 semaphore(%arg17 : memref<!tpu.dma_semaphore, #tpu.memory_space<semaphore_mem>>) src(%dma_wait3A_694 : memref<125xi32, #tpu.memory_space<hbm>>) dst(%arg8 : memref<125xi32, #tpu.memory_space<vmem>>)
        %dma_wait3A_695 = arith.constant 0 : i32
        %dma_wait3A_696 = tpu.memref_slice %arg3[%add3A, %add3A_688, %dma_wait3A_695] : memref<32x80x125xi32, #tpu.memory_space<hbm>> -> memref<1x1x125xi32, #tpu.memory_space<hbm>>
        %dma_wait3A_697 = tpu.memref_squeeze %dma_wait3A_696 : memref<1x1x125xi32, #tpu.memory_space<hbm>> -> memref<125xi32, #tpu.memory_space<hbm>>
        %dma_wait3A_698 = arith.constant 0 : i32
        %dma_wait3A_699 = tpu.memref_slice %arg3[%add3A, %add3A_688, %dma_wait3A_698] : memref<32x80x125xi32, #tpu.memory_space<hbm>> -> memref<1x1x125xi32, #tpu.memory_space<hbm>>
        %dma_wait3A_700 = tpu.memref_squeeze %dma_wait3A_699 : memref<1x1x125xi32, #tpu.memory_space<hbm>> -> memref<125xi32, #tpu.memory_space<hbm>>
        tpu.wait_dma2 semaphore(%arg17 : memref<!tpu.dma_semaphore, #tpu.memory_space<semaphore_mem>>) src(%dma_wait3A_700 : memref<125xi32, #tpu.memory_space<hbm>>) dst(%arg11 : memref<125xi32, #tpu.memory_space<vmem>>)
        %dma_start3A_701 = arith.constant 0 : i32
        %dma_start3A_702 = arith.constant 0 : i32
        %dma_start3A_703 = tpu.memref_slice %arg13[%dma_start3A_701, %dma_start3A_702] : memref<128x128xf32, #tpu.memory_space<vmem>> -> memref<64x128xf32, #tpu.memory_space<vmem>>
        %dma_start3A_704 = arith.constant 0 : i32
        %dma_start3A_705 = tpu.memref_slice %arg8[%dma_start3A_704] : memref<125xi32, #tpu.memory_space<vmem>> -> memref<64xi32, #tpu.memory_space<vmem>>
        %dma_start3A_706 = arith.constant 0 : i32
        %dma_start3A_707 = arith.constant 0 : i32
        %dma_start3A_708 = tpu.memref_slice %arg4[%dma_start3A_706, %dma_start3A_707] : memref<10000x128xf32, #tpu.memory_space<hbm>> -> memref<10000x128xf32, #tpu.memory_space<hbm>>
        tpu.enqueue_indirect_dma source(%dma_start3A_708 : memref<10000x128xf32, #tpu.memory_space<hbm>>) target(%dma_start3A_703 : memref<64x128xf32, #tpu.memory_space<vmem>>) offsets(%dma_start3A_705 : memref<64xi32, #tpu.memory_space<vmem>>) semaphore(%arg19 : memref<!tpu.dma_semaphore, #tpu.memory_space<semaphore_mem>>)
        %dma_start3A_709 = arith.constant 64 : i32
        %dma_start3A_710 = arith.constant 0 : i32
        %dma_start3A_711 = tpu.memref_slice %arg13[%dma_start3A_709, %dma_start3A_710] : memref<128x128xf32, #tpu.memory_space<vmem>> -> memref<61x128xf32, #tpu.memory_space<vmem>>
        %dma_start3A_712 = arith.constant 64 : i32
        %dma_start3A_713 = tpu.memref_slice %arg8[%dma_start3A_712] : memref<125xi32, #tpu.memory_space<vmem>> -> memref<61xi32, #tpu.memory_space<vmem>>
        %dma_start3A_714 = arith.constant 0 : i32
        %dma_start3A_715 = arith.constant 0 : i32
        %dma_start3A_716 = tpu.memref_slice %arg4[%dma_start3A_714, %dma_start3A_715] : memref<10000x128xf32, #tpu.memory_space<hbm>> -> memref<10000x128xf32, #tpu.memory_space<hbm>>
        tpu.enqueue_indirect_dma source(%dma_start3A_716 : memref<10000x128xf32, #tpu.memory_space<hbm>>) target(%dma_start3A_711 : memref<61x128xf32, #tpu.memory_space<vmem>>) offsets(%dma_start3A_713 : memref<61xi32, #tpu.memory_space<vmem>>) semaphore(%arg21 : memref<!tpu.dma_semaphore, #tpu.memory_space<semaphore_mem>>)
      } else {
      }
      %mul3A_482 = arith.constant 6 : i32
      %mul3A_483 = arith.muli %mul3A_482, %scan3A_279 : i32
      %add3A_484 = arith.constant 2 : i32
      %add3A_485 = arith.addi %mul3A_483, %add3A_484 : i32
      %add3A_486 = arith.constant 3 : i32
      %add3A_487 = arith.addi %add3A_485, %add3A_486 : i32
      %dma_wait3A_488 = arith.constant 0 : i32
      %dma_wait3A_489 = arith.constant 0 : i32
      %dma_wait3A_490 = tpu.memref_slice %arg13[%dma_wait3A_488, %dma_wait3A_489] : memref<128x128xf32, #tpu.memory_space<vmem>> -> memref<64x128xf32, #tpu.memory_space<vmem>>
      %dma_wait3A_491 = arith.constant 0 : i32
      %dma_wait3A_492 = tpu.memref_slice %arg8[%dma_wait3A_491] : memref<125xi32, #tpu.memory_space<vmem>> -> memref<64xi32, #tpu.memory_space<vmem>>
      %dma_wait3A_493 = arith.constant 0 : i32
      %dma_wait3A_494 = arith.constant 0 : i32
      %dma_wait3A_495 = tpu.memref_slice %arg4[%dma_wait3A_493, %dma_wait3A_494] : memref<10000x128xf32, #tpu.memory_space<hbm>> -> memref<10000x128xf32, #tpu.memory_space<hbm>>
      tpu.wait_indirect_dma semaphore(%arg19 : memref<!tpu.dma_semaphore, #tpu.memory_space<semaphore_mem>>) src(%dma_wait3A_495 : memref<10000x128xf32, #tpu.memory_space<hbm>>) dst(%dma_wait3A_490 : memref<64x128xf32, #tpu.memory_space<vmem>>)
      %dma_wait3A_496 = arith.constant 64 : i32
      %dma_wait3A_497 = arith.constant 0 : i32
      %dma_wait3A_498 = tpu.memref_slice %arg13[%dma_wait3A_496, %dma_wait3A_497] : memref<128x128xf32, #tpu.memory_space<vmem>> -> memref<61x128xf32, #tpu.memory_space<vmem>>
      %dma_wait3A_499 = arith.constant 64 : i32
      %dma_wait3A_500 = tpu.memref_slice %arg8[%dma_wait3A_499] : memref<125xi32, #tpu.memory_space<vmem>> -> memref<61xi32, #tpu.memory_space<vmem>>
      %dma_wait3A_501 = arith.constant 0 : i32
      %dma_wait3A_502 = arith.constant 0 : i32
      %dma_wait3A_503 = tpu.memref_slice %arg4[%dma_wait3A_501, %dma_wait3A_502] : memref<10000x128xf32, #tpu.memory_space<hbm>> -> memref<10000x128xf32, #tpu.memory_space<hbm>>
      tpu.wait_indirect_dma semaphore(%arg21 : memref<!tpu.dma_semaphore, #tpu.memory_space<semaphore_mem>>) src(%dma_wait3A_503 : memref<10000x128xf32, #tpu.memory_space<hbm>>) dst(%dma_wait3A_498 : memref<61x128xf32, #tpu.memory_space<vmem>>)
      %dma_start3A_504 = arith.constant 0 : i32
      %dma_start3A_505 = arith.constant 0 : i32
      %dma_start3A_506 = tpu.memref_slice %arg13[%dma_start3A_504, %dma_start3A_505] : memref<128x128xf32, #tpu.memory_space<vmem>> -> memref<64x128xf32, #tpu.memory_space<vmem>>
      %dma_start3A_507 = arith.constant 0 : i32
      %dma_start3A_508 = tpu.memref_slice %arg11[%dma_start3A_507] : memref<125xi32, #tpu.memory_space<vmem>> -> memref<64xi32, #tpu.memory_space<vmem>>
      %dma_start3A_509 = arith.constant 0 : i32
      %dma_start3A_510 = arith.constant 0 : i32
      %dma_start3A_511 = tpu.memref_slice %arg14[%dma_start3A_509, %dma_start3A_510] : memref<10240x128xf32, #tpu.memory_space<vmem_shared>> -> memref<10240x128xf32, #tpu.memory_space<vmem_shared>>
      tpu.enqueue_indirect_dma source(%dma_start3A_506 : memref<64x128xf32, #tpu.memory_space<vmem>>) target(%dma_start3A_511 : memref<10240x128xf32, #tpu.memory_space<vmem_shared>>) offsets(%dma_start3A_508 : memref<64xi32, #tpu.memory_space<vmem>>) semaphore(%arg23 : memref<!tpu.dma_semaphore, #tpu.memory_space<semaphore_mem>>) {add = true}
      %dma_start3A_512 = arith.constant 64 : i32
      %dma_start3A_513 = arith.constant 0 : i32
      %dma_start3A_514 = tpu.memref_slice %arg13[%dma_start3A_512, %dma_start3A_513] : memref<128x128xf32, #tpu.memory_space<vmem>> -> memref<61x128xf32, #tpu.memory_space<vmem>>
      %dma_start3A_515 = arith.constant 64 : i32
      %dma_start3A_516 = tpu.memref_slice %arg11[%dma_start3A_515] : memref<125xi32, #tpu.memory_space<vmem>> -> memref<61xi32, #tpu.memory_space<vmem>>
      %dma_start3A_517 = arith.constant 0 : i32
      %dma_start3A_518 = arith.constant 0 : i32
      %dma_start3A_519 = tpu.memref_slice %arg14[%dma_start3A_517, %dma_start3A_518] : memref<10240x128xf32, #tpu.memory_space<vmem_shared>> -> memref<10240x128xf32, #tpu.memory_space<vmem_shared>>
      tpu.enqueue_indirect_dma source(%dma_start3A_514 : memref<61x128xf32, #tpu.memory_space<vmem>>) target(%dma_start3A_519 : memref<10240x128xf32, #tpu.memory_space<vmem_shared>>) offsets(%dma_start3A_516 : memref<61xi32, #tpu.memory_space<vmem>>) semaphore(%arg25 : memref<!tpu.dma_semaphore, #tpu.memory_space<semaphore_mem>>) {add = true}
      %dma_wait3A_520 = arith.constant 0 : i32
      %dma_wait3A_521 = arith.constant 0 : i32
      %dma_wait3A_522 = tpu.memref_slice %arg12[%dma_wait3A_520, %dma_wait3A_521] : memref<128x128xf32, #tpu.memory_space<vmem>> -> memref<64x128xf32, #tpu.memory_space<vmem>>
      %dma_wait3A_523 = arith.constant 0 : i32
      %dma_wait3A_524 = tpu.memref_slice %arg10[%dma_wait3A_523] : memref<125xi32, #tpu.memory_space<vmem>> -> memref<64xi32, #tpu.memory_space<vmem>>
      %dma_wait3A_525 = arith.constant 0 : i32
      %dma_wait3A_526 = arith.constant 0 : i32
      %dma_wait3A_527 = tpu.memref_slice %arg14[%dma_wait3A_525, %dma_wait3A_526] : memref<10240x128xf32, #tpu.memory_space<vmem_shared>> -> memref<10240x128xf32, #tpu.memory_space<vmem_shared>>
      tpu.wait_indirect_dma semaphore(%arg22 : memref<!tpu.dma_semaphore, #tpu.memory_space<semaphore_mem>>) src(%dma_wait3A_522 : memref<64x128xf32, #tpu.memory_space<vmem>>) dst(%dma_wait3A_527 : memref<10240x128xf32, #tpu.memory_space<vmem_shared>>)
      %dma_wait3A_528 = arith.constant 64 : i32
      %dma_wait3A_529 = arith.constant 0 : i32
      %dma_wait3A_530 = tpu.memref_slice %arg12[%dma_wait3A_528, %dma_wait3A_529] : memref<128x128xf32, #tpu.memory_space<vmem>> -> memref<61x128xf32, #tpu.memory_space<vmem>>
      %dma_wait3A_531 = arith.constant 64 : i32
      %dma_wait3A_532 = tpu.memref_slice %arg10[%dma_wait3A_531] : memref<125xi32, #tpu.memory_space<vmem>> -> memref<61xi32, #tpu.memory_space<vmem>>
      %dma_wait3A_533 = arith.constant 0 : i32
      %dma_wait3A_534 = arith.constant 0 : i32
      %dma_wait3A_535 = tpu.memref_slice %arg14[%dma_wait3A_533, %dma_wait3A_534] : memref<10240x128xf32, #tpu.memory_space<vmem_shared>> -> memref<10240x128xf32, #tpu.memory_space<vmem_shared>>
      tpu.wait_indirect_dma semaphore(%arg24 : memref<!tpu.dma_semaphore, #tpu.memory_space<semaphore_mem>>) src(%dma_wait3A_530 : memref<61x128xf32, #tpu.memory_space<vmem>>) dst(%dma_wait3A_535 : memref<10240x128xf32, #tpu.memory_space<vmem_shared>>)
      %add3A_536 = arith.constant 2 : i32
      %add3A_537 = arith.addi %add3A_487, %add3A_536 : i32
      %lt3A_538 = arith.constant 80 : i32
      %lt3A_539 = arith.cmpi slt, %add3A_537, %lt3A_538 : i32
      %convert_element_type3A_540 = arith.extui %lt3A_539 : i1 to i32
      %cond3A_541 = arith.constant 0 : i32
      %cond3A_542 = arith.cmpi ne, %convert_element_type3A_540, %cond3A_541 : i32
      scf.if %cond3A_542 {
        %add3A_687 = arith.constant 2 : i32
        %add3A_688 = arith.addi %add3A_487, %add3A_687 : i32
        %dma_start3A_689 = arith.constant 0 : i32
        %dma_start3A_690 = tpu.memref_slice %arg2[%add3A, %add3A_688, %dma_start3A_689] : memref<32x80x125xi32, #tpu.memory_space<hbm>> -> memref<1x1x125xi32, #tpu.memory_space<hbm>>
        %dma_start3A_691 = tpu.memref_squeeze %dma_start3A_690 : memref<1x1x125xi32, #tpu.memory_space<hbm>> -> memref<125xi32, #tpu.memory_space<hbm>>
        %dma_start3A_692 = arith.constant 0 : i32
        %dma_start3A_693 = tpu.memref_slice %arg2[%add3A, %add3A_688, %dma_start3A_692] : memref<32x80x125xi32, #tpu.memory_space<hbm>> -> memref<1x1x125xi32, #tpu.memory_space<hbm>>
        %dma_start3A_694 = tpu.memref_squeeze %dma_start3A_693 : memref<1x1x125xi32, #tpu.memory_space<hbm>> -> memref<125xi32, #tpu.memory_space<hbm>>
        tpu.enqueue_dma source(%dma_start3A_694 : memref<125xi32, #tpu.memory_space<hbm>>) target(%arg7 : memref<125xi32, #tpu.memory_space<vmem>>) target_semaphore(%arg16 : memref<!tpu.dma_semaphore, #tpu.memory_space<semaphore_mem>>)
        %dma_start3A_695 = arith.constant 0 : i32
        %dma_start3A_696 = tpu.memref_slice %arg3[%add3A, %add3A_688, %dma_start3A_695] : memref<32x80x125xi32, #tpu.memory_space<hbm>> -> memref<1x1x125xi32, #tpu.memory_space<hbm>>
        %dma_start3A_697 = tpu.memref_squeeze %dma_start3A_696 : memref<1x1x125xi32, #tpu.memory_space<hbm>> -> memref<125xi32, #tpu.memory_space<hbm>>
        %dma_start3A_698 = arith.constant 0 : i32
        %dma_start3A_699 = tpu.memref_slice %arg3[%add3A, %add3A_688, %dma_start3A_698] : memref<32x80x125xi32, #tpu.memory_space<hbm>> -> memref<1x1x125xi32, #tpu.memory_space<hbm>>
        %dma_start3A_700 = tpu.memref_squeeze %dma_start3A_699 : memref<1x1x125xi32, #tpu.memory_space<hbm>> -> memref<125xi32, #tpu.memory_space<hbm>>
        tpu.enqueue_dma source(%dma_start3A_700 : memref<125xi32, #tpu.memory_space<hbm>>) target(%arg10 : memref<125xi32, #tpu.memory_space<vmem>>) target_semaphore(%arg16 : memref<!tpu.dma_semaphore, #tpu.memory_space<semaphore_mem>>)
      } else {
      }
      %add3A_543 = arith.constant 1 : i32
      %add3A_544 = arith.addi %add3A_487, %add3A_543 : i32
      %lt3A_545 = arith.constant 80 : i32
      %lt3A_546 = arith.cmpi slt, %add3A_544, %lt3A_545 : i32
      %convert_element_type3A_547 = arith.extui %lt3A_546 : i1 to i32
      %cond3A_548 = arith.constant 0 : i32
      %cond3A_549 = arith.cmpi ne, %convert_element_type3A_547, %cond3A_548 : i32
      scf.if %cond3A_549 {
        %add3A_687 = arith.constant 1 : i32
        %add3A_688 = arith.addi %add3A_487, %add3A_687 : i32
        %dma_wait3A_689 = arith.constant 0 : i32
        %dma_wait3A_690 = tpu.memref_slice %arg2[%add3A, %add3A_688, %dma_wait3A_689] : memref<32x80x125xi32, #tpu.memory_space<hbm>> -> memref<1x1x125xi32, #tpu.memory_space<hbm>>
        %dma_wait3A_691 = tpu.memref_squeeze %dma_wait3A_690 : memref<1x1x125xi32, #tpu.memory_space<hbm>> -> memref<125xi32, #tpu.memory_space<hbm>>
        %dma_wait3A_692 = arith.constant 0 : i32
        %dma_wait3A_693 = tpu.memref_slice %arg2[%add3A, %add3A_688, %dma_wait3A_692] : memref<32x80x125xi32, #tpu.memory_space<hbm>> -> memref<1x1x125xi32, #tpu.memory_space<hbm>>
        %dma_wait3A_694 = tpu.memref_squeeze %dma_wait3A_693 : memref<1x1x125xi32, #tpu.memory_space<hbm>> -> memref<125xi32, #tpu.memory_space<hbm>>
        tpu.wait_dma2 semaphore(%arg15 : memref<!tpu.dma_semaphore, #tpu.memory_space<semaphore_mem>>) src(%dma_wait3A_694 : memref<125xi32, #tpu.memory_space<hbm>>) dst(%arg6 : memref<125xi32, #tpu.memory_space<vmem>>)
        %dma_wait3A_695 = arith.constant 0 : i32
        %dma_wait3A_696 = tpu.memref_slice %arg3[%add3A, %add3A_688, %dma_wait3A_695] : memref<32x80x125xi32, #tpu.memory_space<hbm>> -> memref<1x1x125xi32, #tpu.memory_space<hbm>>
        %dma_wait3A_697 = tpu.memref_squeeze %dma_wait3A_696 : memref<1x1x125xi32, #tpu.memory_space<hbm>> -> memref<125xi32, #tpu.memory_space<hbm>>
        %dma_wait3A_698 = arith.constant 0 : i32
        %dma_wait3A_699 = tpu.memref_slice %arg3[%add3A, %add3A_688, %dma_wait3A_698] : memref<32x80x125xi32, #tpu.memory_space<hbm>> -> memref<1x1x125xi32, #tpu.memory_space<hbm>>
        %dma_wait3A_700 = tpu.memref_squeeze %dma_wait3A_699 : memref<1x1x125xi32, #tpu.memory_space<hbm>> -> memref<125xi32, #tpu.memory_space<hbm>>
        tpu.wait_dma2 semaphore(%arg15 : memref<!tpu.dma_semaphore, #tpu.memory_space<semaphore_mem>>) src(%dma_wait3A_700 : memref<125xi32, #tpu.memory_space<hbm>>) dst(%arg9 : memref<125xi32, #tpu.memory_space<vmem>>)
        %dma_start3A_701 = arith.constant 0 : i32
        %dma_start3A_702 = arith.constant 0 : i32
        %dma_start3A_703 = tpu.memref_slice %arg12[%dma_start3A_701, %dma_start3A_702] : memref<128x128xf32, #tpu.memory_space<vmem>> -> memref<64x128xf32, #tpu.memory_space<vmem>>
        %dma_start3A_704 = arith.constant 0 : i32
        %dma_start3A_705 = tpu.memref_slice %arg6[%dma_start3A_704] : memref<125xi32, #tpu.memory_space<vmem>> -> memref<64xi32, #tpu.memory_space<vmem>>
        %dma_start3A_706 = arith.constant 0 : i32
        %dma_start3A_707 = arith.constant 0 : i32
        %dma_start3A_708 = tpu.memref_slice %arg4[%dma_start3A_706, %dma_start3A_707] : memref<10000x128xf32, #tpu.memory_space<hbm>> -> memref<10000x128xf32, #tpu.memory_space<hbm>>
        tpu.enqueue_indirect_dma source(%dma_start3A_708 : memref<10000x128xf32, #tpu.memory_space<hbm>>) target(%dma_start3A_703 : memref<64x128xf32, #tpu.memory_space<vmem>>) offsets(%dma_start3A_705 : memref<64xi32, #tpu.memory_space<vmem>>) semaphore(%arg18 : memref<!tpu.dma_semaphore, #tpu.memory_space<semaphore_mem>>)
        %dma_start3A_709 = arith.constant 64 : i32
        %dma_start3A_710 = arith.constant 0 : i32
        %dma_start3A_711 = tpu.memref_slice %arg12[%dma_start3A_709, %dma_start3A_710] : memref<128x128xf32, #tpu.memory_space<vmem>> -> memref<61x128xf32, #tpu.memory_space<vmem>>
        %dma_start3A_712 = arith.constant 64 : i32
        %dma_start3A_713 = tpu.memref_slice %arg6[%dma_start3A_712] : memref<125xi32, #tpu.memory_space<vmem>> -> memref<61xi32, #tpu.memory_space<vmem>>
        %dma_start3A_714 = arith.constant 0 : i32
        %dma_start3A_715 = arith.constant 0 : i32
        %dma_start3A_716 = tpu.memref_slice %arg4[%dma_start3A_714, %dma_start3A_715] : memref<10000x128xf32, #tpu.memory_space<hbm>> -> memref<10000x128xf32, #tpu.memory_space<hbm>>
        tpu.enqueue_indirect_dma source(%dma_start3A_716 : memref<10000x128xf32, #tpu.memory_space<hbm>>) target(%dma_start3A_711 : memref<61x128xf32, #tpu.memory_space<vmem>>) offsets(%dma_start3A_713 : memref<61xi32, #tpu.memory_space<vmem>>) semaphore(%arg20 : memref<!tpu.dma_semaphore, #tpu.memory_space<semaphore_mem>>)
      } else {
      }
      %mul3A_550 = arith.constant 6 : i32
      %mul3A_551 = arith.muli %mul3A_550, %scan3A_279 : i32
      %add3A_552 = arith.constant 2 : i32
      %add3A_553 = arith.addi %mul3A_551, %add3A_552 : i32
      %add3A_554 = arith.constant 4 : i32
      %add3A_555 = arith.addi %add3A_553, %add3A_554 : i32
      %dma_wait3A_556 = arith.constant 0 : i32
      %dma_wait3A_557 = arith.constant 0 : i32
      %dma_wait3A_558 = tpu.memref_slice %arg12[%dma_wait3A_556, %dma_wait3A_557] : memref<128x128xf32, #tpu.memory_space<vmem>> -> memref<64x128xf32, #tpu.memory_space<vmem>>
      %dma_wait3A_559 = arith.constant 0 : i32
      %dma_wait3A_560 = tpu.memref_slice %arg6[%dma_wait3A_559] : memref<125xi32, #tpu.memory_space<vmem>> -> memref<64xi32, #tpu.memory_space<vmem>>
      %dma_wait3A_561 = arith.constant 0 : i32
      %dma_wait3A_562 = arith.constant 0 : i32
      %dma_wait3A_563 = tpu.memref_slice %arg4[%dma_wait3A_561, %dma_wait3A_562] : memref<10000x128xf32, #tpu.memory_space<hbm>> -> memref<10000x128xf32, #tpu.memory_space<hbm>>
      tpu.wait_indirect_dma semaphore(%arg18 : memref<!tpu.dma_semaphore, #tpu.memory_space<semaphore_mem>>) src(%dma_wait3A_563 : memref<10000x128xf32, #tpu.memory_space<hbm>>) dst(%dma_wait3A_558 : memref<64x128xf32, #tpu.memory_space<vmem>>)
      %dma_wait3A_564 = arith.constant 64 : i32
      %dma_wait3A_565 = arith.constant 0 : i32
      %dma_wait3A_566 = tpu.memref_slice %arg12[%dma_wait3A_564, %dma_wait3A_565] : memref<128x128xf32, #tpu.memory_space<vmem>> -> memref<61x128xf32, #tpu.memory_space<vmem>>
      %dma_wait3A_567 = arith.constant 64 : i32
      %dma_wait3A_568 = tpu.memref_slice %arg6[%dma_wait3A_567] : memref<125xi32, #tpu.memory_space<vmem>> -> memref<61xi32, #tpu.memory_space<vmem>>
      %dma_wait3A_569 = arith.constant 0 : i32
      %dma_wait3A_570 = arith.constant 0 : i32
      %dma_wait3A_571 = tpu.memref_slice %arg4[%dma_wait3A_569, %dma_wait3A_570] : memref<10000x128xf32, #tpu.memory_space<hbm>> -> memref<10000x128xf32, #tpu.memory_space<hbm>>
      tpu.wait_indirect_dma semaphore(%arg20 : memref<!tpu.dma_semaphore, #tpu.memory_space<semaphore_mem>>) src(%dma_wait3A_571 : memref<10000x128xf32, #tpu.memory_space<hbm>>) dst(%dma_wait3A_566 : memref<61x128xf32, #tpu.memory_space<vmem>>)
      %dma_start3A_572 = arith.constant 0 : i32
      %dma_start3A_573 = arith.constant 0 : i32
      %dma_start3A_574 = tpu.memref_slice %arg12[%dma_start3A_572, %dma_start3A_573] : memref<128x128xf32, #tpu.memory_space<vmem>> -> memref<64x128xf32, #tpu.memory_space<vmem>>
      %dma_start3A_575 = arith.constant 0 : i32
      %dma_start3A_576 = tpu.memref_slice %arg9[%dma_start3A_575] : memref<125xi32, #tpu.memory_space<vmem>> -> memref<64xi32, #tpu.memory_space<vmem>>
      %dma_start3A_577 = arith.constant 0 : i32
      %dma_start3A_578 = arith.constant 0 : i32
      %dma_start3A_579 = tpu.memref_slice %arg14[%dma_start3A_577, %dma_start3A_578] : memref<10240x128xf32, #tpu.memory_space<vmem_shared>> -> memref<10240x128xf32, #tpu.memory_space<vmem_shared>>
      tpu.enqueue_indirect_dma source(%dma_start3A_574 : memref<64x128xf32, #tpu.memory_space<vmem>>) target(%dma_start3A_579 : memref<10240x128xf32, #tpu.memory_space<vmem_shared>>) offsets(%dma_start3A_576 : memref<64xi32, #tpu.memory_space<vmem>>) semaphore(%arg22 : memref<!tpu.dma_semaphore, #tpu.memory_space<semaphore_mem>>) {add = true}
      %dma_start3A_580 = arith.constant 64 : i32
      %dma_start3A_581 = arith.constant 0 : i32
      %dma_start3A_582 = tpu.memref_slice %arg12[%dma_start3A_580, %dma_start3A_581] : memref<128x128xf32, #tpu.memory_space<vmem>> -> memref<61x128xf32, #tpu.memory_space<vmem>>
      %dma_start3A_583 = arith.constant 64 : i32
      %dma_start3A_584 = tpu.memref_slice %arg9[%dma_start3A_583] : memref<125xi32, #tpu.memory_space<vmem>> -> memref<61xi32, #tpu.memory_space<vmem>>
      %dma_start3A_585 = arith.constant 0 : i32
      %dma_start3A_586 = arith.constant 0 : i32
      %dma_start3A_587 = tpu.memref_slice %arg14[%dma_start3A_585, %dma_start3A_586] : memref<10240x128xf32, #tpu.memory_space<vmem_shared>> -> memref<10240x128xf32, #tpu.memory_space<vmem_shared>>
      tpu.enqueue_indirect_dma source(%dma_start3A_582 : memref<61x128xf32, #tpu.memory_space<vmem>>) target(%dma_start3A_587 : memref<10240x128xf32, #tpu.memory_space<vmem_shared>>) offsets(%dma_start3A_584 : memref<61xi32, #tpu.memory_space<vmem>>) semaphore(%arg24 : memref<!tpu.dma_semaphore, #tpu.memory_space<semaphore_mem>>) {add = true}
      %dma_wait3A_588 = arith.constant 0 : i32
      %dma_wait3A_589 = arith.constant 0 : i32
      %dma_wait3A_590 = tpu.memref_slice %arg13[%dma_wait3A_588, %dma_wait3A_589] : memref<128x128xf32, #tpu.memory_space<vmem>> -> memref<64x128xf32, #tpu.memory_space<vmem>>
      %dma_wait3A_591 = arith.constant 0 : i32
      %dma_wait3A_592 = tpu.memref_slice %arg11[%dma_wait3A_591] : memref<125xi32, #tpu.memory_space<vmem>> -> memref<64xi32, #tpu.memory_space<vmem>>
      %dma_wait3A_593 = arith.constant 0 : i32
      %dma_wait3A_594 = arith.constant 0 : i32
      %dma_wait3A_595 = tpu.memref_slice %arg14[%dma_wait3A_593, %dma_wait3A_594] : memref<10240x128xf32, #tpu.memory_space<vmem_shared>> -> memref<10240x128xf32, #tpu.memory_space<vmem_shared>>
      tpu.wait_indirect_dma semaphore(%arg23 : memref<!tpu.dma_semaphore, #tpu.memory_space<semaphore_mem>>) src(%dma_wait3A_590 : memref<64x128xf32, #tpu.memory_space<vmem>>) dst(%dma_wait3A_595 : memref<10240x128xf32, #tpu.memory_space<vmem_shared>>)
      %dma_wait3A_596 = arith.constant 64 : i32
      %dma_wait3A_597 = arith.constant 0 : i32
      %dma_wait3A_598 = tpu.memref_slice %arg13[%dma_wait3A_596, %dma_wait3A_597] : memref<128x128xf32, #tpu.memory_space<vmem>> -> memref<61x128xf32, #tpu.memory_space<vmem>>
      %dma_wait3A_599 = arith.constant 64 : i32
      %dma_wait3A_600 = tpu.memref_slice %arg11[%dma_wait3A_599] : memref<125xi32, #tpu.memory_space<vmem>> -> memref<61xi32, #tpu.memory_space<vmem>>
      %dma_wait3A_601 = arith.constant 0 : i32
      %dma_wait3A_602 = arith.constant 0 : i32
      %dma_wait3A_603 = tpu.memref_slice %arg14[%dma_wait3A_601, %dma_wait3A_602] : memref<10240x128xf32, #tpu.memory_space<vmem_shared>> -> memref<10240x128xf32, #tpu.memory_space<vmem_shared>>
      tpu.wait_indirect_dma semaphore(%arg25 : memref<!tpu.dma_semaphore, #tpu.memory_space<semaphore_mem>>) src(%dma_wait3A_598 : memref<61x128xf32, #tpu.memory_space<vmem>>) dst(%dma_wait3A_603 : memref<10240x128xf32, #tpu.memory_space<vmem_shared>>)
      %add3A_604 = arith.constant 2 : i32
      %add3A_605 = arith.addi %add3A_555, %add3A_604 : i32
      %lt3A_606 = arith.constant 80 : i32
      %lt3A_607 = arith.cmpi slt, %add3A_605, %lt3A_606 : i32
      %convert_element_type3A_608 = arith.extui %lt3A_607 : i1 to i32
      %cond3A_609 = arith.constant 0 : i32
      %cond3A_610 = arith.cmpi ne, %convert_element_type3A_608, %cond3A_609 : i32
      scf.if %cond3A_610 {
        %add3A_687 = arith.constant 2 : i32
        %add3A_688 = arith.addi %add3A_555, %add3A_687 : i32
        %dma_start3A_689 = arith.constant 0 : i32
        %dma_start3A_690 = tpu.memref_slice %arg2[%add3A, %add3A_688, %dma_start3A_689] : memref<32x80x125xi32, #tpu.memory_space<hbm>> -> memref<1x1x125xi32, #tpu.memory_space<hbm>>
        %dma_start3A_691 = tpu.memref_squeeze %dma_start3A_690 : memref<1x1x125xi32, #tpu.memory_space<hbm>> -> memref<125xi32, #tpu.memory_space<hbm>>
        %dma_start3A_692 = arith.constant 0 : i32
        %dma_start3A_693 = tpu.memref_slice %arg2[%add3A, %add3A_688, %dma_start3A_692] : memref<32x80x125xi32, #tpu.memory_space<hbm>> -> memref<1x1x125xi32, #tpu.memory_space<hbm>>
        %dma_start3A_694 = tpu.memref_squeeze %dma_start3A_693 : memref<1x1x125xi32, #tpu.memory_space<hbm>> -> memref<125xi32, #tpu.memory_space<hbm>>
        tpu.enqueue_dma source(%dma_start3A_694 : memref<125xi32, #tpu.memory_space<hbm>>) target(%arg8 : memref<125xi32, #tpu.memory_space<vmem>>) target_semaphore(%arg17 : memref<!tpu.dma_semaphore, #tpu.memory_space<semaphore_mem>>)
        %dma_start3A_695 = arith.constant 0 : i32
        %dma_start3A_696 = tpu.memref_slice %arg3[%add3A, %add3A_688, %dma_start3A_695] : memref<32x80x125xi32, #tpu.memory_space<hbm>> -> memref<1x1x125xi32, #tpu.memory_space<hbm>>
        %dma_start3A_697 = tpu.memref_squeeze %dma_start3A_696 : memref<1x1x125xi32, #tpu.memory_space<hbm>> -> memref<125xi32, #tpu.memory_space<hbm>>
        %dma_start3A_698 = arith.constant 0 : i32
        %dma_start3A_699 = tpu.memref_slice %arg3[%add3A, %add3A_688, %dma_start3A_698] : memref<32x80x125xi32, #tpu.memory_space<hbm>> -> memref<1x1x125xi32, #tpu.memory_space<hbm>>
        %dma_start3A_700 = tpu.memref_squeeze %dma_start3A_699 : memref<1x1x125xi32, #tpu.memory_space<hbm>> -> memref<125xi32, #tpu.memory_space<hbm>>
        tpu.enqueue_dma source(%dma_start3A_700 : memref<125xi32, #tpu.memory_space<hbm>>) target(%arg11 : memref<125xi32, #tpu.memory_space<vmem>>) target_semaphore(%arg17 : memref<!tpu.dma_semaphore, #tpu.memory_space<semaphore_mem>>)
      } else {
      }
      %add3A_611 = arith.constant 1 : i32
      %add3A_612 = arith.addi %add3A_555, %add3A_611 : i32
      %lt3A_613 = arith.constant 80 : i32
      %lt3A_614 = arith.cmpi slt, %add3A_612, %lt3A_613 : i32
      %convert_element_type3A_615 = arith.extui %lt3A_614 : i1 to i32
      %cond3A_616 = arith.constant 0 : i32
      %cond3A_617 = arith.cmpi ne, %convert_element_type3A_615, %cond3A_616 : i32
      scf.if %cond3A_617 {
        %add3A_687 = arith.constant 1 : i32
        %add3A_688 = arith.addi %add3A_555, %add3A_687 : i32
        %dma_wait3A_689 = arith.constant 0 : i32
        %dma_wait3A_690 = tpu.memref_slice %arg2[%add3A, %add3A_688, %dma_wait3A_689] : memref<32x80x125xi32, #tpu.memory_space<hbm>> -> memref<1x1x125xi32, #tpu.memory_space<hbm>>
        %dma_wait3A_691 = tpu.memref_squeeze %dma_wait3A_690 : memref<1x1x125xi32, #tpu.memory_space<hbm>> -> memref<125xi32, #tpu.memory_space<hbm>>
        %dma_wait3A_692 = arith.constant 0 : i32
        %dma_wait3A_693 = tpu.memref_slice %arg2[%add3A, %add3A_688, %dma_wait3A_692] : memref<32x80x125xi32, #tpu.memory_space<hbm>> -> memref<1x1x125xi32, #tpu.memory_space<hbm>>
        %dma_wait3A_694 = tpu.memref_squeeze %dma_wait3A_693 : memref<1x1x125xi32, #tpu.memory_space<hbm>> -> memref<125xi32, #tpu.memory_space<hbm>>
        tpu.wait_dma2 semaphore(%arg16 : memref<!tpu.dma_semaphore, #tpu.memory_space<semaphore_mem>>) src(%dma_wait3A_694 : memref<125xi32, #tpu.memory_space<hbm>>) dst(%arg7 : memref<125xi32, #tpu.memory_space<vmem>>)
        %dma_wait3A_695 = arith.constant 0 : i32
        %dma_wait3A_696 = tpu.memref_slice %arg3[%add3A, %add3A_688, %dma_wait3A_695] : memref<32x80x125xi32, #tpu.memory_space<hbm>> -> memref<1x1x125xi32, #tpu.memory_space<hbm>>
        %dma_wait3A_697 = tpu.memref_squeeze %dma_wait3A_696 : memref<1x1x125xi32, #tpu.memory_space<hbm>> -> memref<125xi32, #tpu.memory_space<hbm>>
        %dma_wait3A_698 = arith.constant 0 : i32
        %dma_wait3A_699 = tpu.memref_slice %arg3[%add3A, %add3A_688, %dma_wait3A_698] : memref<32x80x125xi32, #tpu.memory_space<hbm>> -> memref<1x1x125xi32, #tpu.memory_space<hbm>>
        %dma_wait3A_700 = tpu.memref_squeeze %dma_wait3A_699 : memref<1x1x125xi32, #tpu.memory_space<hbm>> -> memref<125xi32, #tpu.memory_space<hbm>>
        tpu.wait_dma2 semaphore(%arg16 : memref<!tpu.dma_semaphore, #tpu.memory_space<semaphore_mem>>) src(%dma_wait3A_700 : memref<125xi32, #tpu.memory_space<hbm>>) dst(%arg10 : memref<125xi32, #tpu.memory_space<vmem>>)
        %dma_start3A_701 = arith.constant 0 : i32
        %dma_start3A_702 = arith.constant 0 : i32
        %dma_start3A_703 = tpu.memref_slice %arg13[%dma_start3A_701, %dma_start3A_702] : memref<128x128xf32, #tpu.memory_space<vmem>> -> memref<64x128xf32, #tpu.memory_space<vmem>>
        %dma_start3A_704 = arith.constant 0 : i32
        %dma_start3A_705 = tpu.memref_slice %arg7[%dma_start3A_704] : memref<125xi32, #tpu.memory_space<vmem>> -> memref<64xi32, #tpu.memory_space<vmem>>
        %dma_start3A_706 = arith.constant 0 : i32
        %dma_start3A_707 = arith.constant 0 : i32
        %dma_start3A_708 = tpu.memref_slice %arg4[%dma_start3A_706, %dma_start3A_707] : memref<10000x128xf32, #tpu.memory_space<hbm>> -> memref<10000x128xf32, #tpu.memory_space<hbm>>
        tpu.enqueue_indirect_dma source(%dma_start3A_708 : memref<10000x128xf32, #tpu.memory_space<hbm>>) target(%dma_start3A_703 : memref<64x128xf32, #tpu.memory_space<vmem>>) offsets(%dma_start3A_705 : memref<64xi32, #tpu.memory_space<vmem>>) semaphore(%arg19 : memref<!tpu.dma_semaphore, #tpu.memory_space<semaphore_mem>>)
        %dma_start3A_709 = arith.constant 64 : i32
        %dma_start3A_710 = arith.constant 0 : i32
        %dma_start3A_711 = tpu.memref_slice %arg13[%dma_start3A_709, %dma_start3A_710] : memref<128x128xf32, #tpu.memory_space<vmem>> -> memref<61x128xf32, #tpu.memory_space<vmem>>
        %dma_start3A_712 = arith.constant 64 : i32
        %dma_start3A_713 = tpu.memref_slice %arg7[%dma_start3A_712] : memref<125xi32, #tpu.memory_space<vmem>> -> memref<61xi32, #tpu.memory_space<vmem>>
        %dma_start3A_714 = arith.constant 0 : i32
        %dma_start3A_715 = arith.constant 0 : i32
        %dma_start3A_716 = tpu.memref_slice %arg4[%dma_start3A_714, %dma_start3A_715] : memref<10000x128xf32, #tpu.memory_space<hbm>> -> memref<10000x128xf32, #tpu.memory_space<hbm>>
        tpu.enqueue_indirect_dma source(%dma_start3A_716 : memref<10000x128xf32, #tpu.memory_space<hbm>>) target(%dma_start3A_711 : memref<61x128xf32, #tpu.memory_space<vmem>>) offsets(%dma_start3A_713 : memref<61xi32, #tpu.memory_space<vmem>>) semaphore(%arg21 : memref<!tpu.dma_semaphore, #tpu.memory_space<semaphore_mem>>)
      } else {
      }
      %mul3A_618 = arith.constant 6 : i32
      %mul3A_619 = arith.muli %mul3A_618, %scan3A_279 : i32
      %add3A_620 = arith.constant 2 : i32
      %add3A_621 = arith.addi %mul3A_619, %add3A_620 : i32
      %add3A_622 = arith.constant 5 : i32
      %add3A_623 = arith.addi %add3A_621, %add3A_622 : i32
      %dma_wait3A_624 = arith.constant 0 : i32
      %dma_wait3A_625 = arith.constant 0 : i32
      %dma_wait3A_626 = tpu.memref_slice %arg13[%dma_wait3A_624, %dma_wait3A_625] : memref<128x128xf32, #tpu.memory_space<vmem>> -> memref<64x128xf32, #tpu.memory_space<vmem>>
      %dma_wait3A_627 = arith.constant 0 : i32
      %dma_wait3A_628 = tpu.memref_slice %arg7[%dma_wait3A_627] : memref<125xi32, #tpu.memory_space<vmem>> -> memref<64xi32, #tpu.memory_space<vmem>>
      %dma_wait3A_629 = arith.constant 0 : i32
      %dma_wait3A_630 = arith.constant 0 : i32
      %dma_wait3A_631 = tpu.memref_slice %arg4[%dma_wait3A_629, %dma_wait3A_630] : memref<10000x128xf32, #tpu.memory_space<hbm>> -> memref<10000x128xf32, #tpu.memory_space<hbm>>
      tpu.wait_indirect_dma semaphore(%arg19 : memref<!tpu.dma_semaphore, #tpu.memory_space<semaphore_mem>>) src(%dma_wait3A_631 : memref<10000x128xf32, #tpu.memory_space<hbm>>) dst(%dma_wait3A_626 : memref<64x128xf32, #tpu.memory_space<vmem>>)
      %dma_wait3A_632 = arith.constant 64 : i32
      %dma_wait3A_633 = arith.constant 0 : i32
      %dma_wait3A_634 = tpu.memref_slice %arg13[%dma_wait3A_632, %dma_wait3A_633] : memref<128x128xf32, #tpu.memory_space<vmem>> -> memref<61x128xf32, #tpu.memory_space<vmem>>
      %dma_wait3A_635 = arith.constant 64 : i32
      %dma_wait3A_636 = tpu.memref_slice %arg7[%dma_wait3A_635] : memref<125xi32, #tpu.memory_space<vmem>> -> memref<61xi32, #tpu.memory_space<vmem>>
      %dma_wait3A_637 = arith.constant 0 : i32
      %dma_wait3A_638 = arith.constant 0 : i32
      %dma_wait3A_639 = tpu.memref_slice %arg4[%dma_wait3A_637, %dma_wait3A_638] : memref<10000x128xf32, #tpu.memory_space<hbm>> -> memref<10000x128xf32, #tpu.memory_space<hbm>>
      tpu.wait_indirect_dma semaphore(%arg21 : memref<!tpu.dma_semaphore, #tpu.memory_space<semaphore_mem>>) src(%dma_wait3A_639 : memref<10000x128xf32, #tpu.memory_space<hbm>>) dst(%dma_wait3A_634 : memref<61x128xf32, #tpu.memory_space<vmem>>)
      %dma_start3A_640 = arith.constant 0 : i32
      %dma_start3A_641 = arith.constant 0 : i32
      %dma_start3A_642 = tpu.memref_slice %arg13[%dma_start3A_640, %dma_start3A_641] : memref<128x128xf32, #tpu.memory_space<vmem>> -> memref<64x128xf32, #tpu.memory_space<vmem>>
      %dma_start3A_643 = arith.constant 0 : i32
      %dma_start3A_644 = tpu.memref_slice %arg10[%dma_start3A_643] : memref<125xi32, #tpu.memory_space<vmem>> -> memref<64xi32, #tpu.memory_space<vmem>>
      %dma_start3A_645 = arith.constant 0 : i32
      %dma_start3A_646 = arith.constant 0 : i32
      %dma_start3A_647 = tpu.memref_slice %arg14[%dma_start3A_645, %dma_start3A_646] : memref<10240x128xf32, #tpu.memory_space<vmem_shared>> -> memref<10240x128xf32, #tpu.memory_space<vmem_shared>>
      tpu.enqueue_indirect_dma source(%dma_start3A_642 : memref<64x128xf32, #tpu.memory_space<vmem>>) target(%dma_start3A_647 : memref<10240x128xf32, #tpu.memory_space<vmem_shared>>) offsets(%dma_start3A_644 : memref<64xi32, #tpu.memory_space<vmem>>) semaphore(%arg23 : memref<!tpu.dma_semaphore, #tpu.memory_space<semaphore_mem>>) {add = true}
      %dma_start3A_648 = arith.constant 64 : i32
      %dma_start3A_649 = arith.constant 0 : i32
      %dma_start3A_650 = tpu.memref_slice %arg13[%dma_start3A_648, %dma_start3A_649] : memref<128x128xf32, #tpu.memory_space<vmem>> -> memref<61x128xf32, #tpu.memory_space<vmem>>
      %dma_start3A_651 = arith.constant 64 : i32
      %dma_start3A_652 = tpu.memref_slice %arg10[%dma_start3A_651] : memref<125xi32, #tpu.memory_space<vmem>> -> memref<61xi32, #tpu.memory_space<vmem>>
      %dma_start3A_653 = arith.constant 0 : i32
      %dma_start3A_654 = arith.constant 0 : i32
      %dma_start3A_655 = tpu.memref_slice %arg14[%dma_start3A_653, %dma_start3A_654] : memref<10240x128xf32, #tpu.memory_space<vmem_shared>> -> memref<10240x128xf32, #tpu.memory_space<vmem_shared>>
      tpu.enqueue_indirect_dma source(%dma_start3A_650 : memref<61x128xf32, #tpu.memory_space<vmem>>) target(%dma_start3A_655 : memref<10240x128xf32, #tpu.memory_space<vmem_shared>>) offsets(%dma_start3A_652 : memref<61xi32, #tpu.memory_space<vmem>>) semaphore(%arg25 : memref<!tpu.dma_semaphore, #tpu.memory_space<semaphore_mem>>) {add = true}
      %dma_wait3A_656 = arith.constant 0 : i32
      %dma_wait3A_657 = arith.constant 0 : i32
      %dma_wait3A_658 = tpu.memref_slice %arg12[%dma_wait3A_656, %dma_wait3A_657] : memref<128x128xf32, #tpu.memory_space<vmem>> -> memref<64x128xf32, #tpu.memory_space<vmem>>
      %dma_wait3A_659 = arith.constant 0 : i32
      %dma_wait3A_660 = tpu.memref_slice %arg9[%dma_wait3A_659] : memref<125xi32, #tpu.memory_space<vmem>> -> memref<64xi32, #tpu.memory_space<vmem>>
      %dma_wait3A_661 = arith.constant 0 : i32
      %dma_wait3A_662 = arith.constant 0 : i32
      %dma_wait3A_663 = tpu.memref_slice %arg14[%dma_wait3A_661, %dma_wait3A_662] : memref<10240x128xf32, #tpu.memory_space<vmem_shared>> -> memref<10240x128xf32, #tpu.memory_space<vmem_shared>>
      tpu.wait_indirect_dma semaphore(%arg22 : memref<!tpu.dma_semaphore, #tpu.memory_space<semaphore_mem>>) src(%dma_wait3A_658 : memref<64x128xf32, #tpu.memory_space<vmem>>) dst(%dma_wait3A_663 : memref<10240x128xf32, #tpu.memory_space<vmem_shared>>)
      %dma_wait3A_664 = arith.constant 64 : i32
      %dma_wait3A_665 = arith.constant 0 : i32
      %dma_wait3A_666 = tpu.memref_slice %arg12[%dma_wait3A_664, %dma_wait3A_665] : memref<128x128xf32, #tpu.memory_space<vmem>> -> memref<61x128xf32, #tpu.memory_space<vmem>>
      %dma_wait3A_667 = arith.constant 64 : i32
      %dma_wait3A_668 = tpu.memref_slice %arg9[%dma_wait3A_667] : memref<125xi32, #tpu.memory_space<vmem>> -> memref<61xi32, #tpu.memory_space<vmem>>
      %dma_wait3A_669 = arith.constant 0 : i32
      %dma_wait3A_670 = arith.constant 0 : i32
      %dma_wait3A_671 = tpu.memref_slice %arg14[%dma_wait3A_669, %dma_wait3A_670] : memref<10240x128xf32, #tpu.memory_space<vmem_shared>> -> memref<10240x128xf32, #tpu.memory_space<vmem_shared>>
      tpu.wait_indirect_dma semaphore(%arg24 : memref<!tpu.dma_semaphore, #tpu.memory_space<semaphore_mem>>) src(%dma_wait3A_666 : memref<61x128xf32, #tpu.memory_space<vmem>>) dst(%dma_wait3A_671 : memref<10240x128xf32, #tpu.memory_space<vmem_shared>>)
      %add3A_672 = arith.constant 2 : i32
      %add3A_673 = arith.addi %add3A_623, %add3A_672 : i32
      %lt3A_674 = arith.constant 80 : i32
      %lt3A_675 = arith.cmpi slt, %add3A_673, %lt3A_674 : i32
      %convert_element_type3A_676 = arith.extui %lt3A_675 : i1 to i32
      %cond3A_677 = arith.constant 0 : i32
      %cond3A_678 = arith.cmpi ne, %convert_element_type3A_676, %cond3A_677 : i32
      scf.if %cond3A_678 {
        %add3A_687 = arith.constant 2 : i32
        %add3A_688 = arith.addi %add3A_623, %add3A_687 : i32
        %dma_start3A_689 = arith.constant 0 : i32
        %dma_start3A_690 = tpu.memref_slice %arg2[%add3A, %add3A_688, %dma_start3A_689] : memref<32x80x125xi32, #tpu.memory_space<hbm>> -> memref<1x1x125xi32, #tpu.memory_space<hbm>>
        %dma_start3A_691 = tpu.memref_squeeze %dma_start3A_690 : memref<1x1x125xi32, #tpu.memory_space<hbm>> -> memref<125xi32, #tpu.memory_space<hbm>>
        %dma_start3A_692 = arith.constant 0 : i32
        %dma_start3A_693 = tpu.memref_slice %arg2[%add3A, %add3A_688, %dma_start3A_692] : memref<32x80x125xi32, #tpu.memory_space<hbm>> -> memref<1x1x125xi32, #tpu.memory_space<hbm>>
        %dma_start3A_694 = tpu.memref_squeeze %dma_start3A_693 : memref<1x1x125xi32, #tpu.memory_space<hbm>> -> memref<125xi32, #tpu.memory_space<hbm>>
        tpu.enqueue_dma source(%dma_start3A_694 : memref<125xi32, #tpu.memory_space<hbm>>) target(%arg6 : memref<125xi32, #tpu.memory_space<vmem>>) target_semaphore(%arg15 : memref<!tpu.dma_semaphore, #tpu.memory_space<semaphore_mem>>)
        %dma_start3A_695 = arith.constant 0 : i32
        %dma_start3A_696 = tpu.memref_slice %arg3[%add3A, %add3A_688, %dma_start3A_695] : memref<32x80x125xi32, #tpu.memory_space<hbm>> -> memref<1x1x125xi32, #tpu.memory_space<hbm>>
        %dma_start3A_697 = tpu.memref_squeeze %dma_start3A_696 : memref<1x1x125xi32, #tpu.memory_space<hbm>> -> memref<125xi32, #tpu.memory_space<hbm>>
        %dma_start3A_698 = arith.constant 0 : i32
        %dma_start3A_699 = tpu.memref_slice %arg3[%add3A, %add3A_688, %dma_start3A_698] : memref<32x80x125xi32, #tpu.memory_space<hbm>> -> memref<1x1x125xi32, #tpu.memory_space<hbm>>
        %dma_start3A_700 = tpu.memref_squeeze %dma_start3A_699 : memref<1x1x125xi32, #tpu.memory_space<hbm>> -> memref<125xi32, #tpu.memory_space<hbm>>
        tpu.enqueue_dma source(%dma_start3A_700 : memref<125xi32, #tpu.memory_space<hbm>>) target(%arg9 : memref<125xi32, #tpu.memory_space<vmem>>) target_semaphore(%arg15 : memref<!tpu.dma_semaphore, #tpu.memory_space<semaphore_mem>>)
      } else {
      }
      %add3A_679 = arith.constant 1 : i32
      %add3A_680 = arith.addi %add3A_623, %add3A_679 : i32
      %lt3A_681 = arith.constant 80 : i32
      %lt3A_682 = arith.cmpi slt, %add3A_680, %lt3A_681 : i32
      %convert_element_type3A_683 = arith.extui %lt3A_682 : i1 to i32
      %cond3A_684 = arith.constant 0 : i32
      %cond3A_685 = arith.cmpi ne, %convert_element_type3A_683, %cond3A_684 : i32
      scf.if %cond3A_685 {
        %add3A_687 = arith.constant 1 : i32
        %add3A_688 = arith.addi %add3A_623, %add3A_687 : i32
        %dma_wait3A_689 = arith.constant 0 : i32
        %dma_wait3A_690 = tpu.memref_slice %arg2[%add3A, %add3A_688, %dma_wait3A_689] : memref<32x80x125xi32, #tpu.memory_space<hbm>> -> memref<1x1x125xi32, #tpu.memory_space<hbm>>
        %dma_wait3A_691 = tpu.memref_squeeze %dma_wait3A_690 : memref<1x1x125xi32, #tpu.memory_space<hbm>> -> memref<125xi32, #tpu.memory_space<hbm>>
        %dma_wait3A_692 = arith.constant 0 : i32
        %dma_wait3A_693 = tpu.memref_slice %arg2[%add3A, %add3A_688, %dma_wait3A_692] : memref<32x80x125xi32, #tpu.memory_space<hbm>> -> memref<1x1x125xi32, #tpu.memory_space<hbm>>
        %dma_wait3A_694 = tpu.memref_squeeze %dma_wait3A_693 : memref<1x1x125xi32, #tpu.memory_space<hbm>> -> memref<125xi32, #tpu.memory_space<hbm>>
        tpu.wait_dma2 semaphore(%arg17 : memref<!tpu.dma_semaphore, #tpu.memory_space<semaphore_mem>>) src(%dma_wait3A_694 : memref<125xi32, #tpu.memory_space<hbm>>) dst(%arg8 : memref<125xi32, #tpu.memory_space<vmem>>)
        %dma_wait3A_695 = arith.constant 0 : i32
        %dma_wait3A_696 = tpu.memref_slice %arg3[%add3A, %add3A_688, %dma_wait3A_695] : memref<32x80x125xi32, #tpu.memory_space<hbm>> -> memref<1x1x125xi32, #tpu.memory_space<hbm>>
        %dma_wait3A_697 = tpu.memref_squeeze %dma_wait3A_696 : memref<1x1x125xi32, #tpu.memory_space<hbm>> -> memref<125xi32, #tpu.memory_space<hbm>>
        %dma_wait3A_698 = arith.constant 0 : i32
        %dma_wait3A_699 = tpu.memref_slice %arg3[%add3A, %add3A_688, %dma_wait3A_698] : memref<32x80x125xi32, #tpu.memory_space<hbm>> -> memref<1x1x125xi32, #tpu.memory_space<hbm>>
        %dma_wait3A_700 = tpu.memref_squeeze %dma_wait3A_699 : memref<1x1x125xi32, #tpu.memory_space<hbm>> -> memref<125xi32, #tpu.memory_space<hbm>>
        tpu.wait_dma2 semaphore(%arg17 : memref<!tpu.dma_semaphore, #tpu.memory_space<semaphore_mem>>) src(%dma_wait3A_700 : memref<125xi32, #tpu.memory_space<hbm>>) dst(%arg11 : memref<125xi32, #tpu.memory_space<vmem>>)
        %dma_start3A_701 = arith.constant 0 : i32
        %dma_start3A_702 = arith.constant 0 : i32
        %dma_start3A_703 = tpu.memref_slice %arg12[%dma_start3A_701, %dma_start3A_702] : memref<128x128xf32, #tpu.memory_space<vmem>> -> memref<64x128xf32, #tpu.memory_space<vmem>>
        %dma_start3A_704 = arith.constant 0 : i32
        %dma_start3A_705 = tpu.memref_slice %arg8[%dma_start3A_704] : memref<125xi32, #tpu.memory_space<vmem>> -> memref<64xi32, #tpu.memory_space<vmem>>
        %dma_start3A_706 = arith.constant 0 : i32
        %dma_start3A_707 = arith.constant 0 : i32
        %dma_start3A_708 = tpu.memref_slice %arg4[%dma_start3A_706, %dma_start3A_707] : memref<10000x128xf32, #tpu.memory_space<hbm>> -> memref<10000x128xf32, #tpu.memory_space<hbm>>
        tpu.enqueue_indirect_dma source(%dma_start3A_708 : memref<10000x128xf32, #tpu.memory_space<hbm>>) target(%dma_start3A_703 : memref<64x128xf32, #tpu.memory_space<vmem>>) offsets(%dma_start3A_705 : memref<64xi32, #tpu.memory_space<vmem>>) semaphore(%arg18 : memref<!tpu.dma_semaphore, #tpu.memory_space<semaphore_mem>>)
        %dma_start3A_709 = arith.constant 64 : i32
        %dma_start3A_710 = arith.constant 0 : i32
        %dma_start3A_711 = tpu.memref_slice %arg12[%dma_start3A_709, %dma_start3A_710] : memref<128x128xf32, #tpu.memory_space<vmem>> -> memref<61x128xf32, #tpu.memory_space<vmem>>
        %dma_start3A_712 = arith.constant 64 : i32
        %dma_start3A_713 = tpu.memref_slice %arg8[%dma_start3A_712] : memref<125xi32, #tpu.memory_space<vmem>> -> memref<61xi32, #tpu.memory_space<vmem>>
        %dma_start3A_714 = arith.constant 0 : i32
        %dma_start3A_715 = arith.constant 0 : i32
        %dma_start3A_716 = tpu.memref_slice %arg4[%dma_start3A_714, %dma_start3A_715] : memref<10000x128xf32, #tpu.memory_space<hbm>> -> memref<10000x128xf32, #tpu.memory_space<hbm>>
        tpu.enqueue_indirect_dma source(%dma_start3A_716 : memref<10000x128xf32, #tpu.memory_space<hbm>>) target(%dma_start3A_711 : memref<61x128xf32, #tpu.memory_space<vmem>>) offsets(%dma_start3A_713 : memref<61xi32, #tpu.memory_space<vmem>>) semaphore(%arg20 : memref<!tpu.dma_semaphore, #tpu.memory_space<semaphore_mem>>)
      } else {
      }
      %scan3A_686 = arith.constant 0 : i32
      scf.yield %scan3A_686 : i32
    }
    %scan3A_257 = arith.constant 13 : i32
    %dma_wait3A_258 = arith.constant 0 : i32
    %dma_wait3A_259 = arith.constant 0 : i32
    %dma_wait3A_260 = tpu.memref_slice %arg13[%dma_wait3A_258, %dma_wait3A_259] : memref<128x128xf32, #tpu.memory_space<vmem>> -> memref<64x128xf32, #tpu.memory_space<vmem>>
    %dma_wait3A_261 = arith.constant 0 : i32
    %dma_wait3A_262 = tpu.memref_slice %arg10[%dma_wait3A_261] : memref<125xi32, #tpu.memory_space<vmem>> -> memref<64xi32, #tpu.memory_space<vmem>>
    %dma_wait3A_263 = arith.constant 0 : i32
    %dma_wait3A_264 = arith.constant 0 : i32
    %dma_wait3A_265 = tpu.memref_slice %arg14[%dma_wait3A_263, %dma_wait3A_264] : memref<10240x128xf32, #tpu.memory_space<vmem_shared>> -> memref<10240x128xf32, #tpu.memory_space<vmem_shared>>
    tpu.wait_indirect_dma semaphore(%arg23 : memref<!tpu.dma_semaphore, #tpu.memory_space<semaphore_mem>>) src(%dma_wait3A_260 : memref<64x128xf32, #tpu.memory_space<vmem>>) dst(%dma_wait3A_265 : memref<10240x128xf32, #tpu.memory_space<vmem_shared>>)
    %dma_wait3A_266 = arith.constant 64 : i32
    %dma_wait3A_267 = arith.constant 0 : i32
    %dma_wait3A_268 = tpu.memref_slice %arg13[%dma_wait3A_266, %dma_wait3A_267] : memref<128x128xf32, #tpu.memory_space<vmem>> -> memref<61x128xf32, #tpu.memory_space<vmem>>
    %dma_wait3A_269 = arith.constant 64 : i32
    %dma_wait3A_270 = tpu.memref_slice %arg10[%dma_wait3A_269] : memref<125xi32, #tpu.memory_space<vmem>> -> memref<61xi32, #tpu.memory_space<vmem>>
    %dma_wait3A_271 = arith.constant 0 : i32
    %dma_wait3A_272 = arith.constant 0 : i32
    %dma_wait3A_273 = tpu.memref_slice %arg14[%dma_wait3A_271, %dma_wait3A_272] : memref<10240x128xf32, #tpu.memory_space<vmem_shared>> -> memref<10240x128xf32, #tpu.memory_space<vmem_shared>>
    tpu.wait_indirect_dma semaphore(%arg25 : memref<!tpu.dma_semaphore, #tpu.memory_space<semaphore_mem>>) src(%dma_wait3A_268 : memref<61x128xf32, #tpu.memory_space<vmem>>) dst(%dma_wait3A_273 : memref<10240x128xf32, #tpu.memory_space<vmem_shared>>)
    %barrier3A_274 = arith.constant 0 : index
    tpu.barrier barrier_id(%barrier3A_274)
    %mul3A_275 = arith.constant 640 : i32
    %mul3A_276 = arith.muli %arg1, %mul3A_275 : i32
    %mul3A_277 = arith.constant 640 : i32
    %mul3A_278 = arith.muli %arg1, %mul3A_277 : i32
    "tpu.region"() ({
      %run_scoped3A = tpu.sem_alloc : memref<!tpu.dma_semaphore, #tpu.memory_space<semaphore_mem>>
      %dma_start3A_279 = arith.constant 0 : i32
      %dma_start3A_280 = tpu.memref_slice %arg5[%arg0, %mul3A_278, %dma_start3A_279] : memref<2x10240x128xf32, #tpu.memory_space<hbm>> -> memref<1x640x128xf32, #tpu.memory_space<hbm>>
      %dma_start3A_281 = tpu.memref_squeeze %dma_start3A_280 : memref<1x640x128xf32, #tpu.memory_space<hbm>> -> memref<640x128xf32, #tpu.memory_space<hbm>>
      %dma_start3A_282 = arith.constant 0 : i32
      %dma_start3A_283 = tpu.memref_slice %arg14[%mul3A_276, %dma_start3A_282] : memref<10240x128xf32, #tpu.memory_space<vmem_shared>> -> memref<640x128xf32, #tpu.memory_space<vmem_shared>>
      tpu.enqueue_dma source(%dma_start3A_283 : memref<640x128xf32, #tpu.memory_space<vmem_shared>>) target(%dma_start3A_281 : memref<640x128xf32, #tpu.memory_space<hbm>>) target_semaphore(%run_scoped3A : memref<!tpu.dma_semaphore, #tpu.memory_space<semaphore_mem>>)
      %dma_wait3A_284 = arith.constant 0 : i32
      %dma_wait3A_285 = tpu.memref_slice %arg5[%arg0, %mul3A_278, %dma_wait3A_284] : memref<2x10240x128xf32, #tpu.memory_space<hbm>> -> memref<1x640x128xf32, #tpu.memory_space<hbm>>
      %dma_wait3A_286 = tpu.memref_squeeze %dma_wait3A_285 : memref<1x640x128xf32, #tpu.memory_space<hbm>> -> memref<640x128xf32, #tpu.memory_space<hbm>>
      %dma_wait3A_287 = arith.constant 0 : i32
      %dma_wait3A_288 = tpu.memref_slice %arg14[%mul3A_276, %dma_wait3A_287] : memref<10240x128xf32, #tpu.memory_space<vmem_shared>> -> memref<640x128xf32, #tpu.memory_space<vmem_shared>>
      tpu.wait_dma2 semaphore(%run_scoped3A : memref<!tpu.dma_semaphore, #tpu.memory_space<semaphore_mem>>) src(%dma_wait3A_288 : memref<640x128xf32, #tpu.memory_space<vmem_shared>>) dst(%dma_wait3A_286 : memref<640x128xf32, #tpu.memory_space<hbm>>)
      tpu.yield
    }) : () -> ()
    return
  }
}

module attributes {stable_mosaic.version = 14 : i64} {
  func.func @_norm_h_body(%arg0: i32, %arg1: memref<2x1280xf32, #tpu.memory_space<vmem>>, %arg2: memref<1280x128xf32, #tpu.memory_space<vmem>>, %arg3: memref<128x128xf32, #tpu.memory_space<vmem>>, %arg4: memref<1x128xf32, #tpu.memory_space<vmem>>, %arg5: memref<1280x128xf32, #tpu.memory_space<vmem>>, %arg6: memref<1280x1xf32, #tpu.memory_space<vmem>>, %arg7: memref<1280x128xf32, #tpu.memory_space<vmem>>) attributes {dimension_semantics = [#tpu.dimension_semantics<arbitrary>], iteration_bounds = array<i64: 8>, scalar_prefetch = 0 : i64, scratch_operands = 0 : i64, tpu.core_type = #tpu.core_type<tc>, window_params = [{transform_indices = @transform_0, window_bounds = array<i64: 2, 1280>}, {transform_indices = @transform_1, window_bounds = array<i64: 1280, 128>}, {pipeline_mode = #tpu.pipeline_mode<synchronous>, transform_indices = @transform_2, window_bounds = array<i64: 128, 128>}, {pipeline_mode = #tpu.pipeline_mode<synchronous>, transform_indices = @transform_3, window_bounds = array<i64: 1, 128>}, {transform_indices = @transform_4, window_bounds = array<i64: 1280, 128>}, {transform_indices = @transform_5, window_bounds = array<i64: 1280, 1>}, {transform_indices = @transform_6, window_bounds = array<i64: 1280, 128>}]} {
    %get3A = arith.constant 0 : index
    %get3A_0 = arith.constant 0 : index
    %get3A_1 = vector.load %arg1[%get3A, %get3A_0] : memref<2x1280xf32, #tpu.memory_space<vmem>>, vector<1x1280xf32>
    %get3A_2 = vector.shape_cast %get3A_1 : vector<1x1280xf32> to vector<1280xf32>
    %get3A_3 = arith.constant 1 : index
    %get3A_4 = arith.constant 0 : index
    %get3A_5 = vector.load %arg1[%get3A_3, %get3A_4] : memref<2x1280xf32, #tpu.memory_space<vmem>>, vector<1x1280xf32>
    %get3A_6 = vector.shape_cast %get3A_5 : vector<1x1280xf32> to vector<1280xf32>
    %add3A = arith.addf %get3A_2, %get3A_6 : vector<1280xf32>
    %broadcast_in_dim3A = vector.shape_cast %add3A : vector<1280xf32> to vector<1280x1xf32>
    %eq3A = arith.constant 0.000000e+00 : f32
    %eq3A_7 = vector.broadcast %eq3A : f32 to vector<1280x1xf32>
    %eq3A_8 = arith.cmpf oeq, %broadcast_in_dim3A, %eq3A_7 : vector<1280x1xf32>
    %max3A = arith.constant 1.000000e+00 : f32
    %max3A_9 = vector.broadcast %max3A : f32 to vector<1280x1xf32>
    %max3A_10 = arith.maximumf %broadcast_in_dim3A, %max3A_9 : vector<1280x1xf32>
    %rsqrt3A = math.rsqrt %max3A_10 : vector<1280x1xf32>
    %jit3A = arith.constant 1.000000e+00 : f32
    %broadcast_in_dim3A_11 = vector.broadcast %jit3A : f32 to vector<1280x1xf32>
    %select_n3A = arith.select %eq3A_8, %broadcast_in_dim3A_11, %rsqrt3A : vector<1280x1xi1>, vector<1280x1xf32>
    %swap3A = arith.constant 0 : index
    %swap3A_12 = arith.constant 0 : index
    %swap3A_13 = vector.load %arg6[%swap3A, %swap3A_12] : memref<1280x1xf32, #tpu.memory_space<vmem>>, vector<1280x1xf32>
    tpu.vector_store %arg6[%swap3A, %swap3A_12], %select_n3A {strides = array<i32>} : memref<1280x1xf32, #tpu.memory_space<vmem>>, vector<1280x1xf32>,
    %get3A_14 = arith.constant 0 : index
    %get3A_15 = arith.constant 0 : index
    %get3A_16 = vector.load %arg2[%get3A_14, %get3A_15] : memref<1280x128xf32, #tpu.memory_space<vmem>>, vector<1280x128xf32>
    %mul3A = vector.broadcast %select_n3A : vector<1280x1xf32> to vector<1280x128xf32>
    %mul3A_17 = arith.mulf %get3A_16, %mul3A : vector<1280x128xf32>
    %swap3A_18 = arith.constant 0 : index
    %swap3A_19 = arith.constant 0 : index
    %swap3A_20 = vector.load %arg5[%swap3A_18, %swap3A_19] : memref<1280x128xf32, #tpu.memory_space<vmem>>, vector<1280x128xf32>
    tpu.vector_store %arg5[%swap3A_18, %swap3A_19], %mul3A_17 {strides = array<i32>} : memref<1280x128xf32, #tpu.memory_space<vmem>>, vector<1280x128xf32>,
    %get3A_21 = arith.constant 0 : index
    %get3A_22 = arith.constant 0 : index
    %get3A_23 = vector.load %arg3[%get3A_21, %get3A_22] : memref<128x128xf32, #tpu.memory_space<vmem>>, vector<128x128xf32>
    %dot_general3A = arith.constant dense<0.000000e+00> : vector<1280x128xf32>
    %dot_general3A_24 = tpu.matmul %get3A_16, %get3A_23, %dot_general3A {dimension_numbers = #tpu.dot_dimension_numbers<[1], [0], [0], [1], [0, 0, 1, 1], [], []>, transpose_lhs_hint = false} : vector<1280x128xf32>, vector<128x128xf32>, vector<1280x128xf32> -> vector<1280x128xf32>
    %get3A_25 = arith.constant 0 : index
    %get3A_26 = arith.constant 0 : index
    %get3A_27 = vector.load %arg4[%get3A_25, %get3A_26] : memref<1x128xf32, #tpu.memory_space<vmem>>, vector<1x128xf32>
    %add3A_28 = vector.broadcast %get3A_27 : vector<1x128xf32> to vector<1280x128xf32>
    %add3A_29 = arith.addf %dot_general3A_24, %add3A_28 : vector<1280x128xf32>
    %swap3A_30 = arith.constant 0 : index
    %swap3A_31 = arith.constant 0 : index
    %swap3A_32 = vector.load %arg7[%swap3A_30, %swap3A_31] : memref<1280x128xf32, #tpu.memory_space<vmem>>, vector<1280x128xf32>
    tpu.vector_store %arg7[%swap3A_30, %swap3A_31], %add3A_29 {strides = array<i32>} : memref<1280x128xf32, #tpu.memory_space<vmem>>, vector<1280x128xf32>,
    return
  }
  func.func @transform_0(%arg0: i32) -> (i32, i32) {
    %c0_i32 = arith.constant 0 : i32
    %c0_i32_0 = arith.constant 0 : i32
    return %c0_i32, %arg0 : i32, i32
  }
  func.func @transform_1(%arg0: i32) -> (i32, i32) {
    %c0_i32 = arith.constant 0 : i32
    %c0_i32_0 = arith.constant 0 : i32
    return %arg0, %c0_i32 : i32, i32
  }
  func.func @transform_2(%arg0: i32) -> (i32, i32) {
    %c0_i32 = arith.constant 0 : i32
    %c0_i32_0 = arith.constant 0 : i32
    %c0_i32_1 = arith.constant 0 : i32
    return %c0_i32, %c0_i32_0 : i32, i32
  }
  func.func @transform_3(%arg0: i32) -> (i32, i32) {
    %c0_i32 = arith.constant 0 : i32
    %c0_i32_0 = arith.constant 0 : i32
    %c0_i32_1 = arith.constant 0 : i32
    return %c0_i32, %c0_i32_0 : i32, i32
  }
  func.func @transform_4(%arg0: i32) -> (i32, i32) {
    %c0_i32 = arith.constant 0 : i32
    %c0_i32_0 = arith.constant 0 : i32
    return %arg0, %c0_i32 : i32, i32
  }
  func.func @transform_5(%arg0: i32) -> (i32, i32) {
    %c0_i32 = arith.constant 0 : i32
    %c0_i32_0 = arith.constant 0 : i32
    return %arg0, %c0_i32 : i32, i32
  }
  func.func @transform_6(%arg0: i32) -> (i32, i32) {
    %c0_i32 = arith.constant 0 : i32
    %c0_i32_0 = arith.constant 0 : i32
    return %arg0, %c0_i32 : i32, i32
  }
}

module attributes {stable_mosaic.version = 14 : i64} {
  func.func @_final_body(%arg0: i32, %arg1: memref<2x1000x128xf32, #tpu.memory_space<vmem>>, %arg2: memref<1000x128xf32, #tpu.memory_space<vmem>>, %arg3: memref<1000x1xf32, #tpu.memory_space<vmem>>, %arg4: memref<128x128xf32, #tpu.memory_space<vmem>>, %arg5: memref<1000x128xf32, #tpu.memory_space<vmem>>) attributes {dimension_semantics = [#tpu.dimension_semantics<arbitrary>], iteration_bounds = array<i64: 10>, scalar_prefetch = 0 : i64, scratch_operands = 0 : i64, tpu.core_type = #tpu.core_type<tc>, window_params = [{transform_indices = @transform_0, window_bounds = array<i64: 2, 1000, 128>}, {transform_indices = @transform_1, window_bounds = array<i64: 1000, 128>}, {transform_indices = @transform_2, window_bounds = array<i64: 1000, 1>}, {pipeline_mode = #tpu.pipeline_mode<synchronous>, transform_indices = @transform_3, window_bounds = array<i64: 128, 128>}, {transform_indices = @transform_4, window_bounds = array<i64: 1000, 128>}]} {
    %get3A = arith.constant 0 : index
    %get3A_0 = arith.constant 0 : index
    %get3A_1 = arith.constant 0 : index
    %get3A_2 = vector.load %arg1[%get3A, %get3A_0, %get3A_1] : memref<2x1000x128xf32, #tpu.memory_space<vmem>>, vector<1x1000x128xf32>
    %get3A_3 = vector.shape_cast %get3A_2 : vector<1x1000x128xf32> to vector<1000x128xf32>
    %get3A_4 = arith.constant 1 : index
    %get3A_5 = arith.constant 0 : index
    %get3A_6 = arith.constant 0 : index
    %get3A_7 = vector.load %arg1[%get3A_4, %get3A_5, %get3A_6] : memref<2x1000x128xf32, #tpu.memory_space<vmem>>, vector<1x1000x128xf32>
    %get3A_8 = vector.shape_cast %get3A_7 : vector<1x1000x128xf32> to vector<1000x128xf32>
    %add3A = arith.addf %get3A_3, %get3A_8 : vector<1000x128xf32>
    %get3A_9 = arith.constant 0 : index
    %get3A_10 = arith.constant 0 : index
    %get3A_11 = vector.load %arg3[%get3A_9, %get3A_10] : memref<1000x1xf32, #tpu.memory_space<vmem>>, vector<1000x1xf32>
    %mul3A = vector.broadcast %get3A_11 : vector<1000x1xf32> to vector<1000x128xf32>
    %mul3A_12 = arith.mulf %add3A, %mul3A : vector<1000x128xf32>
    %get3A_13 = arith.constant 0 : index
    %get3A_14 = arith.constant 0 : index
    %get3A_15 = vector.load %arg4[%get3A_13, %get3A_14] : memref<128x128xf32, #tpu.memory_space<vmem>>, vector<128x128xf32>
    %dot_general3A = arith.constant dense<0.000000e+00> : vector<1000x128xf32>
    %dot_general3A_16 = tpu.matmul %mul3A_12, %get3A_15, %dot_general3A {dimension_numbers = #tpu.dot_dimension_numbers<[1], [0], [0], [1], [0, 0, 1, 1], [], []>, transpose_lhs_hint = false} : vector<1000x128xf32>, vector<128x128xf32>, vector<1000x128xf32> -> vector<1000x128xf32>
    %get3A_17 = arith.constant 0 : index
    %get3A_18 = arith.constant 0 : index
    %get3A_19 = vector.load %arg2[%get3A_17, %get3A_18] : memref<1000x128xf32, #tpu.memory_space<vmem>>, vector<1000x128xf32>
    %add3A_20 = arith.addf %dot_general3A_16, %get3A_19 : vector<1000x128xf32>
    %swap3A = arith.constant 0 : index
    %swap3A_21 = arith.constant 0 : index
    %swap3A_22 = vector.load %arg5[%swap3A, %swap3A_21] : memref<1000x128xf32, #tpu.memory_space<vmem>>, vector<1000x128xf32>
    tpu.vector_store %arg5[%swap3A, %swap3A_21], %add3A_20 {strides = array<i32>} : memref<1000x128xf32, #tpu.memory_space<vmem>>, vector<1000x128xf32>,
    return
  }
  func.func @transform_0(%arg0: i32) -> (i32, i32, i32) {
    %c0_i32 = arith.constant 0 : i32
    %c0_i32_0 = arith.constant 0 : i32
    %c0_i32_1 = arith.constant 0 : i32
    return %c0_i32, %arg0, %c0_i32_0 : i32, i32, i32
  }
  func.func @transform_1(%arg0: i32) -> (i32, i32) {
    %c0_i32 = arith.constant 0 : i32
    %c0_i32_0 = arith.constant 0 : i32
    return %arg0, %c0_i32 : i32, i32
  }
  func.func @transform_2(%arg0: i32) -> (i32, i32) {
    %c0_i32 = arith.constant 0 : i32
    %c0_i32_0 = arith.constant 0 : i32
    return %arg0, %c0_i32 : i32, i32
  }
  func.func @transform_3(%arg0: i32) -> (i32, i32) {
    %c0_i32 = arith.constant 0 : i32
    %c0_i32_0 = arith.constant 0 : i32
    %c0_i32_1 = arith.constant 0 : i32
    return %c0_i32, %c0_i32_0 : i32, i32
  }
  func.func @transform_4(%arg0: i32) -> (i32, i32) {
    %c0_i32 = arith.constant 0 : i32
    %c0_i32_0 = arith.constant 0 : i32
    return %arg0, %c0_i32 : i32, i32
  }
}

</mosaic_0001>

<sc_bundles>
// kernel: kernel.6.cloned.1.call-start
scs
__scs_entry_jumppad:
0x0: {  	(pc) =	sbr.rel $0x88, $3  }
0x1: {  	(tag) =	ssettag $0x0;
	lr =	simm.s32 $0x1  }
0x2: {  	[smem:$0x3F9D] =	sst lr;
	_ =	strace $0xD0000000  }
0x3: {  	_ = 	snop  }
0x4: {  	_ = 	snop  }
0x5: {  	_ = 	snop  }
0x6: {  	_ = 	snop  }
0x7: {  	_ = 	snop  }
__scs_overlays_trampoline_lowered:
0x8: {  	[smem:$0x3FAC] =	sst s0  }
0x9: {  	[smem:$0x3FAD] =	sst s1  }
0xa: {  	[smem:$0x3FAE] =	sst s2  }
0xb: {  	[smem:$0x3FAF] =	sst s3  }
0xc: {  	[smem:$0x3FB0] =	sst s4  }
0xd: {  	[smem:$0x3FB1] =	sst s5  }
0xe: {  	[smem:$0x3FB2] =	sst s6  }
0xf: {  	[smem:$0x3FB3] =	sst s7  }
0x10: {  	[smem:$0x3FB4] =	sst s8  }
0x11: {  	[smem:$0x3FB5] =	sst s9;
	s0 =	simm.s32 @!p0 $0x0  }
0x12: {  	s1 =	sld [smem:$0x3F9B];
	s0 =	simm.s32 @p0 $0x1  }
0x13: {  	[smem:$0x3FB6] =	sst s0;
	s0 =	simm.s32 @!p1 $0x0  }
0x14: {  	s2 =	sld [smem:$0x3F9A];
	s0 =	simm.s32 @p1 $0x1  }
0x15: {  	[smem:$0x3FB7] =	sst s0;
	s0 =	simm.s32 @!p2 $0x0  }
0x16: {  	s3 =	sld [smem:$0x3FDB];
	s0 =	simm.s32 @p2 $0x1  }
0x17: {  	s4 =	simm.s32 $0x1BF5;
	[smem:$0x3FB9] =	sst s0  }
0x18: {  	s0 =	sld [smem:$0x3F9C];
	_ =	swait.ge [sflag:s4], $0x0  }
0x19: {  	s7 =	sld [smem:$0x3F9D]  }
0x1a: {  	s8 =	sadd.s32 $0xFFFFE003, lr  }
0x1b: {  	s9 =	sadd.s32 $0xFFFFFEF7, lr;
	s5 =	simm.s32 $0xFFFFFFFF;
	p2 =	slt.u32 s8, $0xFFFFF086  }
0x1c: {  	p1 =	slt.u32 s9, $0xF7A;
	s5 =	simm.s32 @!p2 $0x0  }
0x1d: {  	s5 =	simm.s32 @p1 $0x1;
	p0 =	seq.s32 s7, s2  }
0x1e: {  	s7 =	smul.u32 @!p0 $0xF7A, s2;
	p2 =	seq.s32 @!p0 s5, $0x0  }
0x1f: {  	s9 =	smul.u32 $0xF7A, s1;
	s8 =	simm.s32 @!p0 $0x1BF5;
	p2 =	por !p2, p0  }
0x20: {  	[sflag:s8] =	ssyncset.s32 @!p0 $0xFFFFF086;
	s6 =	sadd.s32 @!p0 s3, s7;
	s7 =	simm.s32 @!p0 $0x108  }
0x21: {  	s3 =	sadd.s32 s3, s9;
	s6 =	sadd.s32 @!p0 $0x88, s6;
	s7 =	simm.s32 @p2 $0x1082  }
0x22: {  	[simem:s7], [sflag:s8] =	dma.local @!p0 [hbm:s6], $0xF7A  }
0x23: {  	s9 =	sor.u32 $0xD0000000, s2;
	s6 =	simm.s32 $0x108;
	_ =	swait.ge @!p0 [sflag:s8], $0x0  }
0x24: {  	s3 =	sadd.s32 $0x88, s3;
	s6 =	simm.s32 @!p1 $0x1082;
	[sflag:s4] =	ssyncset.s32 $0xFFFFF086  }
0x25: {  	[simem:s6], [sflag:s4] =	dma.local [hbm:s3], $0xF7A  }
0x26: {  	[smem:$0x3F9D] =	sst s1;
	(tag) =	ssettag s2;
	_ =	strace s9  }
0x27: {  	s1 =	sld [smem:$0x3FAD]  }
0x28: {  	s2 =	sld [smem:$0x3FAE]  }
0x29: {  	s4 =	sld [smem:$0x3FB0]  }
0x2a: {  	p0 =	seq.s32 s5, $0x0;
	s5 =	sld [smem:$0x3FB1]  }
0x2b: {  	s6 =	sld [smem:$0x3FB2]  }
0x2c: {  	s7 =	sld [smem:$0x3FB3]  }
0x2d: {  	s3 =	simm.s32 $0x108;
	s8 =	sld [smem:$0x3FB4]  }
0x2e: {  	s3 =	simm.s32 @!p0 $0x1082;
	s9 =	sld [smem:$0x3FB5]  }
0x2f: {  	lr =	sadd.s32 s0, s3;
	s0 =	sld [smem:$0x3FAC]  }
0x30: {  	s3 =	sld [smem:$0x3FAF]  }
0x31: {  	[smem:$0x3FB8] =	sst s10  }
0x32: {  	s10 =	sld [smem:$0x3FB6];
	_ =	sdelay $0x3  }
0x33: {  	p0 =	seq.s32 s10, $0x1;
	s10 =	sld [smem:$0x3FB8];
	_ =	sdelay $0x3  }
0x34: {  	[smem:$0x3FB8] =	sst s10  }
0x35: {  	s10 =	sld [smem:$0x3FB7];
	_ =	sdelay $0x3  }
0x36: {  	p1 =	seq.s32 s10, $0x1;
	s10 =	sld [smem:$0x3FB8];
	_ =	sdelay $0x3  }
0x37: {  	[smem:$0x3FB8] =	sst s10  }
0x38: {  	s10 =	sld [smem:$0x3FB9]  }
0x39: {  	_ = 	snop;
	(pc) =	sbr.ind lr, $3  }
0x3a: {  	_ = 	snop  }
0x3b: {  	_ = 	snop  }
0x3c: {  	p2 =	seq.s32 s10, $0x1;
	s10 =	sld [smem:$0x3FB8]  }
0x3d: {  	_ =	shalt  }
0x3e: {  	_ =	shalt  }
0x3f: {  	_ =	shalt  }
0x40: {  	_ =	shalt  }
0x41: {  	_ =	shalt  }
0x42: {  	_ =	shalt  }
0x43: {  	_ =	shalt  }
0x44: {  	_ =	shalt  }
0x45: {  	_ =	shalt  }
0x46: {  	_ =	shalt  }
0x47: {  	_ =	shalt  }
0x48: {  	_ =	shalt  }
0x49: {  	_ =	shalt  }
0x4a: {  	_ =	shalt  }
0x4b: {  	_ =	shalt  }
0x4c: {  	_ =	shalt  }
0x4d: {  	_ =	shalt  }
0x4e: {  	_ =	shalt  }
0x4f: {  	_ =	shalt  }
0x50: {  	_ =	shalt  }
0x51: {  	_ =	shalt  }
0x52: {  	_ =	shalt  }
0x53: {  	_ =	shalt  }
0x54: {  	_ =	shalt  }
0x55: {  	_ =	shalt  }
0x56: {  	_ =	shalt  }
0x57: {  	_ =	shalt  }
0x58: {  	_ =	shalt  }
0x59: {  	_ =	shalt  }
0x5a: {  	_ =	shalt  }
0x5b: {  	_ =	shalt  }
0x5c: {  	_ =	shalt  }
0x5d: {  	_ =	shalt  }
0x5e: {  	_ =	shalt  }
0x5f: {  	_ =	shalt  }
0x60: {  	_ =	shalt  }
0x61: {  	_ =	shalt  }
0x62: {  	_ =	shalt  }
0x63: {  	_ =	shalt  }
0x64: {  	_ =	shalt  }
0x65: {  	_ =	shalt  }
0x66: {  	_ =	shalt  }
0x67: {  	_ =	shalt  }
0x68: {  	_ =	shalt  }
0x69: {  	_ =	shalt  }
0x6a: {  	_ =	shalt  }
0x6b: {  	_ =	shalt  }
0x6c: {  	_ =	shalt  }
0x6d: {  	_ =	shalt  }
0x6e: {  	_ =	shalt  }
0x6f: {  	_ =	shalt  }
0x70: {  	_ =	shalt  }
0x71: {  	_ =	shalt  }
0x72: {  	_ =	shalt  }
0x73: {  	_ =	shalt  }
0x74: {  	_ =	shalt  }
0x75: {  	_ =	shalt  }
0x76: {  	_ =	shalt  }
0x77: {  	_ =	shalt  }
0x78: {  	_ =	shalt  }
0x79: {  	_ =	shalt  }
0x7a: {  	_ =	shalt  }
0x7b: {  	_ =	shalt  }
0x7c: {  	_ =	shalt  }
0x7d: {  	_ =	shalt  }
0x7e: {  	_ =	shalt  }
0x7f: {  	_ =	shalt  }
0x80: {  	_ =	shalt  }
0x81: {  	_ =	shalt  }
0x82: {  	_ =	shalt  }
0x83: {  	_ =	shalt  }
0x84: {  	_ =	shalt  }
0x85: {  	_ =	shalt  }
0x86: {  	_ =	shalt  }
0x87: {  	_ =	shalt  }
.Lfunc_end0:
.L_simem_size_0:
called_computation_lowered:
.L_overlay_start_0:
0x88: {  	s2 =	sld [smem:$0x3FD9]  }
0x89: {  	s3 =	sld [smem:$0x3FFE];
	_ =	sdelay $0x1  }
0x8a: {  	s1 =	srdreg.scid  }
0x8b: {  	s0 =	sand.u32 $0x1, s1  }
0x8c: {  	s17 =	sshll.u32 s0, $0xA;
	s2 =	sadd.s32 s3, s2  }
0x8d: {  	s2 =	sadd.s32 s2, s17  }
0x8e: {  	[smem:$0x3FC4] =	sst s2  }
0x8f: {  	_ = 	snop  }
0x90: {  	s2 =	sld [smem:$0x3FD0];
	(tm) =	ssettm $0x1  }
0x91: {  	s18 =	sld [smem:$0x3FFB];
	_ =	sdelay $0x3  }
0x92: {  	_ =	strace s18  }
0x93: {  	s3 =	sld [smem:$0x3FFC];
	_ =	sdelay $0x3  }
0x94: {  	_ =	strace s3  }
0x95: {  	s3 =	sld [smem:$0x3FFD];
	_ =	sdelay $0x3  }
0x96: {  	_ =	strace s3  }
0x97: {  	_ =	strace $0x8FFFFFFF  }
0x98: {  	s19 =	sld [smem:$0x3FDB];
	_ =	sdelay $0x1  }
0x99: {  	s4 =	simm.s32 $_scs_section_size  }
0x9a: {  	s5 =	simm.s32 $_size__tile_overlayer_lowered;
	s6 =	simm.s32 $_tile_overlayer_lowered  }
0x9b: {  	s22 =	simm.s32 $0x1BFF;
	s21 =	sshll.u32 s6, $0x1;
	s3 =	sadd.s32 s4, s19  }
0x9c: {  	s7 =	simm.s32 $0x0;
	s20 =	sshll.u32 s5, $0x1;
	s5 =	sadd.s32 s21, s3  }
0x9d: {  	[timem:s7], [sflag:s22] =	dma.local [hbm:s5], s20  }
0x9e: {  	_ =	swait.ge [sflag:s22], s20  }
0x9f: {  	s4 =	ssub.s32 $0x0, s20;
	[sflag:s22] =	ssyncset.done $0x0  }
0xa0: {  	[sflag:s22] =	ssyncadd.s32 s4;
	_ =	sdelay $0x1  }
0xa1: {  	s23 =	simm.s32 $0x1B8B  }
0xa2: {  	_ =	swait.ge [sflag:s23], $0x1  }
0xa3: {  	[sflag:s23] =	ssyncset.done $0x0  }
0xa4: {  	s25 =	simm.s32 $0x1B8E;
	s24 =	sld [smem:$0x3FFE];
	[sflag:s23] =	ssyncadd.s32 $0xFFFFFFFF  }
0xa5: {  	s26 =	simm.s32 $execute0_lowered;
	[smem:$0x3FD2] =	sst s25  }
0xa6: {  	s5 =	sshll.u32 s26, $0x1;
	_ =	strace $0x80000046;
	[dreg:$0x1] =	wrdreg $0xFFFFFFFF  }
0xa7: {  	s28 =	simm.s32 $_size_execute0_lowered;
	s3 =	sadd.s32 s3, s5;
	[dreg:$0x0] =	wrdreg $0x0  }
0xa8: {  	s5 =	sshll.u32 s28, $0x1;
	[dreg:$0x2] =	wrdreg s3  }
0xa9: {  	[dreg:$0x3] =	wrdreg s5  }
0xaa: {  	[dreg:$0x4] =	wrdreg $0xC0  }
0xab: {  	_ =	task [dreg:s7], $0x5FFFF  }
0xac: {  	[dreg:$0x1] =	wrdreg $0xFFFFFFFF  }
0xad: {  	[dreg:$0x0] =	wrdreg $0x60  }
0xae: {  	[dreg:$0x2] =	wrdreg s24  }
0xaf: {  	[dreg:$0x3] =	wrdreg s2  }
0xb0: {  	[dreg:$0x4] =	wrdreg $0x2B000  }
0xb1: {  	[dreg:$0x5] =	wrdreg $0x9  }
0xb2: {  	_ =	task.clear_ibuf [dreg:s7], $0x6FFFF;
	_ =	strace $0x90000046  }
0xb3: {  	s29 =	simm.s32 $0x9;
	_ =	strace $0x80000048  }
0xb4: {  	_ =	swait.ge [sflag:s29], $0x1  }
0xb5: {  	[sflag:s29] =	ssyncadd.s32 $0xFFFFFFFF  }
0xb6: {  	_ =	strace $0x90000048  }
0xb7: {  	_ =	sfence  }
0xb8: {  	s30 =	sld [smem:$0x0];
	_ =	sdelay $0x2  }
0xb9: {  	s31 =	sshll.u32 s1, $0xD;
	s1 =	sshrl.u32 s1, $0x2  }
0xba: {  	s3 =	sand.u32 $0x4000, s31;
	s1 =	sadd.s32 s1, s30  }
0xbb: {  	s0 =	sor.u32 s3, s0;
	s1 =	sshll.u32 s1, $0x11  }
0xbc: {  	s0 =	sor.u32 s1, s0  }
0xbd: {  	s0 =	sadd.s32 $0x8F2B, s0  }
0xbe: {  	[sflag:s0] =	ssyncadd.remote.s32 $0x1  }
0xbf: {  	_ =	sfence.sel $0xFFFF  }
0xc0: {  	[dreg:$0x0] =	wrdreg $0xFFFFFFFF;
	(pc) =	sbr.abs _section_cstart, $3  }
0xc1: {  	[dreg:$0x1] =	wrdreg $0xFFFFFFFF  }
0xc2: {  	_ =	task.clear_ibuf [dreg:s7], $0x2FFFF;
	_ =	strace $0x9FFFFFFF  }
0xc3: {  	(tm) =	ssettm $0x7FFFFFFF  }
tec
execute0_lowered:
.L_overlay_start_1:
0x0: {  	(tag) =	ssettag $0x1  }
0x1: {  	s4 =	rddreg [dreg:$0x0];
	s1 =	srdreg.scid  }
0x2: {  	s0 =	stileid.u32;
	s6 =	rddreg [dreg:$0x1]  }
0x3: {  	s2 =	rddreg [dreg:$0x2];
	s3 =	simm.s32 $0x0;
	s11 =	simm.s32 $0x2800  }
0x4: {  	s12 =	simm.s32 $0x80;
	s13 =	simm.s32 $0x1;
	s14 =	simm.s32 $0x2  }
0x5: {  	s17 =	simm.s32 $0x20;
	s18 =	simm.s32 $0x10;
	s19 =	simm.s32 $0x0  }
0x6: {  	s5 =	sand.u32 $0x1, s1;
	s1 =	rddreg [dreg:$0x3];
	s8 =	smul.u32 $0xA00, s0  }
0x7: {  	s26 =	sshll.u32 s0, $0x1;
	[smem:$0x7FF] =	sst s3;
	s10 =	smul.u32 $0x500, s0  }
0x8: {  	s15 =	sshll.u32 s0, $0x6;
	s7 =	sor.u32 s5, s26;
	_ =	strace $0x80000047  }
0x9: {  	s9 =	ssub.s32 $0x2, s5;
	s5 =	sshll.u32 s5, $0x7;
	s15 =	sor.u32 $0x1C03, s15  }
0xa: {  	s7 =	smul.u32 $0x500, s7;
	s28 =	sshrl.u32 s9, $0x1;
	s29 =	sshrl.u32 s8, $0x2  }
0xb: {  	s30 =	sor.u32 s5, s10;
	s8 =	simm.s32 $0x2880;
	s10 =	simm.s32 $0x7D  }
0xc: {  	s9 =	ssub.s32 s9, s28;
	s31 =	sshrl.u32 s30, $0x3;
	s7 =	sadd.s32 s7, s4  }
0xd: {  	s4 =	sadd.s32 s29, s2;
	s6 =	sadd.s32 s6, s31;
	s5 =	sadd.s32 $0x1600, s7  }
0xe: {  	v0 =	vimm.f32 $0.0e+00;
	v1 =	vimm.f32 $1.000000000e+00;
	s7 =	smax.u32 s9, $0x1;
	s9 =	simm.s32 $0x3;
	s16 =	sshrl.u32 s4, $0x3  }
.LBB2_1:
0xf: {  	[tilespmem:$0x2880] =	vst v0  }
0x10: {  	[tilespmem:$0x2890] =	vst v0  }
0x11: {  	[tilespmem:$0x28A0] =	vst v0  }
0x12: {  	[tilespmem:$0x28B0] =	vst v0  }
0x13: {  	[tilespmem:$0x28C0] =	vst v0  }
0x14: {  	[tilespmem:$0x28D0] =	vst v0  }
0x15: {  	[tilespmem:$0x28E0] =	vst v0  }
0x16: {  	[tilespmem:$0x28F0] =	vst v0  }
0x17: {  	[tilespmem:$0x2900] =	vst v0  }
0x18: {  	[tilespmem:$0x2910] =	vst v0  }
0x19: {  	[tilespmem:$0x2920] =	vst v0  }
0x1a: {  	[tilespmem:$0x2930] =	vst v0  }
0x1b: {  	[tilespmem:$0x2940] =	vst v0  }
0x1c: {  	[tilespmem:$0x2950] =	vst v0  }
0x1d: {  	[tilespmem:$0x2960] =	vst v0  }
0x1e: {  	[tilespmem:$0x2970] =	vst v0  }
0x1f: {  	[tilespmem:$0x2980] =	vst v0  }
0x20: {  	[tilespmem:$0x2990] =	vst v0  }
0x21: {  	[tilespmem:$0x29A0] =	vst v0  }
0x22: {  	[tilespmem:$0x29B0] =	vst v0  }
0x23: {  	[tilespmem:$0x29C0] =	vst v0  }
0x24: {  	[tilespmem:$0x29D0] =	vst v0  }
0x25: {  	[tilespmem:$0x29E0] =	vst v0  }
0x26: {  	[tilespmem:$0x29F0] =	vst v0  }
0x27: {  	[tilespmem:$0x2A00] =	vst v0  }
0x28: {  	[tilespmem:$0x2A10] =	vst v0  }
0x29: {  	[tilespmem:$0x2A20] =	vst v0  }
0x2a: {  	[tilespmem:$0x2A30] =	vst v0  }
0x2b: {  	[tilespmem:$0x2A40] =	vst v0  }
0x2c: {  	[tilespmem:$0x2A50] =	vst v0  }
0x2d: {  	[tilespmem:$0x2A60] =	vst v0  }
0x2e: {  	[tilespmem:$0x2A70] =	vst v0  }
0x2f: {  	[tilespmem:$0x2A80] =	vst v0  }
0x30: {  	[tilespmem:$0x2A90] =	vst v0  }
0x31: {  	[tilespmem:$0x2AA0] =	vst v0  }
0x32: {  	[tilespmem:$0x2AB0] =	vst v0  }
0x33: {  	[tilespmem:$0x2AC0] =	vst v0  }
0x34: {  	[tilespmem:$0x2AD0] =	vst v0  }
0x35: {  	[tilespmem:$0x2AE0] =	vst v0  }
0x36: {  	[tilespmem:$0x2AF0] =	vst v0  }
0x37: {  	[tilespmem:$0x2800] =	vst v1  }
0x38: {  	[tilespmem:$0x2810] =	vst v1  }
0x39: {  	[tilespmem:$0x2820] =	vst v1  }
0x3a: {  	[tilespmem:$0x2830] =	vst v1  }
0x3b: {  	[tilespmem:$0x2840] =	vst v1  }
0x3c: {  	[tilespmem:$0x2850] =	vst v1  }
0x3d: {  	[tilespmem:$0x2860] =	vst v1  }
0x3e: {  	[tilespmem:$0x2870] =	vst v1  }
0x3f: {  	[spmem:s4] =	stream.linear.scatter [tilespmem:s8], [sflag:$0x3], $0x280, $0x38;
	[tilespmem:$0x2D80] =	vst v63  }
0x40: {  	_ =	swait.ge [sflag:s9], $0x280  }
0x41: {  	[sflag:s9] =	ssyncset.done $0x0  }
0x42: {  	[sflag:s9] =	ssyncadd.s32 $0xFFFFFD80  }
0x43: {  	[tilespmem:s3], [sflag:$0x3] =	stream.linear.gather [hbm4b:s5+s3], $0x2800, $0x38;
	[tilespmem:$0x2D80] =	vst v63  }
0x44: {  	_ =	swait.ge [sflag:s9], $0x2800  }
0x45: {  	[sflag:s9] =	ssyncset.done $0x0  }
0x46: {  	[sflag:s9] =	ssyncadd.s32 $0xFFFFD800  }
0x47: {  	[bflag:$0x0] =	sbarrier.arrive $0xFFFF  }
0x48: {  	[spmem:s2] =	stream.indirect.scatter.add.f32 [tilespmem:s11], [sflag:$0x1], $0x1, s3, s10, $0xb8;
	[tilespmem:$0x2D80] =	vst v63  }
0x49: {  	_ = 	snop  }
0x4a: {  	[spmem:s2] =	stream.indirect.scatter.add.f32 [tilespmem:s11], [sflag:$0x2], $0x1, s12, s10, $0xb8;
	[tilespmem:$0x2D80] =	vst v63  }
0x4b: {  	_ =	swait.ge [sflag:s13], $0x7D  }
0x4c: {  	[sflag:s13] =	ssyncset.done $0x0  }
0x4d: {  	s20 =	simm.s32 $0x100;
	[sflag:s13] =	ssyncadd.s32 $0xFFFFFF83  }
0x4e: {  	[spmem:s2] =	stream.indirect.scatter.add.f32 [tilespmem:s11], [sflag:$0x1], $0x1, s20, s10, $0xb8;
	[tilespmem:$0x2D80] =	vst v63  }
0x4f: {  	_ =	swait.ge [sflag:s14], $0x7D  }
0x50: {  	[sflag:s14] =	ssyncset.done $0x0  }
0x51: {  	s21 =	simm.s32 $0x180;
	s20 =	simm.s32 $0xFFFF6800;
	[sflag:s14] =	ssyncadd.s32 $0xFFFFFF83  }
.LBB2_2:
0x52: {  	[spmem:s2] =	stream.indirect.scatter.add.f32 [tilespmem:s11], [sflag:$0x2], $0x1, s21, s10, $0xb8;
	[tilespmem:$0x2D80] =	vst v63  }
0x53: {  	s21 =	smov.u32 s20  }
0x54: {  	p0 =	sne.s32 s20, $0xFFFFFC00;
	s20 =	sadd.s32 $0x400, s20;
	_ =	swait.ge [sflag:s13], $0x7D  }
0x55: {  	s21 =	sshra.s32 s21, $0x2;
	[sflag:s13] =	ssyncset.done $0x0  }
.Ltmp0:
0x56: {  	s22 =	sadd.s32 $0x2800, s21;
	[sflag:s13] =	ssyncadd.s32 $0xFFFFFF83;
	(pc) =	sbr.rel @p0 .LBB2_2-.Ltmp0, $4  }
0x57: {  	[spmem:s2] =	stream.indirect.scatter.add.f32 [tilespmem:s11], [sflag:$0x1], $0x1, s22, s10, $0xb8;
	[tilespmem:$0x2D80] =	vst v63  }
0x58: {  	_ =	swait.ge [sflag:s14], $0x7D  }
0x59: {  	[sflag:s14] =	ssyncset.done $0x0  }
0x5a: {  	s21 =	sadd.s32 $0x2880, s21;
	[sflag:s14] =	ssyncadd.s32 $0xFFFFFF83  }
0x5b: {  	[spmem:s2] =	stream.indirect.scatter.add.f32 [tilespmem:s11], [sflag:$0x2], $0x1, s21, s10, $0xb8;
	[tilespmem:$0x2D80] =	vst v63  }
0x5c: {  	_ =	swait.ge [sflag:s13], $0x7D  }
0x5d: {  	[sflag:s13] =	ssyncset.done $0x0  }
0x5e: {  	[sflag:s13] =	ssyncadd.s32 $0xFFFFFF83  }
0x5f: {  	_ =	swait.ge [sflag:s14], $0x7D  }
0x60: {  	s19 =	sadd.s32 $0x1, s19;
	[sflag:s14] =	ssyncset.done $0x0  }
0x61: {  	p0 =	sne.s32 s19, s7;
	[sflag:s14] =	ssyncadd.s32 $0xFFFFFF83  }
.Ltmp1:
0x62: {  	[bflag:$0x0] =	sbarrier.arrive $0xFFFF;
	(pc) =	sbr.rel @p0 .LBB2_1-.Ltmp1, $4  }
0x63: {  	[hbm:s6@s17], [sflag:s15] =	dma.strided [spmem:s16@s18], $0x50, s13, $0x10   }
0x64: {  	_ =	swait.ge [sflag:s9], $0x50  }
0x65: {  	[sflag:s9] =	ssyncset.done $0x0  }
0x66: {  	[sflag:s9] =	ssyncadd.s32 $0xFFFFFFB0  }
0x67: {  	_ =	sfence.sel $0x180000  }
0x68: {  	[bflag:$0x0] =	sbarrier.arrive $0xFFFF  }
0x69: {  	p0 =	sne.s32 s0, $0x0;
	_ =	strace $0x90000047  }
0x6a: {  	s0 =	sadd.s32 @!p0 $0x100000, s1;
	[bflag:$0x2] =	sbarrier.arrive $0xFFFF  }
0x6b: {  	[sflag:s0] =	ssyncadd.tile.s32 @!p0 $0x1;
	_ =	shalt  }
.Lfunc_end2:
_tile_overlayer_lowered:
.L_overlay_start_2:
0x6c: {  	(tag) =	ssettag $0x2  }
0x6d: {  	s0 =	rddreg [dreg:$0x0];
	s2 =	stileid.u32  }
0x6e: {  	s1 =	rddreg [dreg:$0x1];
	p0 =	sne.s32 s2, $0x0  }
0x6f: {  	s3 =	rddreg [dreg:$0x2];
	[bflag:$0x3] =	sbarrier.arrive $0xFFFF;
	s2 =	simm.s32 @!p0 $0x1C03  }
0x70: {  	[timem:s3], [sflag:s2] =	dma.local @!p0 [hbm:s0], s1  }
0x71: {  	s0 =	simm.s32 @!p0 $0x3  }
0x72: {  	_ =	swait.ge @!p0 [sflag:s0], s1  }
0x73: {  	s1 =	ssub.s32 @!p0 $0x0, s1;
	[sflag:s0] =	ssyncset.done @!p0 $0x0  }
0x74: {  	[sflag:s0] =	ssyncadd.s32 @!p0 s1  }
0x75: {  	[bflag:$0x3] =	sbarrier.arrive $0xFFFF  }
0x76: {  	_ =	shalt  }

// kernel: kernel.9.cloned.1.call-start
scs
__scs_entry_jumppad:
0x0: {  	(pc) =	sbr.rel $0x88, $3  }
0x1: {  	(tag) =	ssettag $0x0;
	lr =	simm.s32 $0x1  }
0x2: {  	[smem:$0x3F9D] =	sst lr;
	_ =	strace $0xD0000000  }
0x3: {  	_ = 	snop  }
0x4: {  	_ = 	snop  }
0x5: {  	_ = 	snop  }
0x6: {  	_ = 	snop  }
0x7: {  	_ = 	snop  }
__scs_overlays_trampoline_lowered:
0x8: {  	[smem:$0x3FAC] =	sst s0  }
0x9: {  	[smem:$0x3FAD] =	sst s1  }
0xa: {  	[smem:$0x3FAE] =	sst s2  }
0xb: {  	[smem:$0x3FAF] =	sst s3  }
0xc: {  	[smem:$0x3FB0] =	sst s4  }
0xd: {  	[smem:$0x3FB1] =	sst s5  }
0xe: {  	[smem:$0x3FB2] =	sst s6  }
0xf: {  	[smem:$0x3FB3] =	sst s7  }
0x10: {  	[smem:$0x3FB4] =	sst s8  }
0x11: {  	[smem:$0x3FB5] =	sst s9;
	s0 =	simm.s32 @!p0 $0x0  }
0x12: {  	s1 =	sld [smem:$0x3F9B];
	s0 =	simm.s32 @p0 $0x1  }
0x13: {  	[smem:$0x3FB6] =	sst s0;
	s0 =	simm.s32 @!p1 $0x0  }
0x14: {  	s2 =	sld [smem:$0x3F9A];
	s0 =	simm.s32 @p1 $0x1  }
0x15: {  	[smem:$0x3FB7] =	sst s0;
	s0 =	simm.s32 @!p2 $0x0  }
0x16: {  	s3 =	sld [smem:$0x3FDB];
	s0 =	simm.s32 @p2 $0x1  }
0x17: {  	s4 =	simm.s32 $0x1BF5;
	[smem:$0x3FB9] =	sst s0  }
0x18: {  	s0 =	sld [smem:$0x3F9C];
	_ =	swait.ge [sflag:s4], $0x0  }
0x19: {  	s7 =	sld [smem:$0x3F9D]  }
0x1a: {  	s8 =	sadd.s32 $0xFFFFE003, lr  }
0x1b: {  	s9 =	sadd.s32 $0xFFFFFEF7, lr;
	s5 =	simm.s32 $0xFFFFFFFF;
	p2 =	slt.u32 s8, $0xFFFFF086  }
0x1c: {  	p1 =	slt.u32 s9, $0xF7A;
	s5 =	simm.s32 @!p2 $0x0  }
0x1d: {  	s5 =	simm.s32 @p1 $0x1;
	p0 =	seq.s32 s7, s2  }
0x1e: {  	s7 =	smul.u32 @!p0 $0xF7A, s2;
	p2 =	seq.s32 @!p0 s5, $0x0  }
0x1f: {  	s9 =	smul.u32 $0xF7A, s1;
	s8 =	simm.s32 @!p0 $0x1BF5;
	p2 =	por !p2, p0  }
0x20: {  	[sflag:s8] =	ssyncset.s32 @!p0 $0xFFFFF086;
	s6 =	sadd.s32 @!p0 s3, s7;
	s7 =	simm.s32 @!p0 $0x108  }
0x21: {  	s3 =	sadd.s32 s3, s9;
	s6 =	sadd.s32 @!p0 $0x88, s6;
	s7 =	simm.s32 @p2 $0x1082  }
0x22: {  	[simem:s7], [sflag:s8] =	dma.local @!p0 [hbm:s6], $0xF7A  }
0x23: {  	s9 =	sor.u32 $0xD0000000, s2;
	s6 =	simm.s32 $0x108;
	_ =	swait.ge @!p0 [sflag:s8], $0x0  }
0x24: {  	s3 =	sadd.s32 $0x88, s3;
	s6 =	simm.s32 @!p1 $0x1082;
	[sflag:s4] =	ssyncset.s32 $0xFFFFF086  }
0x25: {  	[simem:s6], [sflag:s4] =	dma.local [hbm:s3], $0xF7A  }
0x26: {  	[smem:$0x3F9D] =	sst s1;
	(tag) =	ssettag s2;
	_ =	strace s9  }
0x27: {  	s1 =	sld [smem:$0x3FAD]  }
0x28: {  	s2 =	sld [smem:$0x3FAE]  }
0x29: {  	s4 =	sld [smem:$0x3FB0]  }
0x2a: {  	p0 =	seq.s32 s5, $0x0;
	s5 =	sld [smem:$0x3FB1]  }
0x2b: {  	s6 =	sld [smem:$0x3FB2]  }
0x2c: {  	s7 =	sld [smem:$0x3FB3]  }
0x2d: {  	s3 =	simm.s32 $0x108;
	s8 =	sld [smem:$0x3FB4]  }
0x2e: {  	s3 =	simm.s32 @!p0 $0x1082;
	s9 =	sld [smem:$0x3FB5]  }
0x2f: {  	lr =	sadd.s32 s0, s3;
	s0 =	sld [smem:$0x3FAC]  }
0x30: {  	s3 =	sld [smem:$0x3FAF]  }
0x31: {  	[smem:$0x3FB8] =	sst s10  }
0x32: {  	s10 =	sld [smem:$0x3FB6];
	_ =	sdelay $0x3  }
0x33: {  	p0 =	seq.s32 s10, $0x1;
	s10 =	sld [smem:$0x3FB8];
	_ =	sdelay $0x3  }
0x34: {  	[smem:$0x3FB8] =	sst s10  }
0x35: {  	s10 =	sld [smem:$0x3FB7];
	_ =	sdelay $0x3  }
0x36: {  	p1 =	seq.s32 s10, $0x1;
	s10 =	sld [smem:$0x3FB8];
	_ =	sdelay $0x3  }
0x37: {  	[smem:$0x3FB8] =	sst s10  }
0x38: {  	s10 =	sld [smem:$0x3FB9]  }
0x39: {  	_ = 	snop;
	(pc) =	sbr.ind lr, $3  }
0x3a: {  	_ = 	snop  }
0x3b: {  	_ = 	snop  }
0x3c: {  	p2 =	seq.s32 s10, $0x1;
	s10 =	sld [smem:$0x3FB8]  }
0x3d: {  	_ =	shalt  }
0x3e: {  	_ =	shalt  }
0x3f: {  	_ =	shalt  }
0x40: {  	_ =	shalt  }
0x41: {  	_ =	shalt  }
0x42: {  	_ =	shalt  }
0x43: {  	_ =	shalt  }
0x44: {  	_ =	shalt  }
0x45: {  	_ =	shalt  }
0x46: {  	_ =	shalt  }
0x47: {  	_ =	shalt  }
0x48: {  	_ =	shalt  }
0x49: {  	_ =	shalt  }
0x4a: {  	_ =	shalt  }
0x4b: {  	_ =	shalt  }
0x4c: {  	_ =	shalt  }
0x4d: {  	_ =	shalt  }
0x4e: {  	_ =	shalt  }
0x4f: {  	_ =	shalt  }
0x50: {  	_ =	shalt  }
0x51: {  	_ =	shalt  }
0x52: {  	_ =	shalt  }
0x53: {  	_ =	shalt  }
0x54: {  	_ =	shalt  }
0x55: {  	_ =	shalt  }
0x56: {  	_ =	shalt  }
0x57: {  	_ =	shalt  }
0x58: {  	_ =	shalt  }
0x59: {  	_ =	shalt  }
0x5a: {  	_ =	shalt  }
0x5b: {  	_ =	shalt  }
0x5c: {  	_ =	shalt  }
0x5d: {  	_ =	shalt  }
0x5e: {  	_ =	shalt  }
0x5f: {  	_ =	shalt  }
0x60: {  	_ =	shalt  }
0x61: {  	_ =	shalt  }
0x62: {  	_ =	shalt  }
0x63: {  	_ =	shalt  }
0x64: {  	_ =	shalt  }
0x65: {  	_ =	shalt  }
0x66: {  	_ =	shalt  }
0x67: {  	_ =	shalt  }
0x68: {  	_ =	shalt  }
0x69: {  	_ =	shalt  }
0x6a: {  	_ =	shalt  }
0x6b: {  	_ =	shalt  }
0x6c: {  	_ =	shalt  }
0x6d: {  	_ =	shalt  }
0x6e: {  	_ =	shalt  }
0x6f: {  	_ =	shalt  }
0x70: {  	_ =	shalt  }
0x71: {  	_ =	shalt  }
0x72: {  	_ =	shalt  }
0x73: {  	_ =	shalt  }
0x74: {  	_ =	shalt  }
0x75: {  	_ =	shalt  }
0x76: {  	_ =	shalt  }
0x77: {  	_ =	shalt  }
0x78: {  	_ =	shalt  }
0x79: {  	_ =	shalt  }
0x7a: {  	_ =	shalt  }
0x7b: {  	_ =	shalt  }
0x7c: {  	_ =	shalt  }
0x7d: {  	_ =	shalt  }
0x7e: {  	_ =	shalt  }
0x7f: {  	_ =	shalt  }
0x80: {  	_ =	shalt  }
0x81: {  	_ =	shalt  }
0x82: {  	_ =	shalt  }
0x83: {  	_ =	shalt  }
0x84: {  	_ =	shalt  }
0x85: {  	_ =	shalt  }
0x86: {  	_ =	shalt  }
0x87: {  	_ =	shalt  }
.Lfunc_end0:
.L_simem_size_0:
called_computation.1_lowered:
.L_overlay_start_0:
0x88: {  	s2 =	sld [smem:$0x3FD9]  }
0x89: {  	s3 =	sld [smem:$0x3FFE];
	_ =	sdelay $0x1  }
0x8a: {  	s1 =	srdreg.scid  }
0x8b: {  	s0 =	sand.u32 $0x1, s1  }
0x8c: {  	s17 =	sshll.u32 s0, $0xA;
	s2 =	sadd.s32 s3, s2  }
0x8d: {  	s2 =	sadd.s32 s2, s17  }
0x8e: {  	[smem:$0x3FC4] =	sst s2  }
0x8f: {  	_ = 	snop  }
0x90: {  	s2 =	sld [smem:$0x3FD0];
	(tm) =	ssettm $0x1  }
0x91: {  	s18 =	sld [smem:$0x3FFB];
	_ =	sdelay $0x3  }
0x92: {  	_ =	strace s18  }
0x93: {  	s3 =	sld [smem:$0x3FFC];
	_ =	sdelay $0x3  }
0x94: {  	_ =	strace s3  }
0x95: {  	s3 =	sld [smem:$0x3FFD];
	_ =	sdelay $0x3  }
0x96: {  	_ =	strace s3  }
0x97: {  	_ =	strace $0x8FFFFFFF  }
0x98: {  	s19 =	sld [smem:$0x3FDB];
	_ =	sdelay $0x1  }
0x99: {  	s4 =	simm.s32 $_scs_section_size  }
0x9a: {  	s5 =	simm.s32 $_size__tile_overlayer_lowered;
	s6 =	simm.s32 $_tile_overlayer_lowered  }
0x9b: {  	s22 =	simm.s32 $0x1BFF;
	s21 =	sshll.u32 s6, $0x1;
	s3 =	sadd.s32 s4, s19  }
0x9c: {  	s7 =	simm.s32 $0x0;
	s20 =	sshll.u32 s5, $0x1;
	s5 =	sadd.s32 s21, s3  }
0x9d: {  	[timem:s7], [sflag:s22] =	dma.local [hbm:s5], s20  }
0x9e: {  	_ =	swait.ge [sflag:s22], s20  }
0x9f: {  	s4 =	ssub.s32 $0x0, s20;
	[sflag:s22] =	ssyncset.done $0x0  }
0xa0: {  	[sflag:s22] =	ssyncadd.s32 s4;
	_ =	sdelay $0x1  }
0xa1: {  	s23 =	simm.s32 $0x1B8B  }
0xa2: {  	_ =	swait.ge [sflag:s23], $0x1  }
0xa3: {  	[sflag:s23] =	ssyncset.done $0x0  }
0xa4: {  	s25 =	simm.s32 $0x1B8E;
	s24 =	sld [smem:$0x3FFE];
	[sflag:s23] =	ssyncadd.s32 $0xFFFFFFFF  }
0xa5: {  	s26 =	simm.s32 $execute0_lowered;
	[smem:$0x3FD2] =	sst s25  }
0xa6: {  	s5 =	sshll.u32 s26, $0x1;
	_ =	strace $0x80000049;
	[dreg:$0x1] =	wrdreg $0xFFFFFFFF  }
0xa7: {  	s28 =	simm.s32 $_size_execute0_lowered;
	s3 =	sadd.s32 s3, s5;
	[dreg:$0x0] =	wrdreg $0x0  }
0xa8: {  	s5 =	sshll.u32 s28, $0x1;
	[dreg:$0x2] =	wrdreg s3  }
0xa9: {  	[dreg:$0x3] =	wrdreg s5  }
0xaa: {  	[dreg:$0x4] =	wrdreg $0xC0  }
0xab: {  	_ =	task [dreg:s7], $0x5FFFF  }
0xac: {  	[dreg:$0x1] =	wrdreg $0xFFFFFFFF  }
0xad: {  	[dreg:$0x0] =	wrdreg $0x60  }
0xae: {  	[dreg:$0x2] =	wrdreg s24  }
0xaf: {  	[dreg:$0x3] =	wrdreg s2  }
0xb0: {  	[dreg:$0x4] =	wrdreg $0x83000  }
0xb1: {  	[dreg:$0x5] =	wrdreg $0x9  }
0xb2: {  	_ =	task.clear_ibuf [dreg:s7], $0x6FFFF;
	_ =	strace $0x90000049  }
0xb3: {  	s29 =	simm.s32 $0x9;
	_ =	strace $0x8000004B  }
0xb4: {  	_ =	swait.ge [sflag:s29], $0x1  }
0xb5: {  	[sflag:s29] =	ssyncadd.s32 $0xFFFFFFFF  }
0xb6: {  	_ =	strace $0x9000004B  }
0xb7: {  	_ =	sfence  }
0xb8: {  	s30 =	sld [smem:$0x0];
	_ =	sdelay $0x2  }
0xb9: {  	s31 =	sshll.u32 s1, $0xD;
	s1 =	sshrl.u32 s1, $0x2  }
0xba: {  	s3 =	sand.u32 $0x4000, s31;
	s1 =	sadd.s32 s1, s30  }
0xbb: {  	s0 =	sor.u32 s3, s0;
	s1 =	sshll.u32 s1, $0x11  }
0xbc: {  	s0 =	sor.u32 s1, s0  }
0xbd: {  	s0 =	sadd.s32 $0x8F2B, s0  }
0xbe: {  	[sflag:s0] =	ssyncadd.remote.s32 $0x1  }
0xbf: {  	_ =	sfence.sel $0xFFFF  }
0xc0: {  	[dreg:$0x0] =	wrdreg $0xFFFFFFFF;
	(pc) =	sbr.abs _section_cstart, $3  }
0xc1: {  	[dreg:$0x1] =	wrdreg $0xFFFFFFFF  }
0xc2: {  	_ =	task.clear_ibuf [dreg:s7], $0x2FFFF;
	_ =	strace $0x9FFFFFFF  }
0xc3: {  	(tm) =	ssettm $0x7FFFFFFF  }
tec
execute0_lowered:
.L_overlay_start_1:
0x0: {  	(tag) =	ssettag $0x1  }
0x1: {  	s0 =	rddreg [dreg:$0x0]  }
0x2: {  	s2 =	rddreg [dreg:$0x1];
	s1 =	srdreg.scid  }
0x3: {  	s3 =	rddreg [dreg:$0x2];
	s9 =	stileid.u32  }
0x4: {  	s18 =	simm.s32 $0x0;
	s29 =	simm.s32 $0x1;
	s6 =	smul.u32 $0x14000, s9  }
0x5: {  	s30 =	simm.s32 $0x40;
	s1 =	sand.u32 $0x1, s1;
	s8 =	smul.u32 $0x50000, s9  }
0x6: {  	s31 =	simm.s32 $0x3D;
	[smem:$0x7FF] =	sst s18;
	s5 =	smul.u32 $0x140000, s1  }
0x7: {  	s15 =	sadd.s32 $0xB600, s0;
	s4 =	sadd.s32 $0x1600, s0;
	_ =	strace $0x8000004A  }
0x8: {  	s8 =	sshrl.u32 s8, $0x2;
	s6 =	sadd.s32 s6, s5;
	s5 =	sshll.u32 s9, $0x1  }
0x9: {  	s12 =	sadd.s32 s8, s3;
	s8 =	simm.s32 $0x0;
	s7 =	sshrl.u32 s6, $0x3  }
0xa: {  	s6 =	ssub.s32 $0x2, s1;
	s1 =	sor.u32 s1, s5;
	s13 =	sadd.s32 $0x8000, s12  }
0xb: {  	s14 =	sadd.s32 $0xC000, s12;
	s16 =	sadd.s32 $0x10000, s12;
	[dreg:$0x4] =	wrdreg s12  }
0xc: {  	s0 =	sadd.s32 s7, s0;
	s10 =	sshrl.u32 s6, $0x1;
	[dreg:$0x6] =	wrdreg s13  }
0xd: {  	s28 =	smul.u32 $0x2800, s1;
	s7 =	sadd.s32 $0x4000, s12;
	[dreg:$0x7] =	wrdreg s14  }
0xe: {  	[dreg:$0x8] =	wrdreg s16;
	s13 =	simm.s32 $0x2;
	s11 =	ssub.s32 s6, s10  }
0xf: {  	[dreg:$0x5] =	wrdreg s7;
	s0 =	sadd.s32 $0x15600, s0;
	s6 =	simm.s32 $0xB  }
0x10: {  	s10 =	simm.s32 $0x8;
	s17 =	sshrl.u32 s28, $0x3;
	[dreg:$0x11] =	wrdreg s0  }
0x11: {  	s26 =	smax.u32 s11, $0x1;
	s11 =	simm.s32 $0xC;
	s0 =	simm.s32 $0x0  }
0x12: {  	s19 =	sadd.s32 s15, s17;
	s20 =	sadd.s32 s4, s17;
	[dreg:$0x12] =	wrdreg s26  }
0x13: {  	s21 =	sor.u32 $0x10, s17;
	s23 =	sor.u32 $0x20, s17;
	[dreg:$0x9] =	wrdreg s19  }
0x14: {  	s7 =	sor.u32 $0x30, s17;
	[dreg:$0xa] =	wrdreg s20;
	s22 =	sadd.s32 s15, s21  }
0x15: {  	s26 =	simm.s32 $0x2300;
	s9 =	sadd.s32 s4, s21;
	[dreg:$0xb] =	wrdreg s22  }
.Ltmp0:
0x16: {  	s24 =	sadd.s32 s15, s23;
	[dreg:$0xc] =	wrdreg s9;
	(pc) =	sbr.rel .LBB2_1-.Ltmp0, $4  }
0x17: {  	s17 =	simm.s32 $0xC0;
	s25 =	sadd.s32 s15, s7;
	[dreg:$0xd] =	wrdreg s24  }
0x18: {  	s7 =	sadd.s32 s4, s7;
	s20 =	simm.s32 $0x240;
	[dreg:$0xf] =	wrdreg s25  }
0x19: {  	s21 =	simm.s32 $0x7;
	s9 =	sadd.s32 s4, s23;
	[dreg:$0x10] =	wrdreg s7  }
0x1a: {  	v0 =	vimm.f32 $0.0e+00;
	s25 =	simm.s32 $0x1C0;
	s22 =	simm.s32 $0x3;
	[dreg:$0xe] =	wrdreg s9  }
.LBB2_6:
0x1b: {  	s0 =	simm.s32 $0x9  }
0x1c: {  	_ =	swait.ge [sflag:s0], $0x2000  }
0x1d: {  	[sflag:s0] =	ssyncset.done $0x0  }
0x1e: {  	s23 =	simm.s32 $0xB;
	[sflag:s0] =	ssyncadd.s32 $0xFFFFE000  }
0x1f: {  	_ =	swait.ge [sflag:s23], $0x1E80  }
0x20: {  	[sflag:s23] =	ssyncset.done $0x0  }
0x21: {  	[sflag:s23] =	ssyncadd.s32 $0xFFFFE180  }
0x22: {  	s7 =	stileid.u32;
	[bflag:$0x0] =	sbarrier.arrive $0xFFFF  }
0x23: {  	s7 =	sshll.u32 s7, $0x6;
	s12 =	rddreg [dreg:$0x4]  }
0x24: {  	s7 =	sor.u32 $0x1C0C, s7;
	s19 =	rddreg [dreg:$0x11];
	s11 =	sshrl.u32 s12, $0x3  }
0x25: {  	[hbm:s19], [sflag:s7] =	dma.local [spmem:s11], $0x2800  }
0x26: {  	s11 =	simm.s32 $0xC  }
0x27: {  	_ =	swait.ge [sflag:s11], $0x2800  }
0x28: {  	s24 =	rddreg [dreg:$0x13]  }
0x29: {  	s26 =	rddreg [dreg:$0x12];
	s0 =	sadd.s32 $0x1, s24  }
0x2a: {  	p0 =	sne.s32 s0, s26  }
.Ltmp1:
0x2b: {  	_ = 	snop;
	(pc) =	sbr.rel @!p0 .LBB2_7-.Ltmp1, $3  }
0x2c: {  	_ =	sdelay $0x1  }
0x2d: {  	[sflag:s11] =	ssyncset.done $0x0  }
0x2e: {  	s18 =	simm.s32 $0x0;
	[sflag:s11] =	ssyncadd.s32 $0xFFFFD800;
	s26 =	simm.s32 $0x2300  }
.LBB2_1:
0x2f: {  	[dreg:$0x13] =	wrdreg s0;
	s7 =	simm.s32 $0x0;
	s24 =	simm.s32 $0x200  }
.LBB2_2:
0x30: {  	p0 =	sne.s32 s24, $0xFE00;
	[tilespmem:s7+$0x370] =	vst v0  }
0x31: {  	[tilespmem:s7+$0x300] =	vst v0  }
0x32: {  	[tilespmem:s7+$0x310] =	vst v0  }
.Ltmp2:
0x33: {  	[tilespmem:s7+$0x320] =	vst v0;
	(pc) =	sbr.rel @p0 .LBB2_2-.Ltmp2, $4  }
0x34: {  	[tilespmem:s7+$0x330] =	vst v0  }
0x35: {  	[tilespmem:s7+$0x340] =	vst v0  }
0x36: {  	[tilespmem:s7+$0x350] =	vst v0  }
0x37: {  	[tilespmem:s7+$0x360] =	vst v0;
	s7 =	sshra.s32 s24, $0x2;
	s24 =	sadd.s32 $0x200, s24  }
0x38: {  	[tilespmem:s7+$0x370] =	vst v0  }
0x39: {  	[tilespmem:s7+$0x300] =	vst v0  }
0x3a: {  	[tilespmem:s7+$0x310] =	vst v0  }
0x3b: {  	[tilespmem:s7+$0x320] =	vst v0  }
0x3c: {  	[tilespmem:s7+$0x330] =	vst v0  }
0x3d: {  	[tilespmem:s7+$0x340] =	vst v0  }
0x3e: {  	[tilespmem:s7+$0x350] =	vst v0  }
0x3f: {  	[tilespmem:s7+$0x360] =	vst v0;
	s14 =	simm.s32 $0x300  }
0x40: {  	[spmem:s12] =	stream.linear.scatter [tilespmem:s14], [sflag:$0xC], $0x4000, $0x38;
	[tilespmem:$0x1C300] =	vst v63  }
0x41: {  	_ =	swait.ge [sflag:s11], $0x4000  }
0x42: {  	[sflag:s11] =	ssyncset.done $0x0  }
0x43: {  	s24 =	rddreg [dreg:$0x5];
	[sflag:s11] =	ssyncadd.s32 $0xFFFFC000  }
0x44: {  	[spmem:s24] =	stream.linear.scatter [tilespmem:s14], [sflag:$0xC], $0x4000, $0x38;
	[tilespmem:$0x1C300] =	vst v63  }
0x45: {  	_ =	swait.ge [sflag:s11], $0x4000  }
0x46: {  	[sflag:s11] =	ssyncset.done $0x0  }
0x47: {  	s0 =	rddreg [dreg:$0x6];
	[sflag:s11] =	ssyncadd.s32 $0xFFFFC000  }
0x48: {  	[spmem:s0] =	stream.linear.scatter [tilespmem:s14], [sflag:$0xC], $0x4000, $0x38;
	[tilespmem:$0x1C300] =	vst v63  }
0x49: {  	_ =	swait.ge [sflag:s11], $0x4000  }
0x4a: {  	[sflag:s11] =	ssyncset.done $0x0  }
0x4b: {  	s1 =	rddreg [dreg:$0x7];
	[sflag:s11] =	ssyncadd.s32 $0xFFFFC000  }
0x4c: {  	[spmem:s1] =	stream.linear.scatter [tilespmem:s14], [sflag:$0xC], $0x4000, $0x38;
	[tilespmem:$0x1C300] =	vst v63  }
0x4d: {  	_ =	swait.ge [sflag:s11], $0x4000  }
0x4e: {  	[sflag:s11] =	ssyncset.done $0x0  }
0x4f: {  	s3 =	rddreg [dreg:$0x8];
	[sflag:s11] =	ssyncadd.s32 $0xFFFFC000  }
0x50: {  	[spmem:s3] =	stream.linear.scatter [tilespmem:s14], [sflag:$0xC], $0x4000, $0x38;
	[tilespmem:$0x1C300] =	vst v63  }
0x51: {  	_ =	swait.ge [sflag:s11], $0x4000  }
0x52: {  	[sflag:s11] =	ssyncset.done $0x0  }
0x53: {  	[sflag:s11] =	ssyncadd.s32 $0xFFFFC000  }
0x54: {  	[bflag:$0x0] =	sbarrier.arrive $0xFFFF  }
0x55: {  	s5 =	rddreg [dreg:$0x9]  }
0x56: {  	[tilespmem:s18], [sflag:$0x1] =	stream.linear.gather [hbm4b:s5+s18], $0x80, $0x38;
	[tilespmem:$0x1C300] =	vst v63  }
0x57: {  	s12 =	simm.s32 $0x180;
	s9 =	rddreg [dreg:$0xa]  }
0x58: {  	[tilespmem:s12], [sflag:$0x1] =	stream.linear.gather [hbm4b:s9+s18], $0x80, $0x38;
	[tilespmem:$0x1C300] =	vst v63  }
0x59: {  	s16 =	simm.s32 $0x80;
	s11 =	rddreg [dreg:$0xb]  }
0x5a: {  	[tilespmem:s16], [sflag:$0x2] =	stream.linear.gather [hbm4b:s11+s18], $0x80, $0x38;
	[tilespmem:$0x1C300] =	vst v63  }
0x5b: {  	s0 =	simm.s32 $0x200;
	s19 =	rddreg [dreg:$0xc]  }
0x5c: {  	[tilespmem:s0], [sflag:$0x2] =	stream.linear.gather [hbm4b:s19+s18], $0x80, $0x38;
	[tilespmem:$0x1C300] =	vst v63  }
0x5d: {  	_ =	swait.ge [sflag:s29], $0x80  }
0x5e: {  	[sflag:s29] =	ssyncset.done $0x0  }
0x5f: {  	[sflag:s29] =	ssyncadd.s32 $0xFFFFFF80  }
0x60: {  	_ =	swait.ge [sflag:s29], $0x80  }
0x61: {  	[sflag:s29] =	ssyncset.done $0x0  }
0x62: {  	[sflag:s29] =	ssyncadd.s32 $0xFFFFFF80  }
0x63: {  	[tilespmem:s14], [sflag:$0x4] =	stream.indirect.gather [hbm4b:s2+s30], $0x80, s18, s30, $0xb8;
	[tilespmem:$0x1C300] =	vst v63  }
0x64: {  	s23 =	simm.s32 $0x4  }
0x65: {  	[tilespmem:s26], [sflag:$0x6] =	stream.indirect.gather [hbm4b:s2+s31], $0x80, s30, s31, $0xb8;
	[tilespmem:$0x1C300] =	vst v63  }
0x66: {  	_ =	swait.ge [sflag:s23], $0x2000  }
0x67: {  	[sflag:s23] =	ssyncset.done $0x0  }
0x68: {  	s24 =	simm.s32 $0x6;
	[sflag:s23] =	ssyncadd.s32 $0xFFFFE000  }
0x69: {  	_ =	swait.ge [sflag:s24], $0x1E80  }
0x6a: {  	[sflag:s24] =	ssyncset.done $0x0  }
0x6b: {  	[sflag:s24] =	ssyncadd.s32 $0xFFFFE180  }
0x6c: {  	s3 =	rddreg [dreg:$0x2]  }
0x6d: {  	[spmem:s3] =	stream.indirect.scatter.add.f32 [tilespmem:s14], [sflag:$0x8], $0x80, s12, s30, $0xb8;
	[tilespmem:$0x1C300] =	vst v63  }
0x6e: {  	_ = 	snop  }
0x6f: {  	[spmem:s3] =	stream.indirect.scatter.add.f32 [tilespmem:s26], [sflag:$0xA], $0x80, s25, s31, $0xb8;
	[tilespmem:$0x1C300] =	vst v63  }
0x70: {  	s1 =	rddreg [dreg:$0xd];
	s14 =	simm.s32 $0x100  }
0x71: {  	[tilespmem:s14], [sflag:$0x3] =	stream.linear.gather [hbm4b:s1+s18], $0x80, $0x38;
	[tilespmem:$0x1C300] =	vst v63  }
0x72: {  	s5 =	rddreg [dreg:$0xe];
	s1 =	simm.s32 $0x280  }
0x73: {  	[tilespmem:s1], [sflag:$0x3] =	stream.linear.gather [hbm4b:s5+s18], $0x80, $0x38;
	[tilespmem:$0x1C300] =	vst v63  }
0x74: {  	_ =	swait.ge [sflag:s13], $0x80  }
0x75: {  	[sflag:s13] =	ssyncset.done $0x0  }
0x76: {  	[sflag:s13] =	ssyncadd.s32 $0xFFFFFF80  }
0x77: {  	_ =	swait.ge [sflag:s13], $0x80  }
0x78: {  	[sflag:s13] =	ssyncset.done $0x0  }
0x79: {  	s7 =	simm.s32 $0x4300;
	[sflag:s13] =	ssyncadd.s32 $0xFFFFFF80  }
0x7a: {  	[tilespmem:s7], [sflag:$0x5] =	stream.indirect.gather [hbm4b:s2+s30], $0x80, s16, s30, $0xb8;
	[tilespmem:$0x1C300] =	vst v63  }
0x7b: {  	s9 =	simm.s32 $0x5;
	s16 =	simm.s32 $0x6300  }
0x7c: {  	[tilespmem:s16], [sflag:$0x7] =	stream.indirect.gather [hbm4b:s2+s31], $0x80, s17, s31, $0xb8;
	[tilespmem:$0x1C300] =	vst v63  }
0x7d: {  	_ =	swait.ge [sflag:s9], $0x2000  }
0x7e: {  	[sflag:s9] =	ssyncset.done $0x0  }
0x7f: {  	s17 =	simm.s32 $0x7;
	[sflag:s9] =	ssyncadd.s32 $0xFFFFE000  }
0x80: {  	_ =	swait.ge [sflag:s17], $0x1E80  }
0x81: {  	[sflag:s17] =	ssyncset.done $0x0  }
0x82: {  	[sflag:s17] =	ssyncadd.s32 $0xFFFFE180  }
0x83: {  	[spmem:s3] =	stream.indirect.scatter.add.f32 [tilespmem:s7], [sflag:$0x9], $0x80, s0, s30, $0xb8;
	[tilespmem:$0x1C300] =	vst v63  }
0x84: {  	s19 =	simm.s32 $0x8  }
0x85: {  	[spmem:s3] =	stream.indirect.scatter.add.f32 [tilespmem:s16], [sflag:$0xB], $0x80, s20, s31, $0xb8;
	[tilespmem:$0x1C300] =	vst v63  }
0x86: {  	_ =	swait.ge [sflag:s19], $0x2000  }
0x87: {  	[sflag:s19] =	ssyncset.done $0x0  }
0x88: {  	s20 =	simm.s32 $0xA;
	[sflag:s19] =	ssyncadd.s32 $0xFFFFE000  }
0x89: {  	_ =	swait.ge [sflag:s20], $0x1E80  }
0x8a: {  	[sflag:s20] =	ssyncset.done $0x0  }
0x8b: {  	s24 =	rddreg [dreg:$0xf];
	[sflag:s20] =	ssyncadd.s32 $0xFFFFE180  }
0x8c: {  	[tilespmem:s18], [sflag:$0x1] =	stream.linear.gather [hbm4b:s24+s18], $0x80, $0x38;
	[tilespmem:$0x1C300] =	vst v63  }
0x8d: {  	s25 =	rddreg [dreg:$0x10]  }
0x8e: {  	[tilespmem:s12], [sflag:$0x1] =	stream.linear.gather [hbm4b:s25+s18], $0x80, $0x38;
	[tilespmem:$0x1C300] =	vst v63  }
0x8f: {  	_ =	swait.ge [sflag:s22], $0x80  }
0x90: {  	[sflag:s22] =	ssyncset.done $0x0  }
0x91: {  	[sflag:s22] =	ssyncadd.s32 $0xFFFFFF80  }
0x92: {  	_ =	swait.ge [sflag:s22], $0x80  }
0x93: {  	[sflag:s22] =	ssyncset.done $0x0  }
0x94: {  	s23 =	simm.s32 $0x300;
	[sflag:s22] =	ssyncadd.s32 $0xFFFFFF80  }
0x95: {  	[tilespmem:s23], [sflag:$0x4] =	stream.indirect.gather [hbm4b:s2+s30], $0x80, s14, s30, $0xb8;
	[tilespmem:$0x1C300] =	vst v63  }
0x96: {  	s1 =	simm.s32 $0x140;
	s7 =	simm.s32 $0x480  }
0x97: {  	[tilespmem:s26], [sflag:$0x6] =	stream.indirect.gather [hbm4b:s2+s31], $0x80, s1, s31, $0xb8;
	[tilespmem:$0x1C300] =	vst v63  }
.LBB2_4:
0x98: {  	s25 =	simm.s32 $0x4  }
0x99: {  	_ =	swait.ge [sflag:s25], $0x2000  }
0x9a: {  	[sflag:s25] =	ssyncset.done $0x0  }
0x9b: {  	s17 =	simm.s32 $0x6;
	[sflag:s25] =	ssyncadd.s32 $0xFFFFE000  }
0x9c: {  	_ =	swait.ge [sflag:s17], $0x1E80  }
0x9d: {  	[sflag:s17] =	ssyncset.done $0x0  }
0x9e: {  	[sflag:s17] =	ssyncadd.s32 $0xFFFFE180  }
0x9f: {  	s16 =	simm.s32 $0x280;
	s5 =	rddreg [dreg:$0x2]  }
0xa0: {  	[spmem:s5] =	stream.indirect.scatter.add.f32 [tilespmem:s23], [sflag:$0x8], $0x80, s16, s30, $0xb8;
	[tilespmem:$0x1C300] =	vst v63  }
0xa1: {  	s0 =	simm.s32 $0x2C0;
	s3 =	simm.s32 $0x9  }
0xa2: {  	[spmem:s5] =	stream.indirect.scatter.add.f32 [tilespmem:s26], [sflag:$0xA], $0x80, s0, s31, $0xb8;
	[tilespmem:$0x1C300] =	vst v63  }
0xa3: {  	s24 =	sadd.s32 $0xFFFFFD80, s7;
	_ =	swait.ge [sflag:s3], $0x2000  }
0xa4: {  	s19 =	sand.u32 $0x7C00, s24;
	[sflag:s3] =	ssyncset.done $0x0  }
0xa5: {  	s24 =	sand.u32 $0x300, s24;
	s19 =	sadd.s32 s28, s19;
	[sflag:s3] =	ssyncadd.s32 $0xFFFFE000  }
0xa6: {  	s19 =	sor.u32 s24, s19;
	_ =	swait.ge [sflag:s6], $0x1E80  }
0xa7: {  	s19 =	sshrl.u32 s19, $0x3;
	[sflag:s6] =	ssyncset.done $0x0  }
0xa8: {  	s11 =	simm.s32 $0x80;
	s9 =	sadd.s32 s15, s19;
	[sflag:s6] =	ssyncadd.s32 $0xFFFFE180  }
0xa9: {  	[tilespmem:s11], [sflag:$0x2] =	stream.linear.gather [hbm4b:s9+s18], $0x80, $0x38;
	[tilespmem:$0x1C300] =	vst v63  }
0xaa: {  	s20 =	simm.s32 $0x200;
	s19 =	sadd.s32 s4, s19  }
0xab: {  	[tilespmem:s20], [sflag:$0x2] =	stream.linear.gather [hbm4b:s19+s18], $0x80, $0x38;
	[tilespmem:$0x1C300] =	vst v63  }
0xac: {  	_ =	swait.ge [sflag:s29], $0x80  }
0xad: {  	[sflag:s29] =	ssyncset.done $0x0  }
0xae: {  	[sflag:s29] =	ssyncadd.s32 $0xFFFFFF80  }
0xaf: {  	_ =	swait.ge [sflag:s29], $0x80  }
0xb0: {  	[sflag:s29] =	ssyncset.done $0x0  }
0xb1: {  	s9 =	simm.s32 $0x4300;
	[sflag:s29] =	ssyncadd.s32 $0xFFFFFF80  }
0xb2: {  	[tilespmem:s9], [sflag:$0x5] =	stream.indirect.gather [hbm4b:s2+s30], $0x80, s18, s30, $0xb8;
	[tilespmem:$0x1C300] =	vst v63  }
0xb3: {  	s20 =	simm.s32 $0x5;
	s18 =	simm.s32 $0x6300  }
0xb4: {  	[tilespmem:s18], [sflag:$0x7] =	stream.indirect.gather [hbm4b:s2+s31], $0x80, s30, s31, $0xb8;
	[tilespmem:$0x1C300] =	vst v63  }
0xb5: {  	_ =	swait.ge [sflag:s20], $0x2000  }
0xb6: {  	[sflag:s20] =	ssyncset.done $0x0  }
0xb7: {  	[sflag:s20] =	ssyncadd.s32 $0xFFFFE000  }
0xb8: {  	_ =	swait.ge [sflag:s21], $0x1E80  }
0xb9: {  	[sflag:s21] =	ssyncset.done $0x0  }
0xba: {  	[sflag:s21] =	ssyncadd.s32 $0xFFFFE180  }
0xbb: {  	[spmem:s5] =	stream.indirect.scatter.add.f32 [tilespmem:s9], [sflag:$0x9], $0x80, s12, s30, $0xb8;
	[tilespmem:$0x1C300] =	vst v63  }
0xbc: {  	s24 =	simm.s32 $0x1C0  }
0xbd: {  	[spmem:s5] =	stream.indirect.scatter.add.f32 [tilespmem:s18], [sflag:$0xB], $0x80, s24, s31, $0xb8;
	[tilespmem:$0x1C300] =	vst v63  }
0xbe: {  	s19 =	sadd.s32 $0xFFFFFE00, s7;
	_ =	swait.ge [sflag:s10], $0x2000  }
0xbf: {  	s0 =	sand.u32 $0x7C00, s19;
	s19 =	sand.u32 $0x380, s19;
	[sflag:s10] =	ssyncset.done $0x0  }
0xc0: {  	s24 =	sadd.s32 s28, s0;
	s0 =	simm.s32 $0xA;
	[sflag:s10] =	ssyncadd.s32 $0xFFFFE000  }
0xc1: {  	s19 =	sor.u32 s19, s24;
	_ =	swait.ge [sflag:s0], $0x1E80  }
0xc2: {  	s19 =	sshrl.u32 s19, $0x3;
	[sflag:s0] =	ssyncset.done $0x0  }
0xc3: {  	s24 =	sadd.s32 s15, s19;
	[sflag:s0] =	ssyncadd.s32 $0xFFFFE180  }
0xc4: {  	[tilespmem:s14], [sflag:$0x3] =	stream.linear.gather [hbm4b:s24+s8], $0x80, $0x38;
	[tilespmem:$0x1C300] =	vst v63  }
0xc5: {  	s19 =	sadd.s32 s4, s19  }
0xc6: {  	[tilespmem:s16], [sflag:$0x3] =	stream.linear.gather [hbm4b:s19+s8], $0x80, $0x38;
	[tilespmem:$0x1C300] =	vst v63  }
0xc7: {  	_ =	swait.ge [sflag:s13], $0x80  }
0xc8: {  	[sflag:s13] =	ssyncset.done $0x0  }
0xc9: {  	[sflag:s13] =	ssyncadd.s32 $0xFFFFFF80  }
0xca: {  	_ =	swait.ge [sflag:s13], $0x80  }
0xcb: {  	[sflag:s13] =	ssyncset.done $0x0  }
0xcc: {  	s11 =	simm.s32 $0x80;
	[sflag:s13] =	ssyncadd.s32 $0xFFFFFF80  }
0xcd: {  	[tilespmem:s23], [sflag:$0x4] =	stream.indirect.gather [hbm4b:s2+s30], $0x80, s11, s30, $0xb8;
	[tilespmem:$0x1C300] =	vst v63  }
0xce: {  	s24 =	simm.s32 $0xC0  }
0xcf: {  	[tilespmem:s26], [sflag:$0x6] =	stream.indirect.gather [hbm4b:s2+s31], $0x80, s24, s31, $0xb8;
	[tilespmem:$0x1C300] =	vst v63  }
0xd0: {  	_ =	swait.ge [sflag:s25], $0x2000  }
0xd1: {  	[sflag:s25] =	ssyncset.done $0x0  }
0xd2: {  	[sflag:s25] =	ssyncadd.s32 $0xFFFFE000  }
0xd3: {  	_ =	swait.ge [sflag:s17], $0x1E80  }
0xd4: {  	[sflag:s17] =	ssyncset.done $0x0  }
0xd5: {  	s19 =	simm.s32 $0x200;
	[sflag:s17] =	ssyncadd.s32 $0xFFFFE180  }
0xd6: {  	[spmem:s5] =	stream.indirect.scatter.add.f32 [tilespmem:s23], [sflag:$0x8], $0x80, s19, s30, $0xb8;
	[tilespmem:$0x1C300] =	vst v63  }
0xd7: {  	s24 =	simm.s32 $0x240  }
0xd8: {  	[spmem:s5] =	stream.indirect.scatter.add.f32 [tilespmem:s26], [sflag:$0xA], $0x80, s24, s31, $0xb8;
	[tilespmem:$0x1C300] =	vst v63  }
0xd9: {  	s19 =	sadd.s32 $0xFFFFFE80, s7;
	_ =	swait.ge [sflag:s3], $0x2000  }
0xda: {  	s11 =	sand.u32 $0x7C00, s19;
	[sflag:s3] =	ssyncset.done $0x0  }
0xdb: {  	s19 =	sand.u32 $0x300, s19;
	s24 =	sadd.s32 s28, s11;
	[sflag:s3] =	ssyncadd.s32 $0xFFFFE000  }
0xdc: {  	s19 =	sor.u32 s19, s24;
	_ =	swait.ge [sflag:s6], $0x1E80  }
0xdd: {  	s19 =	sshrl.u32 s19, $0x3;
	[sflag:s6] =	ssyncset.done $0x0  }
0xde: {  	s11 =	sadd.s32 s15, s19;
	[sflag:s6] =	ssyncadd.s32 $0xFFFFE180  }
0xdf: {  	[tilespmem:s8], [sflag:$0x1] =	stream.linear.gather [hbm4b:s11+s8], $0x80, $0x38;
	[tilespmem:$0x1C300] =	vst v63  }
0xe0: {  	s19 =	sadd.s32 s4, s19  }
0xe1: {  	[tilespmem:s12], [sflag:$0x1] =	stream.linear.gather [hbm4b:s19+s8], $0x80, $0x38;
	[tilespmem:$0x1C300] =	vst v63  }
0xe2: {  	_ =	swait.ge [sflag:s22], $0x80  }
0xe3: {  	[sflag:s22] =	ssyncset.done $0x0  }
0xe4: {  	[sflag:s22] =	ssyncadd.s32 $0xFFFFFF80  }
0xe5: {  	_ =	swait.ge [sflag:s22], $0x80  }
0xe6: {  	[sflag:s22] =	ssyncset.done $0x0  }
0xe7: {  	[sflag:s22] =	ssyncadd.s32 $0xFFFFFF80  }
0xe8: {  	[tilespmem:s9], [sflag:$0x5] =	stream.indirect.gather [hbm4b:s2+s30], $0x80, s14, s30, $0xb8;
	[tilespmem:$0x1C300] =	vst v63  }
0xe9: {  	_ = 	snop  }
0xea: {  	[tilespmem:s18], [sflag:$0x7] =	stream.indirect.gather [hbm4b:s2+s31], $0x80, s1, s31, $0xb8;
	[tilespmem:$0x1C300] =	vst v63  }
0xeb: {  	_ =	swait.ge [sflag:s20], $0x2000  }
0xec: {  	[sflag:s20] =	ssyncset.done $0x0  }
0xed: {  	[sflag:s20] =	ssyncadd.s32 $0xFFFFE000  }
0xee: {  	_ =	swait.ge [sflag:s21], $0x1E80  }
0xef: {  	[sflag:s21] =	ssyncset.done $0x0  }
0xf0: {  	[sflag:s21] =	ssyncadd.s32 $0xFFFFE180  }
0xf1: {  	[spmem:s5] =	stream.indirect.scatter.add.f32 [tilespmem:s9], [sflag:$0x9], $0x80, s16, s30, $0xb8;
	[tilespmem:$0x1C300] =	vst v63  }
0xf2: {  	s14 =	simm.s32 $0x2C0  }
0xf3: {  	[spmem:s5] =	stream.indirect.scatter.add.f32 [tilespmem:s18], [sflag:$0xB], $0x80, s14, s31, $0xb8;
	[tilespmem:$0x1C300] =	vst v63  }
0xf4: {  	s16 =	sadd.s32 $0xFFFFFF00, s7;
	_ =	swait.ge [sflag:s10], $0x2000  }
0xf5: {  	s11 =	sand.u32 $0x7C00, s16;
	[sflag:s10] =	ssyncset.done $0x0  }
0xf6: {  	s19 =	sand.u32 $0x380, s16;
	s24 =	sadd.s32 s28, s11;
	[sflag:s10] =	ssyncadd.s32 $0xFFFFE000  }
0xf7: {  	s19 =	sor.u32 s19, s24;
	_ =	swait.ge [sflag:s0], $0x1E80  }
0xf8: {  	s19 =	sshrl.u32 s19, $0x3;
	[sflag:s0] =	ssyncset.done $0x0  }
0xf9: {  	s16 =	simm.s32 $0x80;
	s14 =	sadd.s32 s15, s19;
	[sflag:s0] =	ssyncadd.s32 $0xFFFFE180  }
0xfa: {  	[tilespmem:s16], [sflag:$0x2] =	stream.linear.gather [hbm4b:s14+s8], $0x80, $0x38;
	[tilespmem:$0x1C300] =	vst v63  }
0xfb: {  	s24 =	simm.s32 $0x200;
	s19 =	sadd.s32 s4, s19  }
0xfc: {  	[tilespmem:s24], [sflag:$0x2] =	stream.linear.gather [hbm4b:s19+s8], $0x80, $0x38;
	[tilespmem:$0x1C300] =	vst v63  }
0xfd: {  	_ =	swait.ge [sflag:s29], $0x80  }
0xfe: {  	[sflag:s29] =	ssyncset.done $0x0  }
0xff: {  	[sflag:s29] =	ssyncadd.s32 $0xFFFFFF80  }
0x100: {  	_ =	swait.ge [sflag:s29], $0x80  }
0x101: {  	[sflag:s29] =	ssyncset.done $0x0  }
0x102: {  	[sflag:s29] =	ssyncadd.s32 $0xFFFFFF80  }
0x103: {  	[tilespmem:s23], [sflag:$0x4] =	stream.indirect.gather [hbm4b:s2+s30], $0x80, s8, s30, $0xb8;
	[tilespmem:$0x1C300] =	vst v63  }
0x104: {  	_ = 	snop  }
0x105: {  	[tilespmem:s26], [sflag:$0x6] =	stream.indirect.gather [hbm4b:s2+s31], $0x80, s30, s31, $0xb8;
	[tilespmem:$0x1C300] =	vst v63  }
0x106: {  	_ =	swait.ge [sflag:s25], $0x2000  }
0x107: {  	[sflag:s25] =	ssyncset.done $0x0  }
0x108: {  	[sflag:s25] =	ssyncadd.s32 $0xFFFFE000  }
0x109: {  	_ =	swait.ge [sflag:s17], $0x1E80  }
0x10a: {  	[sflag:s17] =	ssyncset.done $0x0  }
0x10b: {  	[sflag:s17] =	ssyncadd.s32 $0xFFFFE180  }
0x10c: {  	[spmem:s5] =	stream.indirect.scatter.add.f32 [tilespmem:s23], [sflag:$0x8], $0x80, s12, s30, $0xb8;
	[tilespmem:$0x1C300] =	vst v63  }
0x10d: {  	p0 =	seq.s32 s7, $0x2880;
	s12 =	simm.s32 $0x1C0  }
0x10e: {  	[spmem:s5] =	stream.indirect.scatter.add.f32 [tilespmem:s26], [sflag:$0xA], $0x80, s12, s31, $0xb8;
	[tilespmem:$0x1C300] =	vst v63  }
0x10f: {  	s19 =	sadd.s32 @!p0 $0xFFFFFF80, s7;
	_ =	swait.ge [sflag:s3], $0x2000  }
0x110: {  	s24 =	sadd.s32 $0xFFFFFB80, s7;
	s19 =	sand.u32 @!p0 $0x7C00, s19;
	[sflag:s3] =	ssyncset.done $0x0  }
0x111: {  	s24 =	sand.u32 @!p0 $0x300, s24;
	s19 =	sadd.s32 @!p0 s28, s19;
	[sflag:s3] =	ssyncadd.s32 $0xFFFFE000  }
0x112: {  	s19 =	sor.u32 @!p0 s24, s19;
	_ =	swait.ge [sflag:s6], $0x1E80  }
0x113: {  	s11 =	simm.s32 @!p0 $0x0;
	s19 =	sshrl.u32 @!p0 s19, $0x3;
	[sflag:s6] =	ssyncset.done $0x0  }
0x114: {  	s24 =	sadd.s32 @!p0 s15, s19;
	s12 =	simm.s32 @!p0 $0x100;
	[sflag:s6] =	ssyncadd.s32 $0xFFFFE180  }
0x115: {  	[tilespmem:s12], [sflag:$0x3] =	stream.linear.gather @!p0 [hbm4b:s24+s11], $0x80, $0x38;
	[tilespmem:$0x1C300] =	vst v63  }
0x116: {  	s12 =	sadd.s32 @!p0 s4, s19;
	s19 =	simm.s32 @!p0 $0x280  }
0x117: {  	[tilespmem:s19], [sflag:$0x3] =	stream.linear.gather @!p0 [hbm4b:s12+s11], $0x80, $0x38;
	[tilespmem:$0x1C300] =	vst v63  }
0x118: {  	_ =	swait.ge [sflag:s13], $0x80  }
0x119: {  	[sflag:s13] =	ssyncset.done $0x0  }
0x11a: {  	[sflag:s13] =	ssyncadd.s32 $0xFFFFFF80  }
0x11b: {  	_ =	swait.ge [sflag:s13], $0x80  }
0x11c: {  	[sflag:s13] =	ssyncset.done $0x0  }
0x11d: {  	s17 =	simm.s32 $0x80;
	[sflag:s13] =	ssyncadd.s32 $0xFFFFFF80  }
0x11e: {  	[tilespmem:s9], [sflag:$0x5] =	stream.indirect.gather [hbm4b:s2+s30], $0x80, s17, s30, $0xb8;
	[tilespmem:$0x1C300] =	vst v63  }
0x11f: {  	s19 =	simm.s32 $0xC0  }
0x120: {  	[tilespmem:s18], [sflag:$0x7] =	stream.indirect.gather [hbm4b:s2+s31], $0x80, s19, s31, $0xb8;
	[tilespmem:$0x1C300] =	vst v63  }
0x121: {  	_ =	swait.ge [sflag:s20], $0x2000  }
0x122: {  	[sflag:s20] =	ssyncset.done $0x0  }
0x123: {  	[sflag:s20] =	ssyncadd.s32 $0xFFFFE000  }
0x124: {  	_ =	swait.ge [sflag:s21], $0x1E80  }
0x125: {  	[sflag:s21] =	ssyncset.done $0x0  }
0x126: {  	s20 =	simm.s32 $0x200;
	[sflag:s21] =	ssyncadd.s32 $0xFFFFE180  }
0x127: {  	[spmem:s5] =	stream.indirect.scatter.add.f32 [tilespmem:s9], [sflag:$0x9], $0x80, s20, s30, $0xb8;
	[tilespmem:$0x1C300] =	vst v63  }
0x128: {  	s24 =	simm.s32 $0x240  }
0x129: {  	[spmem:s5] =	stream.indirect.scatter.add.f32 [tilespmem:s18], [sflag:$0xB], $0x80, s24, s31, $0xb8;
	[tilespmem:$0x1C300] =	vst v63  }
0x12a: {  	_ =	swait.ge [sflag:s10], $0x2000  }
.Ltmp3:
0x12b: {  	[sflag:s10] =	ssyncset.done $0x0;
	(pc) =	sbr.rel @p0 .LBB2_6-.Ltmp3, $4  }
0x12c: {  	s1 =	simm.s32 $0x140;
	s16 =	simm.s32 $0x100;
	[sflag:s10] =	ssyncadd.s32 $0xFFFFE000  }
0x12d: {  	s14 =	simm.s32 $0x300;
	s25 =	simm.s32 $0x1C0;
	_ =	swait.ge [sflag:s0], $0x1E80  }
0x12e: {  	s23 =	simm.s32 $0x2300;
	s26 =	simm.s32 $0x180;
	[sflag:s0] =	ssyncset.done $0x0  }
0x12f: {  	s17 =	simm.s32 $0xC0;
	s20 =	simm.s32 $0x240;
	[sflag:s0] =	ssyncadd.s32 $0xFFFFE180  }
0x130: {  	s11 =	sand.u32 $0x7C00, s7  }
0x131: {  	s12 =	sand.u32 $0x380, s7;
	s11 =	sadd.s32 s28, s11  }
0x132: {  	s11 =	sor.u32 s12, s11  }
0x133: {  	s11 =	sshrl.u32 s11, $0x3  }
0x134: {  	s25 =	sadd.s32 s15, s11  }
0x135: {  	[tilespmem:s8], [sflag:$0x1] =	stream.linear.gather [hbm4b:s25+s8], $0x80, $0x38;
	[tilespmem:$0x1C300] =	vst v63  }
0x136: {  	s11 =	sadd.s32 s4, s11  }
0x137: {  	[tilespmem:s26], [sflag:$0x1] =	stream.linear.gather [hbm4b:s11+s8], $0x80, $0x38;
	[tilespmem:$0x1C300] =	vst v63  }
0x138: {  	_ =	swait.ge [sflag:s22], $0x80  }
0x139: {  	[sflag:s22] =	ssyncset.done $0x0  }
0x13a: {  	[sflag:s22] =	ssyncadd.s32 $0xFFFFFF80  }
0x13b: {  	_ =	swait.ge [sflag:s22], $0x80  }
0x13c: {  	[sflag:s22] =	ssyncset.done $0x0  }
.Ltmp4:
0x13d: {  	s7 =	sadd.s32 $0x300, s7;
	[sflag:s22] =	ssyncadd.s32 $0xFFFFFF80;
	(pc) =	sbr.rel .LBB2_4-.Ltmp4, $4  }
0x13e: {  	[tilespmem:s14], [sflag:$0x4] =	stream.indirect.gather [hbm4b:s2+s30], $0x80, s16, s30, $0xb8;
	[tilespmem:$0x1C300] =	vst v63  }
0x13f: {  	s18 =	simm.s32 $0x0;
	s12 =	simm.s32 $0x180;
	s26 =	simm.s32 $0x2300  }
0x140: {  	[tilespmem:s23], [sflag:$0x6] =	stream.indirect.gather [hbm4b:s2+s31], $0x80, s1, s31, $0xb8;
	[tilespmem:$0x1C300] =	vst v63  }
0x141: {  	s14 =	simm.s32 $0x100;
	s23 =	simm.s32 $0x300;
	s1 =	simm.s32 $0x140  }
.LBB2_7:
0x142: {  	_ =	sfence.sel $0x180000  }
0x143: {  	[bflag:$0x0] =	sbarrier.arrive $0xFFFF  }
0x144: {  	_ =	strace $0x9000004A  }
0x145: {  	s0 =	stileid.u32;
	[bflag:$0x2] =	sbarrier.arrive $0xFFFF  }
0x146: {  	p0 =	sne.s32 s0, $0x0;
	s0 =	rddreg [dreg:$0x3]  }
0x147: {  	s0 =	sadd.s32 @!p0 $0x100000, s0  }
0x148: {  	[sflag:s0] =	ssyncadd.tile.s32 @!p0 $0x1;
	_ =	shalt  }
.Lfunc_end2:
_tile_overlayer_lowered:
.L_overlay_start_2:
0x149: {  	(tag) =	ssettag $0x2  }
0x14a: {  	s0 =	rddreg [dreg:$0x0];
	s2 =	stileid.u32  }
0x14b: {  	s1 =	rddreg [dreg:$0x1];
	p0 =	sne.s32 s2, $0x0  }
0x14c: {  	s3 =	rddreg [dreg:$0x2];
	[bflag:$0x3] =	sbarrier.arrive $0xFFFF;
	s2 =	simm.s32 @!p0 $0x1C0C  }
0x14d: {  	[timem:s3], [sflag:s2] =	dma.local @!p0 [hbm:s0], s1  }
0x14e: {  	s0 =	simm.s32 @!p0 $0xC  }
0x14f: {  	_ =	swait.ge @!p0 [sflag:s0], s1  }
0x150: {  	s1 =	ssub.s32 @!p0 $0x0, s1;
	[sflag:s0] =	ssyncset.done @!p0 $0x0  }
0x151: {  	[sflag:s0] =	ssyncadd.s32 @!p0 s1  }
0x152: {  	[bflag:$0x3] =	sbarrier.arrive $0xFFFF  }
0x153: {  	_ =	shalt  }

</sc_bundles>
